<compile_context>
chip_gen: v7x
topology: tpu7x:2x2x1
jax: 0.10.2.dev20260603
libtpu: 0.0.44.dev20260713+nightly
codegen_flags: <defaults>
</compile_context>

<pallas_src>
import functools

import jax
import jax.numpy as jnp
from jax import lax
from jax.experimental import pallas as pl
from jax.experimental.pallas import tpu as pltpu
from jax.experimental.pallas import tpu_sc as plsc

CHUNK = 128


def kernel(indices, weight):
    B, F = indices.shape
    V, D = weight.shape
    N = B * F

    info = plsc.get_sparse_core_info()
    NC, NS = info.num_cores, info.num_subcores
    NW = NC * NS
    per_w = N // NW
    n_chunks = per_w // CHUNK
    K = 13
    G = n_chunks // K
    GROUP = K * CHUNK
    assert per_w * NW == N and n_chunks * CHUNK == per_w
    assert G * K == n_chunks and G % 2 == 0

    mesh = plsc.VectorSubcoreMesh(core_axis_name="c", subcore_axis_name="s")
    idx = indices.reshape(NW, G, K, CHUNK).astype(jnp.int32)

    @functools.partial(
        pl.kernel,
        out_type=jax.ShapeDtypeStruct((N, D), jnp.float32),
        mesh=mesh,
        scratch_types=[
            pltpu.VMEM((G, K, CHUNK), jnp.int32),
            pltpu.VMEM((2, GROUP, D), jnp.float32),
            pltpu.SemaphoreType.DMA,
            pltpu.SemaphoreType.DMA,
            pltpu.SemaphoreType.DMA,
        ],
        compiler_params=pltpu.CompilerParams(use_tc_tiling_on_sc=False),
    )
    def emb(idx_hbm, table_hbm, out_hbm, idx_v, rows_v, gsem, ssem0, ssem1):
        wid = lax.axis_index("s") * NC + lax.axis_index("c")
        base = wid * G * GROUP
        pltpu.sync_copy(idx_hbm.at[wid], idx_v)
        ssems = (ssem0, ssem1)

        def gather_group(g, b):
            descs = [
                pltpu.async_copy(
                    table_hbm.at[idx_v.at[g, k]],
                    rows_v.at[b, pl.ds(k * CHUNK, CHUNK)],
                    gsem,
                )
                for k in range(K)
            ]
            for d_ in descs:
                d_.wait()

        def fire_store(g, b):
            pltpu.async_copy(
                rows_v.at[b], out_hbm.at[pl.ds(base + g * GROUP, GROUP)], ssems[b]
            )

        def wait_store(b):
            pltpu.make_async_copy(
                rows_v.at[b], out_hbm.at[pl.ds(0, GROUP)], ssems[b]
            ).wait()

        gather_group(0, 0)
        fire_store(0, 0)
        gather_group(1, 1)
        fire_store(1, 1)

        @pl.loop(2, G, step=2)
        def _(g):
            for b in range(2):
                wait_store(b)
                gather_group(g + b, b)
                fire_store(g + b, b)

        wait_store(0)
        wait_store(1)

    out = emb(idx, weight)
    return out.reshape(B, F, D)

# --- scband reference (transcript-rebuilt; emitter-appended) ---
"""Pipeline reference for scband-embedding-82042465289069 (READ-ONLY COPY).

The authoritative reference and input builder live on the scoring server;
editing this copy changes nothing except your own understanding.
"""

import jax, jax.numpy as jnp
import numpy as np

NUM_EMBEDDINGS = 1000000
EMBEDDING_DIM = 32
BATCH = 16384
N_FIELDS = 26


def setup_inputs(seed: int = 0) -> dict:
    key = jax.random.key(seed)
    k_idx, k_w = jax.random.split(key)
    indices = jax.random.randint(k_idx, (BATCH, N_FIELDS), 0, NUM_EMBEDDINGS, dtype=jnp.int64 if jax.config.jax_enable_x64 else jnp.int32)
    weight = jax.random.normal(k_w, (NUM_EMBEDDINGS, EMBEDDING_DIM), dtype=jnp.float32) * 0.1
    return {"indices": indices, "weight": weight}


def reference(indices, weight):
    # Faithful translation of Embedding.__call__: weight[indices]
    return jnp.take(weight, indices, axis=0)

if __name__ == "__main__":
    import jax
    _d = setup_inputs()
    print(jax.jit(kernel)(*tuple(_d.values())))

</pallas_src>

<mosaic_0001>
#map = affine_map<(d0, d1) -> (0, 0, 0, 0)>
#map1 = affine_map<(d0, d1) -> (0, 0)>
module attributes {stable_mosaic.version = 14 : i64} {
  func.func @emb(%arg0: i32, %arg1: i32, %arg2: memref<32x8x13x128xi32, #tpu.memory_space<hbm>>, %arg3: memref<1000000x32xf32, #tpu.memory_space<hbm>>, %arg4: memref<425984x32xf32, #tpu.memory_space<hbm>>, %arg5: memref<8x13x128xi32, #tpu.memory_space<vmem>>, %arg6: memref<2x1664x32xf32, #tpu.memory_space<vmem>>, %arg7: memref<!tpu.dma_semaphore, #tpu.memory_space<semaphore_mem>>, %arg8: memref<!tpu.dma_semaphore, #tpu.memory_space<semaphore_mem>>, %arg9: memref<!tpu.dma_semaphore, #tpu.memory_space<semaphore_mem>>) attributes {dimension_semantics = [#tpu.dimension_semantics<core_parallel>, #tpu.dimension_semantics<subcore_parallel>], iteration_bounds = array<i64: 2, 16>, scalar_prefetch = 0 : i64, scratch_operands = 5 : i64, tpu.core_type = #tpu.core_type<sc_vector_subcore>, window_params = [{transform_indices = #map}, {transform_indices = #map1}, {transform_indices = #map1}]} {
    %mul3A = arith.constant 2 : i32
    %mul3A_0 = arith.muli %arg1, %mul3A : i32
    %add3A = arith.addi %mul3A_0, %arg0 : i32
    %mul3A_1 = arith.constant 8 : i32
    %mul3A_2 = arith.muli %add3A, %mul3A_1 : i32
    %mul3A_3 = arith.constant 1664 : i32
    %mul3A_4 = arith.muli %mul3A_2, %mul3A_3 : i32
    "tpu.region"() ({
      %run_scoped3A = tpu.sem_alloc : memref<!tpu.dma_semaphore, #tpu.memory_space<semaphore_mem>>
      %dma_start3A_743 = arith.constant 0 : i32
      %dma_start3A_744 = arith.constant 0 : i32
      %dma_start3A_745 = arith.constant 0 : i32
      %dma_start3A_746 = tpu.memref_slice %arg2[%add3A, %dma_start3A_743, %dma_start3A_744, %dma_start3A_745] : memref<32x8x13x128xi32, #tpu.memory_space<hbm>> -> memref<1x8x13x128xi32, #tpu.memory_space<hbm>>
      %dma_start3A_747 = tpu.memref_squeeze %dma_start3A_746 : memref<1x8x13x128xi32, #tpu.memory_space<hbm>> -> memref<8x13x128xi32, #tpu.memory_space<hbm>>
      %dma_start3A_748 = arith.constant 0 : i32
      %dma_start3A_749 = arith.constant 0 : i32
      %dma_start3A_750 = arith.constant 0 : i32
      %dma_start3A_751 = tpu.memref_slice %arg2[%add3A, %dma_start3A_748, %dma_start3A_749, %dma_start3A_750] : memref<32x8x13x128xi32, #tpu.memory_space<hbm>> -> memref<1x8x13x128xi32, #tpu.memory_space<hbm>>
      %dma_start3A_752 = tpu.memref_squeeze %dma_start3A_751 : memref<1x8x13x128xi32, #tpu.memory_space<hbm>> -> memref<8x13x128xi32, #tpu.memory_space<hbm>>
      tpu.enqueue_dma source(%dma_start3A_752 : memref<8x13x128xi32, #tpu.memory_space<hbm>>) target(%arg5 : memref<8x13x128xi32, #tpu.memory_space<vmem>>) target_semaphore(%run_scoped3A : memref<!tpu.dma_semaphore, #tpu.memory_space<semaphore_mem>>)
      %dma_wait3A_753 = arith.constant 0 : i32
      %dma_wait3A_754 = arith.constant 0 : i32
      %dma_wait3A_755 = arith.constant 0 : i32
      %dma_wait3A_756 = tpu.memref_slice %arg2[%add3A, %dma_wait3A_753, %dma_wait3A_754, %dma_wait3A_755] : memref<32x8x13x128xi32, #tpu.memory_space<hbm>> -> memref<1x8x13x128xi32, #tpu.memory_space<hbm>>
      %dma_wait3A_757 = tpu.memref_squeeze %dma_wait3A_756 : memref<1x8x13x128xi32, #tpu.memory_space<hbm>> -> memref<8x13x128xi32, #tpu.memory_space<hbm>>
      %dma_wait3A_758 = arith.constant 0 : i32
      %dma_wait3A_759 = arith.constant 0 : i32
      %dma_wait3A_760 = arith.constant 0 : i32
      %dma_wait3A_761 = tpu.memref_slice %arg2[%add3A, %dma_wait3A_758, %dma_wait3A_759, %dma_wait3A_760] : memref<32x8x13x128xi32, #tpu.memory_space<hbm>> -> memref<1x8x13x128xi32, #tpu.memory_space<hbm>>
      %dma_wait3A_762 = tpu.memref_squeeze %dma_wait3A_761 : memref<1x8x13x128xi32, #tpu.memory_space<hbm>> -> memref<8x13x128xi32, #tpu.memory_space<hbm>>
      tpu.wait_dma2 semaphore(%run_scoped3A : memref<!tpu.dma_semaphore, #tpu.memory_space<semaphore_mem>>) src(%dma_wait3A_762 : memref<8x13x128xi32, #tpu.memory_space<hbm>>) dst(%arg5 : memref<8x13x128xi32, #tpu.memory_space<vmem>>)
      tpu.yield
    }) : () -> ()
    %dma_start3A = arith.constant 0 : i32
    %dma_start3A_5 = arith.constant 0 : i32
    %dma_start3A_6 = arith.constant 0 : i32
    %dma_start3A_7 = arith.constant 0 : i32
    %dma_start3A_8 = arith.constant 0 : i32
    %dma_start3A_9 = tpu.memref_slice %arg6[%dma_start3A_6, %dma_start3A_7, %dma_start3A_8] : memref<2x1664x32xf32, #tpu.memory_space<vmem>> -> memref<1x128x32xf32, #tpu.memory_space<vmem>>
    %dma_start3A_10 = tpu.memref_squeeze %dma_start3A_9 : memref<1x128x32xf32, #tpu.memory_space<vmem>> -> memref<128x32xf32, #tpu.memory_space<vmem>>
    %dma_start3A_11 = arith.constant 0 : i32
    %dma_start3A_12 = tpu.memref_slice %arg5[%dma_start3A, %dma_start3A_5, %dma_start3A_11] : memref<8x13x128xi32, #tpu.memory_space<vmem>> -> memref<1x1x128xi32, #tpu.memory_space<vmem>>
    %dma_start3A_13 = tpu.memref_squeeze %dma_start3A_12 : memref<1x1x128xi32, #tpu.memory_space<vmem>> -> memref<128xi32, #tpu.memory_space<vmem>>
    %dma_start3A_14 = arith.constant 0 : i32
    %dma_start3A_15 = arith.constant 0 : i32
    %dma_start3A_16 = tpu.memref_slice %arg3[%dma_start3A_14, %dma_start3A_15] : memref<1000000x32xf32, #tpu.memory_space<hbm>> -> memref<1000000x32xf32, #tpu.memory_space<hbm>>
    tpu.enqueue_indirect_dma source(%dma_start3A_16 : memref<1000000x32xf32, #tpu.memory_space<hbm>>) target(%dma_start3A_10 : memref<128x32xf32, #tpu.memory_space<vmem>>) offsets(%dma_start3A_13 : memref<128xi32, #tpu.memory_space<vmem>>) semaphore(%arg7 : memref<!tpu.dma_semaphore, #tpu.memory_space<semaphore_mem>>)
    %dma_start3A_17 = arith.constant 0 : i32
    %dma_start3A_18 = arith.constant 1 : i32
    %dma_start3A_19 = arith.constant 0 : i32
    %dma_start3A_20 = arith.constant 128 : i32
    %dma_start3A_21 = arith.constant 0 : i32
    %dma_start3A_22 = tpu.memref_slice %arg6[%dma_start3A_19, %dma_start3A_20, %dma_start3A_21] : memref<2x1664x32xf32, #tpu.memory_space<vmem>> -> memref<1x128x32xf32, #tpu.memory_space<vmem>>
    %dma_start3A_23 = tpu.memref_squeeze %dma_start3A_22 : memref<1x128x32xf32, #tpu.memory_space<vmem>> -> memref<128x32xf32, #tpu.memory_space<vmem>>
    %dma_start3A_24 = arith.constant 0 : i32
    %dma_start3A_25 = tpu.memref_slice %arg5[%dma_start3A_17, %dma_start3A_18, %dma_start3A_24] : memref<8x13x128xi32, #tpu.memory_space<vmem>> -> memref<1x1x128xi32, #tpu.memory_space<vmem>>
    %dma_start3A_26 = tpu.memref_squeeze %dma_start3A_25 : memref<1x1x128xi32, #tpu.memory_space<vmem>> -> memref<128xi32, #tpu.memory_space<vmem>>
    %dma_start3A_27 = arith.constant 0 : i32
    %dma_start3A_28 = arith.constant 0 : i32
    %dma_start3A_29 = tpu.memref_slice %arg3[%dma_start3A_27, %dma_start3A_28] : memref<1000000x32xf32, #tpu.memory_space<hbm>> -> memref<1000000x32xf32, #tpu.memory_space<hbm>>
    tpu.enqueue_indirect_dma source(%dma_start3A_29 : memref<1000000x32xf32, #tpu.memory_space<hbm>>) target(%dma_start3A_23 : memref<128x32xf32, #tpu.memory_space<vmem>>) offsets(%dma_start3A_26 : memref<128xi32, #tpu.memory_space<vmem>>) semaphore(%arg7 : memref<!tpu.dma_semaphore, #tpu.memory_space<semaphore_mem>>)
    %dma_start3A_30 = arith.constant 0 : i32
    %dma_start3A_31 = arith.constant 2 : i32
    %dma_start3A_32 = arith.constant 0 : i32
    %dma_start3A_33 = arith.constant 256 : i32
    %dma_start3A_34 = arith.constant 0 : i32
    %dma_start3A_35 = tpu.memref_slice %arg6[%dma_start3A_32, %dma_start3A_33, %dma_start3A_34] : memref<2x1664x32xf32, #tpu.memory_space<vmem>> -> memref<1x128x32xf32, #tpu.memory_space<vmem>>
    %dma_start3A_36 = tpu.memref_squeeze %dma_start3A_35 : memref<1x128x32xf32, #tpu.memory_space<vmem>> -> memref<128x32xf32, #tpu.memory_space<vmem>>
    %dma_start3A_37 = arith.constant 0 : i32
    %dma_start3A_38 = tpu.memref_slice %arg5[%dma_start3A_30, %dma_start3A_31, %dma_start3A_37] : memref<8x13x128xi32, #tpu.memory_space<vmem>> -> memref<1x1x128xi32, #tpu.memory_space<vmem>>
    %dma_start3A_39 = tpu.memref_squeeze %dma_start3A_38 : memref<1x1x128xi32, #tpu.memory_space<vmem>> -> memref<128xi32, #tpu.memory_space<vmem>>
    %dma_start3A_40 = arith.constant 0 : i32
    %dma_start3A_41 = arith.constant 0 : i32
    %dma_start3A_42 = tpu.memref_slice %arg3[%dma_start3A_40, %dma_start3A_41] : memref<1000000x32xf32, #tpu.memory_space<hbm>> -> memref<1000000x32xf32, #tpu.memory_space<hbm>>
    tpu.enqueue_indirect_dma source(%dma_start3A_42 : memref<1000000x32xf32, #tpu.memory_space<hbm>>) target(%dma_start3A_36 : memref<128x32xf32, #tpu.memory_space<vmem>>) offsets(%dma_start3A_39 : memref<128xi32, #tpu.memory_space<vmem>>) semaphore(%arg7 : memref<!tpu.dma_semaphore, #tpu.memory_space<semaphore_mem>>)
    %dma_start3A_43 = arith.constant 0 : i32
    %dma_start3A_44 = arith.constant 3 : i32
    %dma_start3A_45 = arith.constant 0 : i32
    %dma_start3A_46 = arith.constant 384 : i32
    %dma_start3A_47 = arith.constant 0 : i32
    %dma_start3A_48 = tpu.memref_slice %arg6[%dma_start3A_45, %dma_start3A_46, %dma_start3A_47] : memref<2x1664x32xf32, #tpu.memory_space<vmem>> -> memref<1x128x32xf32, #tpu.memory_space<vmem>>
    %dma_start3A_49 = tpu.memref_squeeze %dma_start3A_48 : memref<1x128x32xf32, #tpu.memory_space<vmem>> -> memref<128x32xf32, #tpu.memory_space<vmem>>
    %dma_start3A_50 = arith.constant 0 : i32
    %dma_start3A_51 = tpu.memref_slice %arg5[%dma_start3A_43, %dma_start3A_44, %dma_start3A_50] : memref<8x13x128xi32, #tpu.memory_space<vmem>> -> memref<1x1x128xi32, #tpu.memory_space<vmem>>
    %dma_start3A_52 = tpu.memref_squeeze %dma_start3A_51 : memref<1x1x128xi32, #tpu.memory_space<vmem>> -> memref<128xi32, #tpu.memory_space<vmem>>
    %dma_start3A_53 = arith.constant 0 : i32
    %dma_start3A_54 = arith.constant 0 : i32
    %dma_start3A_55 = tpu.memref_slice %arg3[%dma_start3A_53, %dma_start3A_54] : memref<1000000x32xf32, #tpu.memory_space<hbm>> -> memref<1000000x32xf32, #tpu.memory_space<hbm>>
    tpu.enqueue_indirect_dma source(%dma_start3A_55 : memref<1000000x32xf32, #tpu.memory_space<hbm>>) target(%dma_start3A_49 : memref<128x32xf32, #tpu.memory_space<vmem>>) offsets(%dma_start3A_52 : memref<128xi32, #tpu.memory_space<vmem>>) semaphore(%arg7 : memref<!tpu.dma_semaphore, #tpu.memory_space<semaphore_mem>>)
    %dma_start3A_56 = arith.constant 0 : i32
    %dma_start3A_57 = arith.constant 4 : i32
    %dma_start3A_58 = arith.constant 0 : i32
    %dma_start3A_59 = arith.constant 512 : i32
    %dma_start3A_60 = arith.constant 0 : i32
    %dma_start3A_61 = tpu.memref_slice %arg6[%dma_start3A_58, %dma_start3A_59, %dma_start3A_60] : memref<2x1664x32xf32, #tpu.memory_space<vmem>> -> memref<1x128x32xf32, #tpu.memory_space<vmem>>
    %dma_start3A_62 = tpu.memref_squeeze %dma_start3A_61 : memref<1x128x32xf32, #tpu.memory_space<vmem>> -> memref<128x32xf32, #tpu.memory_space<vmem>>
    %dma_start3A_63 = arith.constant 0 : i32
    %dma_start3A_64 = tpu.memref_slice %arg5[%dma_start3A_56, %dma_start3A_57, %dma_start3A_63] : memref<8x13x128xi32, #tpu.memory_space<vmem>> -> memref<1x1x128xi32, #tpu.memory_space<vmem>>
    %dma_start3A_65 = tpu.memref_squeeze %dma_start3A_64 : memref<1x1x128xi32, #tpu.memory_space<vmem>> -> memref<128xi32, #tpu.memory_space<vmem>>
    %dma_start3A_66 = arith.constant 0 : i32
    %dma_start3A_67 = arith.constant 0 : i32
    %dma_start3A_68 = tpu.memref_slice %arg3[%dma_start3A_66, %dma_start3A_67] : memref<1000000x32xf32, #tpu.memory_space<hbm>> -> memref<1000000x32xf32, #tpu.memory_space<hbm>>
    tpu.enqueue_indirect_dma source(%dma_start3A_68 : memref<1000000x32xf32, #tpu.memory_space<hbm>>) target(%dma_start3A_62 : memref<128x32xf32, #tpu.memory_space<vmem>>) offsets(%dma_start3A_65 : memref<128xi32, #tpu.memory_space<vmem>>) semaphore(%arg7 : memref<!tpu.dma_semaphore, #tpu.memory_space<semaphore_mem>>)
    %dma_start3A_69 = arith.constant 0 : i32
    %dma_start3A_70 = arith.constant 5 : i32
    %dma_start3A_71 = arith.constant 0 : i32
    %dma_start3A_72 = arith.constant 640 : i32
    %dma_start3A_73 = arith.constant 0 : i32
    %dma_start3A_74 = tpu.memref_slice %arg6[%dma_start3A_71, %dma_start3A_72, %dma_start3A_73] : memref<2x1664x32xf32, #tpu.memory_space<vmem>> -> memref<1x128x32xf32, #tpu.memory_space<vmem>>
    %dma_start3A_75 = tpu.memref_squeeze %dma_start3A_74 : memref<1x128x32xf32, #tpu.memory_space<vmem>> -> memref<128x32xf32, #tpu.memory_space<vmem>>
    %dma_start3A_76 = arith.constant 0 : i32
    %dma_start3A_77 = tpu.memref_slice %arg5[%dma_start3A_69, %dma_start3A_70, %dma_start3A_76] : memref<8x13x128xi32, #tpu.memory_space<vmem>> -> memref<1x1x128xi32, #tpu.memory_space<vmem>>
    %dma_start3A_78 = tpu.memref_squeeze %dma_start3A_77 : memref<1x1x128xi32, #tpu.memory_space<vmem>> -> memref<128xi32, #tpu.memory_space<vmem>>
    %dma_start3A_79 = arith.constant 0 : i32
    %dma_start3A_80 = arith.constant 0 : i32
    %dma_start3A_81 = tpu.memref_slice %arg3[%dma_start3A_79, %dma_start3A_80] : memref<1000000x32xf32, #tpu.memory_space<hbm>> -> memref<1000000x32xf32, #tpu.memory_space<hbm>>
    tpu.enqueue_indirect_dma source(%dma_start3A_81 : memref<1000000x32xf32, #tpu.memory_space<hbm>>) target(%dma_start3A_75 : memref<128x32xf32, #tpu.memory_space<vmem>>) offsets(%dma_start3A_78 : memref<128xi32, #tpu.memory_space<vmem>>) semaphore(%arg7 : memref<!tpu.dma_semaphore, #tpu.memory_space<semaphore_mem>>)
    %dma_start3A_82 = arith.constant 0 : i32
    %dma_start3A_83 = arith.constant 6 : i32
    %dma_start3A_84 = arith.constant 0 : i32
    %dma_start3A_85 = arith.constant 768 : i32
    %dma_start3A_86 = arith.constant 0 : i32
    %dma_start3A_87 = tpu.memref_slice %arg6[%dma_start3A_84, %dma_start3A_85, %dma_start3A_86] : memref<2x1664x32xf32, #tpu.memory_space<vmem>> -> memref<1x128x32xf32, #tpu.memory_space<vmem>>
    %dma_start3A_88 = tpu.memref_squeeze %dma_start3A_87 : memref<1x128x32xf32, #tpu.memory_space<vmem>> -> memref<128x32xf32, #tpu.memory_space<vmem>>
    %dma_start3A_89 = arith.constant 0 : i32
    %dma_start3A_90 = tpu.memref_slice %arg5[%dma_start3A_82, %dma_start3A_83, %dma_start3A_89] : memref<8x13x128xi32, #tpu.memory_space<vmem>> -> memref<1x1x128xi32, #tpu.memory_space<vmem>>
    %dma_start3A_91 = tpu.memref_squeeze %dma_start3A_90 : memref<1x1x128xi32, #tpu.memory_space<vmem>> -> memref<128xi32, #tpu.memory_space<vmem>>
    %dma_start3A_92 = arith.constant 0 : i32
    %dma_start3A_93 = arith.constant 0 : i32
    %dma_start3A_94 = tpu.memref_slice %arg3[%dma_start3A_92, %dma_start3A_93] : memref<1000000x32xf32, #tpu.memory_space<hbm>> -> memref<1000000x32xf32, #tpu.memory_space<hbm>>
    tpu.enqueue_indirect_dma source(%dma_start3A_94 : memref<1000000x32xf32, #tpu.memory_space<hbm>>) target(%dma_start3A_88 : memref<128x32xf32, #tpu.memory_space<vmem>>) offsets(%dma_start3A_91 : memref<128xi32, #tpu.memory_space<vmem>>) semaphore(%arg7 : memref<!tpu.dma_semaphore, #tpu.memory_space<semaphore_mem>>)
    %dma_start3A_95 = arith.constant 0 : i32
    %dma_start3A_96 = arith.constant 7 : i32
    %dma_start3A_97 = arith.constant 0 : i32
    %dma_start3A_98 = arith.constant 896 : i32
    %dma_start3A_99 = arith.constant 0 : i32
    %dma_start3A_100 = tpu.memref_slice %arg6[%dma_start3A_97, %dma_start3A_98, %dma_start3A_99] : memref<2x1664x32xf32, #tpu.memory_space<vmem>> -> memref<1x128x32xf32, #tpu.memory_space<vmem>>
    %dma_start3A_101 = tpu.memref_squeeze %dma_start3A_100 : memref<1x128x32xf32, #tpu.memory_space<vmem>> -> memref<128x32xf32, #tpu.memory_space<vmem>>
    %dma_start3A_102 = arith.constant 0 : i32
    %dma_start3A_103 = tpu.memref_slice %arg5[%dma_start3A_95, %dma_start3A_96, %dma_start3A_102] : memref<8x13x128xi32, #tpu.memory_space<vmem>> -> memref<1x1x128xi32, #tpu.memory_space<vmem>>
    %dma_start3A_104 = tpu.memref_squeeze %dma_start3A_103 : memref<1x1x128xi32, #tpu.memory_space<vmem>> -> memref<128xi32, #tpu.memory_space<vmem>>
    %dma_start3A_105 = arith.constant 0 : i32
    %dma_start3A_106 = arith.constant 0 : i32
    %dma_start3A_107 = tpu.memref_slice %arg3[%dma_start3A_105, %dma_start3A_106] : memref<1000000x32xf32, #tpu.memory_space<hbm>> -> memref<1000000x32xf32, #tpu.memory_space<hbm>>
    tpu.enqueue_indirect_dma source(%dma_start3A_107 : memref<1000000x32xf32, #tpu.memory_space<hbm>>) target(%dma_start3A_101 : memref<128x32xf32, #tpu.memory_space<vmem>>) offsets(%dma_start3A_104 : memref<128xi32, #tpu.memory_space<vmem>>) semaphore(%arg7 : memref<!tpu.dma_semaphore, #tpu.memory_space<semaphore_mem>>)
    %dma_start3A_108 = arith.constant 0 : i32
    %dma_start3A_109 = arith.constant 8 : i32
    %dma_start3A_110 = arith.constant 0 : i32
    %dma_start3A_111 = arith.constant 1024 : i32
    %dma_start3A_112 = arith.constant 0 : i32
    %dma_start3A_113 = tpu.memref_slice %arg6[%dma_start3A_110, %dma_start3A_111, %dma_start3A_112] : memref<2x1664x32xf32, #tpu.memory_space<vmem>> -> memref<1x128x32xf32, #tpu.memory_space<vmem>>
    %dma_start3A_114 = tpu.memref_squeeze %dma_start3A_113 : memref<1x128x32xf32, #tpu.memory_space<vmem>> -> memref<128x32xf32, #tpu.memory_space<vmem>>
    %dma_start3A_115 = arith.constant 0 : i32
    %dma_start3A_116 = tpu.memref_slice %arg5[%dma_start3A_108, %dma_start3A_109, %dma_start3A_115] : memref<8x13x128xi32, #tpu.memory_space<vmem>> -> memref<1x1x128xi32, #tpu.memory_space<vmem>>
    %dma_start3A_117 = tpu.memref_squeeze %dma_start3A_116 : memref<1x1x128xi32, #tpu.memory_space<vmem>> -> memref<128xi32, #tpu.memory_space<vmem>>
    %dma_start3A_118 = arith.constant 0 : i32
    %dma_start3A_119 = arith.constant 0 : i32
    %dma_start3A_120 = tpu.memref_slice %arg3[%dma_start3A_118, %dma_start3A_119] : memref<1000000x32xf32, #tpu.memory_space<hbm>> -> memref<1000000x32xf32, #tpu.memory_space<hbm>>
    tpu.enqueue_indirect_dma source(%dma_start3A_120 : memref<1000000x32xf32, #tpu.memory_space<hbm>>) target(%dma_start3A_114 : memref<128x32xf32, #tpu.memory_space<vmem>>) offsets(%dma_start3A_117 : memref<128xi32, #tpu.memory_space<vmem>>) semaphore(%arg7 : memref<!tpu.dma_semaphore, #tpu.memory_space<semaphore_mem>>)
    %dma_start3A_121 = arith.constant 0 : i32
    %dma_start3A_122 = arith.constant 9 : i32
    %dma_start3A_123 = arith.constant 0 : i32
    %dma_start3A_124 = arith.constant 1152 : i32
    %dma_start3A_125 = arith.constant 0 : i32
    %dma_start3A_126 = tpu.memref_slice %arg6[%dma_start3A_123, %dma_start3A_124, %dma_start3A_125] : memref<2x1664x32xf32, #tpu.memory_space<vmem>> -> memref<1x128x32xf32, #tpu.memory_space<vmem>>
    %dma_start3A_127 = tpu.memref_squeeze %dma_start3A_126 : memref<1x128x32xf32, #tpu.memory_space<vmem>> -> memref<128x32xf32, #tpu.memory_space<vmem>>
    %dma_start3A_128 = arith.constant 0 : i32
    %dma_start3A_129 = tpu.memref_slice %arg5[%dma_start3A_121, %dma_start3A_122, %dma_start3A_128] : memref<8x13x128xi32, #tpu.memory_space<vmem>> -> memref<1x1x128xi32, #tpu.memory_space<vmem>>
    %dma_start3A_130 = tpu.memref_squeeze %dma_start3A_129 : memref<1x1x128xi32, #tpu.memory_space<vmem>> -> memref<128xi32, #tpu.memory_space<vmem>>
    %dma_start3A_131 = arith.constant 0 : i32
    %dma_start3A_132 = arith.constant 0 : i32
    %dma_start3A_133 = tpu.memref_slice %arg3[%dma_start3A_131, %dma_start3A_132] : memref<1000000x32xf32, #tpu.memory_space<hbm>> -> memref<1000000x32xf32, #tpu.memory_space<hbm>>
    tpu.enqueue_indirect_dma source(%dma_start3A_133 : memref<1000000x32xf32, #tpu.memory_space<hbm>>) target(%dma_start3A_127 : memref<128x32xf32, #tpu.memory_space<vmem>>) offsets(%dma_start3A_130 : memref<128xi32, #tpu.memory_space<vmem>>) semaphore(%arg7 : memref<!tpu.dma_semaphore, #tpu.memory_space<semaphore_mem>>)
    %dma_start3A_134 = arith.constant 0 : i32
    %dma_start3A_135 = arith.constant 10 : i32
    %dma_start3A_136 = arith.constant 0 : i32
    %dma_start3A_137 = arith.constant 1280 : i32
    %dma_start3A_138 = arith.constant 0 : i32
    %dma_start3A_139 = tpu.memref_slice %arg6[%dma_start3A_136, %dma_start3A_137, %dma_start3A_138] : memref<2x1664x32xf32, #tpu.memory_space<vmem>> -> memref<1x128x32xf32, #tpu.memory_space<vmem>>
    %dma_start3A_140 = tpu.memref_squeeze %dma_start3A_139 : memref<1x128x32xf32, #tpu.memory_space<vmem>> -> memref<128x32xf32, #tpu.memory_space<vmem>>
    %dma_start3A_141 = arith.constant 0 : i32
    %dma_start3A_142 = tpu.memref_slice %arg5[%dma_start3A_134, %dma_start3A_135, %dma_start3A_141] : memref<8x13x128xi32, #tpu.memory_space<vmem>> -> memref<1x1x128xi32, #tpu.memory_space<vmem>>
    %dma_start3A_143 = tpu.memref_squeeze %dma_start3A_142 : memref<1x1x128xi32, #tpu.memory_space<vmem>> -> memref<128xi32, #tpu.memory_space<vmem>>
    %dma_start3A_144 = arith.constant 0 : i32
    %dma_start3A_145 = arith.constant 0 : i32
    %dma_start3A_146 = tpu.memref_slice %arg3[%dma_start3A_144, %dma_start3A_145] : memref<1000000x32xf32, #tpu.memory_space<hbm>> -> memref<1000000x32xf32, #tpu.memory_space<hbm>>
    tpu.enqueue_indirect_dma source(%dma_start3A_146 : memref<1000000x32xf32, #tpu.memory_space<hbm>>) target(%dma_start3A_140 : memref<128x32xf32, #tpu.memory_space<vmem>>) offsets(%dma_start3A_143 : memref<128xi32, #tpu.memory_space<vmem>>) semaphore(%arg7 : memref<!tpu.dma_semaphore, #tpu.memory_space<semaphore_mem>>)
    %dma_start3A_147 = arith.constant 0 : i32
    %dma_start3A_148 = arith.constant 11 : i32
    %dma_start3A_149 = arith.constant 0 : i32
    %dma_start3A_150 = arith.constant 1408 : i32
    %dma_start3A_151 = arith.constant 0 : i32
    %dma_start3A_152 = tpu.memref_slice %arg6[%dma_start3A_149, %dma_start3A_150, %dma_start3A_151] : memref<2x1664x32xf32, #tpu.memory_space<vmem>> -> memref<1x128x32xf32, #tpu.memory_space<vmem>>
    %dma_start3A_153 = tpu.memref_squeeze %dma_start3A_152 : memref<1x128x32xf32, #tpu.memory_space<vmem>> -> memref<128x32xf32, #tpu.memory_space<vmem>>
    %dma_start3A_154 = arith.constant 0 : i32
    %dma_start3A_155 = tpu.memref_slice %arg5[%dma_start3A_147, %dma_start3A_148, %dma_start3A_154] : memref<8x13x128xi32, #tpu.memory_space<vmem>> -> memref<1x1x128xi32, #tpu.memory_space<vmem>>
    %dma_start3A_156 = tpu.memref_squeeze %dma_start3A_155 : memref<1x1x128xi32, #tpu.memory_space<vmem>> -> memref<128xi32, #tpu.memory_space<vmem>>
    %dma_start3A_157 = arith.constant 0 : i32
    %dma_start3A_158 = arith.constant 0 : i32
    %dma_start3A_159 = tpu.memref_slice %arg3[%dma_start3A_157, %dma_start3A_158] : memref<1000000x32xf32, #tpu.memory_space<hbm>> -> memref<1000000x32xf32, #tpu.memory_space<hbm>>
    tpu.enqueue_indirect_dma source(%dma_start3A_159 : memref<1000000x32xf32, #tpu.memory_space<hbm>>) target(%dma_start3A_153 : memref<128x32xf32, #tpu.memory_space<vmem>>) offsets(%dma_start3A_156 : memref<128xi32, #tpu.memory_space<vmem>>) semaphore(%arg7 : memref<!tpu.dma_semaphore, #tpu.memory_space<semaphore_mem>>)
    %dma_start3A_160 = arith.constant 0 : i32
    %dma_start3A_161 = arith.constant 12 : i32
    %dma_start3A_162 = arith.constant 0 : i32
    %dma_start3A_163 = arith.constant 1536 : i32
    %dma_start3A_164 = arith.constant 0 : i32
    %dma_start3A_165 = tpu.memref_slice %arg6[%dma_start3A_162, %dma_start3A_163, %dma_start3A_164] : memref<2x1664x32xf32, #tpu.memory_space<vmem>> -> memref<1x128x32xf32, #tpu.memory_space<vmem>>
    %dma_start3A_166 = tpu.memref_squeeze %dma_start3A_165 : memref<1x128x32xf32, #tpu.memory_space<vmem>> -> memref<128x32xf32, #tpu.memory_space<vmem>>
    %dma_start3A_167 = arith.constant 0 : i32
    %dma_start3A_168 = tpu.memref_slice %arg5[%dma_start3A_160, %dma_start3A_161, %dma_start3A_167] : memref<8x13x128xi32, #tpu.memory_space<vmem>> -> memref<1x1x128xi32, #tpu.memory_space<vmem>>
    %dma_start3A_169 = tpu.memref_squeeze %dma_start3A_168 : memref<1x1x128xi32, #tpu.memory_space<vmem>> -> memref<128xi32, #tpu.memory_space<vmem>>
    %dma_start3A_170 = arith.constant 0 : i32
    %dma_start3A_171 = arith.constant 0 : i32
    %dma_start3A_172 = tpu.memref_slice %arg3[%dma_start3A_170, %dma_start3A_171] : memref<1000000x32xf32, #tpu.memory_space<hbm>> -> memref<1000000x32xf32, #tpu.memory_space<hbm>>
    tpu.enqueue_indirect_dma source(%dma_start3A_172 : memref<1000000x32xf32, #tpu.memory_space<hbm>>) target(%dma_start3A_166 : memref<128x32xf32, #tpu.memory_space<vmem>>) offsets(%dma_start3A_169 : memref<128xi32, #tpu.memory_space<vmem>>) semaphore(%arg7 : memref<!tpu.dma_semaphore, #tpu.memory_space<semaphore_mem>>)
    %dma_wait3A = arith.constant 0 : i32
    %dma_wait3A_173 = arith.constant 0 : i32
    %dma_wait3A_174 = arith.constant 0 : i32
    %dma_wait3A_175 = arith.constant 0 : i32
    %dma_wait3A_176 = arith.constant 0 : i32
    %dma_wait3A_177 = tpu.memref_slice %arg6[%dma_wait3A_174, %dma_wait3A_175, %dma_wait3A_176] : memref<2x1664x32xf32, #tpu.memory_space<vmem>> -> memref<1x128x32xf32, #tpu.memory_space<vmem>>
    %dma_wait3A_178 = tpu.memref_squeeze %dma_wait3A_177 : memref<1x128x32xf32, #tpu.memory_space<vmem>> -> memref<128x32xf32, #tpu.memory_space<vmem>>
    %dma_wait3A_179 = arith.constant 0 : i32
    %dma_wait3A_180 = tpu.memref_slice %arg5[%dma_wait3A, %dma_wait3A_173, %dma_wait3A_179] : memref<8x13x128xi32, #tpu.memory_space<vmem>> -> memref<1x1x128xi32, #tpu.memory_space<vmem>>
    %dma_wait3A_181 = tpu.memref_squeeze %dma_wait3A_180 : memref<1x1x128xi32, #tpu.memory_space<vmem>> -> memref<128xi32, #tpu.memory_space<vmem>>
    %dma_wait3A_182 = arith.constant 0 : i32
    %dma_wait3A_183 = arith.constant 0 : i32
    %dma_wait3A_184 = tpu.memref_slice %arg3[%dma_wait3A_182, %dma_wait3A_183] : memref<1000000x32xf32, #tpu.memory_space<hbm>> -> memref<1000000x32xf32, #tpu.memory_space<hbm>>
    tpu.wait_indirect_dma semaphore(%arg7 : memref<!tpu.dma_semaphore, #tpu.memory_space<semaphore_mem>>) src(%dma_wait3A_184 : memref<1000000x32xf32, #tpu.memory_space<hbm>>) dst(%dma_wait3A_178 : memref<128x32xf32, #tpu.memory_space<vmem>>)
    %dma_wait3A_185 = arith.constant 0 : i32
    %dma_wait3A_186 = arith.constant 1 : i32
    %dma_wait3A_187 = arith.constant 0 : i32
    %dma_wait3A_188 = arith.constant 128 : i32
    %dma_wait3A_189 = arith.constant 0 : i32
    %dma_wait3A_190 = tpu.memref_slice %arg6[%dma_wait3A_187, %dma_wait3A_188, %dma_wait3A_189] : memref<2x1664x32xf32, #tpu.memory_space<vmem>> -> memref<1x128x32xf32, #tpu.memory_space<vmem>>
    %dma_wait3A_191 = tpu.memref_squeeze %dma_wait3A_190 : memref<1x128x32xf32, #tpu.memory_space<vmem>> -> memref<128x32xf32, #tpu.memory_space<vmem>>
    %dma_wait3A_192 = arith.constant 0 : i32
    %dma_wait3A_193 = tpu.memref_slice %arg5[%dma_wait3A_185, %dma_wait3A_186, %dma_wait3A_192] : memref<8x13x128xi32, #tpu.memory_space<vmem>> -> memref<1x1x128xi32, #tpu.memory_space<vmem>>
    %dma_wait3A_194 = tpu.memref_squeeze %dma_wait3A_193 : memref<1x1x128xi32, #tpu.memory_space<vmem>> -> memref<128xi32, #tpu.memory_space<vmem>>
    %dma_wait3A_195 = arith.constant 0 : i32
    %dma_wait3A_196 = arith.constant 0 : i32
    %dma_wait3A_197 = tpu.memref_slice %arg3[%dma_wait3A_195, %dma_wait3A_196] : memref<1000000x32xf32, #tpu.memory_space<hbm>> -> memref<1000000x32xf32, #tpu.memory_space<hbm>>
    tpu.wait_indirect_dma semaphore(%arg7 : memref<!tpu.dma_semaphore, #tpu.memory_space<semaphore_mem>>) src(%dma_wait3A_197 : memref<1000000x32xf32, #tpu.memory_space<hbm>>) dst(%dma_wait3A_191 : memref<128x32xf32, #tpu.memory_space<vmem>>)
    %dma_wait3A_198 = arith.constant 0 : i32
    %dma_wait3A_199 = arith.constant 2 : i32
    %dma_wait3A_200 = arith.constant 0 : i32
    %dma_wait3A_201 = arith.constant 256 : i32
    %dma_wait3A_202 = arith.constant 0 : i32
    %dma_wait3A_203 = tpu.memref_slice %arg6[%dma_wait3A_200, %dma_wait3A_201, %dma_wait3A_202] : memref<2x1664x32xf32, #tpu.memory_space<vmem>> -> memref<1x128x32xf32, #tpu.memory_space<vmem>>
    %dma_wait3A_204 = tpu.memref_squeeze %dma_wait3A_203 : memref<1x128x32xf32, #tpu.memory_space<vmem>> -> memref<128x32xf32, #tpu.memory_space<vmem>>
    %dma_wait3A_205 = arith.constant 0 : i32
    %dma_wait3A_206 = tpu.memref_slice %arg5[%dma_wait3A_198, %dma_wait3A_199, %dma_wait3A_205] : memref<8x13x128xi32, #tpu.memory_space<vmem>> -> memref<1x1x128xi32, #tpu.memory_space<vmem>>
    %dma_wait3A_207 = tpu.memref_squeeze %dma_wait3A_206 : memref<1x1x128xi32, #tpu.memory_space<vmem>> -> memref<128xi32, #tpu.memory_space<vmem>>
    %dma_wait3A_208 = arith.constant 0 : i32
    %dma_wait3A_209 = arith.constant 0 : i32
    %dma_wait3A_210 = tpu.memref_slice %arg3[%dma_wait3A_208, %dma_wait3A_209] : memref<1000000x32xf32, #tpu.memory_space<hbm>> -> memref<1000000x32xf32, #tpu.memory_space<hbm>>
    tpu.wait_indirect_dma semaphore(%arg7 : memref<!tpu.dma_semaphore, #tpu.memory_space<semaphore_mem>>) src(%dma_wait3A_210 : memref<1000000x32xf32, #tpu.memory_space<hbm>>) dst(%dma_wait3A_204 : memref<128x32xf32, #tpu.memory_space<vmem>>)
    %dma_wait3A_211 = arith.constant 0 : i32
    %dma_wait3A_212 = arith.constant 3 : i32
    %dma_wait3A_213 = arith.constant 0 : i32
    %dma_wait3A_214 = arith.constant 384 : i32
    %dma_wait3A_215 = arith.constant 0 : i32
    %dma_wait3A_216 = tpu.memref_slice %arg6[%dma_wait3A_213, %dma_wait3A_214, %dma_wait3A_215] : memref<2x1664x32xf32, #tpu.memory_space<vmem>> -> memref<1x128x32xf32, #tpu.memory_space<vmem>>
    %dma_wait3A_217 = tpu.memref_squeeze %dma_wait3A_216 : memref<1x128x32xf32, #tpu.memory_space<vmem>> -> memref<128x32xf32, #tpu.memory_space<vmem>>
    %dma_wait3A_218 = arith.constant 0 : i32
    %dma_wait3A_219 = tpu.memref_slice %arg5[%dma_wait3A_211, %dma_wait3A_212, %dma_wait3A_218] : memref<8x13x128xi32, #tpu.memory_space<vmem>> -> memref<1x1x128xi32, #tpu.memory_space<vmem>>
    %dma_wait3A_220 = tpu.memref_squeeze %dma_wait3A_219 : memref<1x1x128xi32, #tpu.memory_space<vmem>> -> memref<128xi32, #tpu.memory_space<vmem>>
    %dma_wait3A_221 = arith.constant 0 : i32
    %dma_wait3A_222 = arith.constant 0 : i32
    %dma_wait3A_223 = tpu.memref_slice %arg3[%dma_wait3A_221, %dma_wait3A_222] : memref<1000000x32xf32, #tpu.memory_space<hbm>> -> memref<1000000x32xf32, #tpu.memory_space<hbm>>
    tpu.wait_indirect_dma semaphore(%arg7 : memref<!tpu.dma_semaphore, #tpu.memory_space<semaphore_mem>>) src(%dma_wait3A_223 : memref<1000000x32xf32, #tpu.memory_space<hbm>>) dst(%dma_wait3A_217 : memref<128x32xf32, #tpu.memory_space<vmem>>)
    %dma_wait3A_224 = arith.constant 0 : i32
    %dma_wait3A_225 = arith.constant 4 : i32
    %dma_wait3A_226 = arith.constant 0 : i32
    %dma_wait3A_227 = arith.constant 512 : i32
    %dma_wait3A_228 = arith.constant 0 : i32
    %dma_wait3A_229 = tpu.memref_slice %arg6[%dma_wait3A_226, %dma_wait3A_227, %dma_wait3A_228] : memref<2x1664x32xf32, #tpu.memory_space<vmem>> -> memref<1x128x32xf32, #tpu.memory_space<vmem>>
    %dma_wait3A_230 = tpu.memref_squeeze %dma_wait3A_229 : memref<1x128x32xf32, #tpu.memory_space<vmem>> -> memref<128x32xf32, #tpu.memory_space<vmem>>
    %dma_wait3A_231 = arith.constant 0 : i32
    %dma_wait3A_232 = tpu.memref_slice %arg5[%dma_wait3A_224, %dma_wait3A_225, %dma_wait3A_231] : memref<8x13x128xi32, #tpu.memory_space<vmem>> -> memref<1x1x128xi32, #tpu.memory_space<vmem>>
    %dma_wait3A_233 = tpu.memref_squeeze %dma_wait3A_232 : memref<1x1x128xi32, #tpu.memory_space<vmem>> -> memref<128xi32, #tpu.memory_space<vmem>>
    %dma_wait3A_234 = arith.constant 0 : i32
    %dma_wait3A_235 = arith.constant 0 : i32
    %dma_wait3A_236 = tpu.memref_slice %arg3[%dma_wait3A_234, %dma_wait3A_235] : memref<1000000x32xf32, #tpu.memory_space<hbm>> -> memref<1000000x32xf32, #tpu.memory_space<hbm>>
    tpu.wait_indirect_dma semaphore(%arg7 : memref<!tpu.dma_semaphore, #tpu.memory_space<semaphore_mem>>) src(%dma_wait3A_236 : memref<1000000x32xf32, #tpu.memory_space<hbm>>) dst(%dma_wait3A_230 : memref<128x32xf32, #tpu.memory_space<vmem>>)
    %dma_wait3A_237 = arith.constant 0 : i32
    %dma_wait3A_238 = arith.constant 5 : i32
    %dma_wait3A_239 = arith.constant 0 : i32
    %dma_wait3A_240 = arith.constant 640 : i32
    %dma_wait3A_241 = arith.constant 0 : i32
    %dma_wait3A_242 = tpu.memref_slice %arg6[%dma_wait3A_239, %dma_wait3A_240, %dma_wait3A_241] : memref<2x1664x32xf32, #tpu.memory_space<vmem>> -> memref<1x128x32xf32, #tpu.memory_space<vmem>>
    %dma_wait3A_243 = tpu.memref_squeeze %dma_wait3A_242 : memref<1x128x32xf32, #tpu.memory_space<vmem>> -> memref<128x32xf32, #tpu.memory_space<vmem>>
    %dma_wait3A_244 = arith.constant 0 : i32
    %dma_wait3A_245 = tpu.memref_slice %arg5[%dma_wait3A_237, %dma_wait3A_238, %dma_wait3A_244] : memref<8x13x128xi32, #tpu.memory_space<vmem>> -> memref<1x1x128xi32, #tpu.memory_space<vmem>>
    %dma_wait3A_246 = tpu.memref_squeeze %dma_wait3A_245 : memref<1x1x128xi32, #tpu.memory_space<vmem>> -> memref<128xi32, #tpu.memory_space<vmem>>
    %dma_wait3A_247 = arith.constant 0 : i32
    %dma_wait3A_248 = arith.constant 0 : i32
    %dma_wait3A_249 = tpu.memref_slice %arg3[%dma_wait3A_247, %dma_wait3A_248] : memref<1000000x32xf32, #tpu.memory_space<hbm>> -> memref<1000000x32xf32, #tpu.memory_space<hbm>>
    tpu.wait_indirect_dma semaphore(%arg7 : memref<!tpu.dma_semaphore, #tpu.memory_space<semaphore_mem>>) src(%dma_wait3A_249 : memref<1000000x32xf32, #tpu.memory_space<hbm>>) dst(%dma_wait3A_243 : memref<128x32xf32, #tpu.memory_space<vmem>>)
    %dma_wait3A_250 = arith.constant 0 : i32
    %dma_wait3A_251 = arith.constant 6 : i32
    %dma_wait3A_252 = arith.constant 0 : i32
    %dma_wait3A_253 = arith.constant 768 : i32
    %dma_wait3A_254 = arith.constant 0 : i32
    %dma_wait3A_255 = tpu.memref_slice %arg6[%dma_wait3A_252, %dma_wait3A_253, %dma_wait3A_254] : memref<2x1664x32xf32, #tpu.memory_space<vmem>> -> memref<1x128x32xf32, #tpu.memory_space<vmem>>
    %dma_wait3A_256 = tpu.memref_squeeze %dma_wait3A_255 : memref<1x128x32xf32, #tpu.memory_space<vmem>> -> memref<128x32xf32, #tpu.memory_space<vmem>>
    %dma_wait3A_257 = arith.constant 0 : i32
    %dma_wait3A_258 = tpu.memref_slice %arg5[%dma_wait3A_250, %dma_wait3A_251, %dma_wait3A_257] : memref<8x13x128xi32, #tpu.memory_space<vmem>> -> memref<1x1x128xi32, #tpu.memory_space<vmem>>
    %dma_wait3A_259 = tpu.memref_squeeze %dma_wait3A_258 : memref<1x1x128xi32, #tpu.memory_space<vmem>> -> memref<128xi32, #tpu.memory_space<vmem>>
    %dma_wait3A_260 = arith.constant 0 : i32
    %dma_wait3A_261 = arith.constant 0 : i32
    %dma_wait3A_262 = tpu.memref_slice %arg3[%dma_wait3A_260, %dma_wait3A_261] : memref<1000000x32xf32, #tpu.memory_space<hbm>> -> memref<1000000x32xf32, #tpu.memory_space<hbm>>
    tpu.wait_indirect_dma semaphore(%arg7 : memref<!tpu.dma_semaphore, #tpu.memory_space<semaphore_mem>>) src(%dma_wait3A_262 : memref<1000000x32xf32, #tpu.memory_space<hbm>>) dst(%dma_wait3A_256 : memref<128x32xf32, #tpu.memory_space<vmem>>)
    %dma_wait3A_263 = arith.constant 0 : i32
    %dma_wait3A_264 = arith.constant 7 : i32
    %dma_wait3A_265 = arith.constant 0 : i32
    %dma_wait3A_266 = arith.constant 896 : i32
    %dma_wait3A_267 = arith.constant 0 : i32
    %dma_wait3A_268 = tpu.memref_slice %arg6[%dma_wait3A_265, %dma_wait3A_266, %dma_wait3A_267] : memref<2x1664x32xf32, #tpu.memory_space<vmem>> -> memref<1x128x32xf32, #tpu.memory_space<vmem>>
    %dma_wait3A_269 = tpu.memref_squeeze %dma_wait3A_268 : memref<1x128x32xf32, #tpu.memory_space<vmem>> -> memref<128x32xf32, #tpu.memory_space<vmem>>
    %dma_wait3A_270 = arith.constant 0 : i32
    %dma_wait3A_271 = tpu.memref_slice %arg5[%dma_wait3A_263, %dma_wait3A_264, %dma_wait3A_270] : memref<8x13x128xi32, #tpu.memory_space<vmem>> -> memref<1x1x128xi32, #tpu.memory_space<vmem>>
    %dma_wait3A_272 = tpu.memref_squeeze %dma_wait3A_271 : memref<1x1x128xi32, #tpu.memory_space<vmem>> -> memref<128xi32, #tpu.memory_space<vmem>>
    %dma_wait3A_273 = arith.constant 0 : i32
    %dma_wait3A_274 = arith.constant 0 : i32
    %dma_wait3A_275 = tpu.memref_slice %arg3[%dma_wait3A_273, %dma_wait3A_274] : memref<1000000x32xf32, #tpu.memory_space<hbm>> -> memref<1000000x32xf32, #tpu.memory_space<hbm>>
    tpu.wait_indirect_dma semaphore(%arg7 : memref<!tpu.dma_semaphore, #tpu.memory_space<semaphore_mem>>) src(%dma_wait3A_275 : memref<1000000x32xf32, #tpu.memory_space<hbm>>) dst(%dma_wait3A_269 : memref<128x32xf32, #tpu.memory_space<vmem>>)
    %dma_wait3A_276 = arith.constant 0 : i32
    %dma_wait3A_277 = arith.constant 8 : i32
    %dma_wait3A_278 = arith.constant 0 : i32
    %dma_wait3A_279 = arith.constant 1024 : i32
    %dma_wait3A_280 = arith.constant 0 : i32
    %dma_wait3A_281 = tpu.memref_slice %arg6[%dma_wait3A_278, %dma_wait3A_279, %dma_wait3A_280] : memref<2x1664x32xf32, #tpu.memory_space<vmem>> -> memref<1x128x32xf32, #tpu.memory_space<vmem>>
    %dma_wait3A_282 = tpu.memref_squeeze %dma_wait3A_281 : memref<1x128x32xf32, #tpu.memory_space<vmem>> -> memref<128x32xf32, #tpu.memory_space<vmem>>
    %dma_wait3A_283 = arith.constant 0 : i32
    %dma_wait3A_284 = tpu.memref_slice %arg5[%dma_wait3A_276, %dma_wait3A_277, %dma_wait3A_283] : memref<8x13x128xi32, #tpu.memory_space<vmem>> -> memref<1x1x128xi32, #tpu.memory_space<vmem>>
    %dma_wait3A_285 = tpu.memref_squeeze %dma_wait3A_284 : memref<1x1x128xi32, #tpu.memory_space<vmem>> -> memref<128xi32, #tpu.memory_space<vmem>>
    %dma_wait3A_286 = arith.constant 0 : i32
    %dma_wait3A_287 = arith.constant 0 : i32
    %dma_wait3A_288 = tpu.memref_slice %arg3[%dma_wait3A_286, %dma_wait3A_287] : memref<1000000x32xf32, #tpu.memory_space<hbm>> -> memref<1000000x32xf32, #tpu.memory_space<hbm>>
    tpu.wait_indirect_dma semaphore(%arg7 : memref<!tpu.dma_semaphore, #tpu.memory_space<semaphore_mem>>) src(%dma_wait3A_288 : memref<1000000x32xf32, #tpu.memory_space<hbm>>) dst(%dma_wait3A_282 : memref<128x32xf32, #tpu.memory_space<vmem>>)
    %dma_wait3A_289 = arith.constant 0 : i32
    %dma_wait3A_290 = arith.constant 9 : i32
    %dma_wait3A_291 = arith.constant 0 : i32
    %dma_wait3A_292 = arith.constant 1152 : i32
    %dma_wait3A_293 = arith.constant 0 : i32
    %dma_wait3A_294 = tpu.memref_slice %arg6[%dma_wait3A_291, %dma_wait3A_292, %dma_wait3A_293] : memref<2x1664x32xf32, #tpu.memory_space<vmem>> -> memref<1x128x32xf32, #tpu.memory_space<vmem>>
    %dma_wait3A_295 = tpu.memref_squeeze %dma_wait3A_294 : memref<1x128x32xf32, #tpu.memory_space<vmem>> -> memref<128x32xf32, #tpu.memory_space<vmem>>
    %dma_wait3A_296 = arith.constant 0 : i32
    %dma_wait3A_297 = tpu.memref_slice %arg5[%dma_wait3A_289, %dma_wait3A_290, %dma_wait3A_296] : memref<8x13x128xi32, #tpu.memory_space<vmem>> -> memref<1x1x128xi32, #tpu.memory_space<vmem>>
    %dma_wait3A_298 = tpu.memref_squeeze %dma_wait3A_297 : memref<1x1x128xi32, #tpu.memory_space<vmem>> -> memref<128xi32, #tpu.memory_space<vmem>>
    %dma_wait3A_299 = arith.constant 0 : i32
    %dma_wait3A_300 = arith.constant 0 : i32
    %dma_wait3A_301 = tpu.memref_slice %arg3[%dma_wait3A_299, %dma_wait3A_300] : memref<1000000x32xf32, #tpu.memory_space<hbm>> -> memref<1000000x32xf32, #tpu.memory_space<hbm>>
    tpu.wait_indirect_dma semaphore(%arg7 : memref<!tpu.dma_semaphore, #tpu.memory_space<semaphore_mem>>) src(%dma_wait3A_301 : memref<1000000x32xf32, #tpu.memory_space<hbm>>) dst(%dma_wait3A_295 : memref<128x32xf32, #tpu.memory_space<vmem>>)
    %dma_wait3A_302 = arith.constant 0 : i32
    %dma_wait3A_303 = arith.constant 10 : i32
    %dma_wait3A_304 = arith.constant 0 : i32
    %dma_wait3A_305 = arith.constant 1280 : i32
    %dma_wait3A_306 = arith.constant 0 : i32
    %dma_wait3A_307 = tpu.memref_slice %arg6[%dma_wait3A_304, %dma_wait3A_305, %dma_wait3A_306] : memref<2x1664x32xf32, #tpu.memory_space<vmem>> -> memref<1x128x32xf32, #tpu.memory_space<vmem>>
    %dma_wait3A_308 = tpu.memref_squeeze %dma_wait3A_307 : memref<1x128x32xf32, #tpu.memory_space<vmem>> -> memref<128x32xf32, #tpu.memory_space<vmem>>
    %dma_wait3A_309 = arith.constant 0 : i32
    %dma_wait3A_310 = tpu.memref_slice %arg5[%dma_wait3A_302, %dma_wait3A_303, %dma_wait3A_309] : memref<8x13x128xi32, #tpu.memory_space<vmem>> -> memref<1x1x128xi32, #tpu.memory_space<vmem>>
    %dma_wait3A_311 = tpu.memref_squeeze %dma_wait3A_310 : memref<1x1x128xi32, #tpu.memory_space<vmem>> -> memref<128xi32, #tpu.memory_space<vmem>>
    %dma_wait3A_312 = arith.constant 0 : i32
    %dma_wait3A_313 = arith.constant 0 : i32
    %dma_wait3A_314 = tpu.memref_slice %arg3[%dma_wait3A_312, %dma_wait3A_313] : memref<1000000x32xf32, #tpu.memory_space<hbm>> -> memref<1000000x32xf32, #tpu.memory_space<hbm>>
    tpu.wait_indirect_dma semaphore(%arg7 : memref<!tpu.dma_semaphore, #tpu.memory_space<semaphore_mem>>) src(%dma_wait3A_314 : memref<1000000x32xf32, #tpu.memory_space<hbm>>) dst(%dma_wait3A_308 : memref<128x32xf32, #tpu.memory_space<vmem>>)
    %dma_wait3A_315 = arith.constant 0 : i32
    %dma_wait3A_316 = arith.constant 11 : i32
    %dma_wait3A_317 = arith.constant 0 : i32
    %dma_wait3A_318 = arith.constant 1408 : i32
    %dma_wait3A_319 = arith.constant 0 : i32
    %dma_wait3A_320 = tpu.memref_slice %arg6[%dma_wait3A_317, %dma_wait3A_318, %dma_wait3A_319] : memref<2x1664x32xf32, #tpu.memory_space<vmem>> -> memref<1x128x32xf32, #tpu.memory_space<vmem>>
    %dma_wait3A_321 = tpu.memref_squeeze %dma_wait3A_320 : memref<1x128x32xf32, #tpu.memory_space<vmem>> -> memref<128x32xf32, #tpu.memory_space<vmem>>
    %dma_wait3A_322 = arith.constant 0 : i32
    %dma_wait3A_323 = tpu.memref_slice %arg5[%dma_wait3A_315, %dma_wait3A_316, %dma_wait3A_322] : memref<8x13x128xi32, #tpu.memory_space<vmem>> -> memref<1x1x128xi32, #tpu.memory_space<vmem>>
    %dma_wait3A_324 = tpu.memref_squeeze %dma_wait3A_323 : memref<1x1x128xi32, #tpu.memory_space<vmem>> -> memref<128xi32, #tpu.memory_space<vmem>>
    %dma_wait3A_325 = arith.constant 0 : i32
    %dma_wait3A_326 = arith.constant 0 : i32
    %dma_wait3A_327 = tpu.memref_slice %arg3[%dma_wait3A_325, %dma_wait3A_326] : memref<1000000x32xf32, #tpu.memory_space<hbm>> -> memref<1000000x32xf32, #tpu.memory_space<hbm>>
    tpu.wait_indirect_dma semaphore(%arg7 : memref<!tpu.dma_semaphore, #tpu.memory_space<semaphore_mem>>) src(%dma_wait3A_327 : memref<1000000x32xf32, #tpu.memory_space<hbm>>) dst(%dma_wait3A_321 : memref<128x32xf32, #tpu.memory_space<vmem>>)
    %dma_wait3A_328 = arith.constant 0 : i32
    %dma_wait3A_329 = arith.constant 12 : i32
    %dma_wait3A_330 = arith.constant 0 : i32
    %dma_wait3A_331 = arith.constant 1536 : i32
    %dma_wait3A_332 = arith.constant 0 : i32
    %dma_wait3A_333 = tpu.memref_slice %arg6[%dma_wait3A_330, %dma_wait3A_331, %dma_wait3A_332] : memref<2x1664x32xf32, #tpu.memory_space<vmem>> -> memref<1x128x32xf32, #tpu.memory_space<vmem>>
    %dma_wait3A_334 = tpu.memref_squeeze %dma_wait3A_333 : memref<1x128x32xf32, #tpu.memory_space<vmem>> -> memref<128x32xf32, #tpu.memory_space<vmem>>
    %dma_wait3A_335 = arith.constant 0 : i32
    %dma_wait3A_336 = tpu.memref_slice %arg5[%dma_wait3A_328, %dma_wait3A_329, %dma_wait3A_335] : memref<8x13x128xi32, #tpu.memory_space<vmem>> -> memref<1x1x128xi32, #tpu.memory_space<vmem>>
    %dma_wait3A_337 = tpu.memref_squeeze %dma_wait3A_336 : memref<1x1x128xi32, #tpu.memory_space<vmem>> -> memref<128xi32, #tpu.memory_space<vmem>>
    %dma_wait3A_338 = arith.constant 0 : i32
    %dma_wait3A_339 = arith.constant 0 : i32
    %dma_wait3A_340 = tpu.memref_slice %arg3[%dma_wait3A_338, %dma_wait3A_339] : memref<1000000x32xf32, #tpu.memory_space<hbm>> -> memref<1000000x32xf32, #tpu.memory_space<hbm>>
    tpu.wait_indirect_dma semaphore(%arg7 : memref<!tpu.dma_semaphore, #tpu.memory_space<semaphore_mem>>) src(%dma_wait3A_340 : memref<1000000x32xf32, #tpu.memory_space<hbm>>) dst(%dma_wait3A_334 : memref<128x32xf32, #tpu.memory_space<vmem>>)
    %add3A_341 = arith.constant 0 : i32
    %add3A_342 = arith.addi %mul3A_4, %add3A_341 : i32
    %dma_start3A_343 = arith.constant 0 : i32
    %dma_start3A_344 = arith.constant 0 : i32
    %dma_start3A_345 = arith.constant 0 : i32
    %dma_start3A_346 = tpu.memref_slice %arg6[%dma_start3A_343, %dma_start3A_344, %dma_start3A_345] : memref<2x1664x32xf32, #tpu.memory_space<vmem>> -> memref<1x1664x32xf32, #tpu.memory_space<vmem>>
    %dma_start3A_347 = tpu.memref_squeeze %dma_start3A_346 : memref<1x1664x32xf32, #tpu.memory_space<vmem>> -> memref<1664x32xf32, #tpu.memory_space<vmem>>
    %dma_start3A_348 = arith.constant 0 : i32
    %dma_start3A_349 = tpu.memref_slice %arg4[%add3A_342, %dma_start3A_348] : memref<425984x32xf32, #tpu.memory_space<hbm>> -> memref<1664x32xf32, #tpu.memory_space<hbm>>
    %dma_start3A_350 = arith.constant 0 : i32
    %dma_start3A_351 = tpu.memref_slice %arg4[%add3A_342, %dma_start3A_350] : memref<425984x32xf32, #tpu.memory_space<hbm>> -> memref<1664x32xf32, #tpu.memory_space<hbm>>
    %dma_start3A_352 = arith.constant 0 : i32
    %dma_start3A_353 = arith.constant 0 : i32
    %dma_start3A_354 = tpu.memref_slice %arg6[%dma_start3A_343, %dma_start3A_352, %dma_start3A_353] : memref<2x1664x32xf32, #tpu.memory_space<vmem>> -> memref<1x1664x32xf32, #tpu.memory_space<vmem>>
    %dma_start3A_355 = tpu.memref_squeeze %dma_start3A_354 : memref<1x1664x32xf32, #tpu.memory_space<vmem>> -> memref<1664x32xf32, #tpu.memory_space<vmem>>
    tpu.enqueue_dma source(%dma_start3A_355 : memref<1664x32xf32, #tpu.memory_space<vmem>>) target(%dma_start3A_351 : memref<1664x32xf32, #tpu.memory_space<hbm>>) target_semaphore(%arg8 : memref<!tpu.dma_semaphore, #tpu.memory_space<semaphore_mem>>)
    %dma_start3A_356 = arith.constant 1 : i32
    %dma_start3A_357 = arith.constant 0 : i32
    %dma_start3A_358 = arith.constant 1 : i32
    %dma_start3A_359 = arith.constant 0 : i32
    %dma_start3A_360 = arith.constant 0 : i32
    %dma_start3A_361 = tpu.memref_slice %arg6[%dma_start3A_358, %dma_start3A_359, %dma_start3A_360] : memref<2x1664x32xf32, #tpu.memory_space<vmem>> -> memref<1x128x32xf32, #tpu.memory_space<vmem>>
    %dma_start3A_362 = tpu.memref_squeeze %dma_start3A_361 : memref<1x128x32xf32, #tpu.memory_space<vmem>> -> memref<128x32xf32, #tpu.memory_space<vmem>>
    %dma_start3A_363 = arith.constant 0 : i32
    %dma_start3A_364 = tpu.memref_slice %arg5[%dma_start3A_356, %dma_start3A_357, %dma_start3A_363] : memref<8x13x128xi32, #tpu.memory_space<vmem>> -> memref<1x1x128xi32, #tpu.memory_space<vmem>>
    %dma_start3A_365 = tpu.memref_squeeze %dma_start3A_364 : memref<1x1x128xi32, #tpu.memory_space<vmem>> -> memref<128xi32, #tpu.memory_space<vmem>>
    %dma_start3A_366 = arith.constant 0 : i32
    %dma_start3A_367 = arith.constant 0 : i32
    %dma_start3A_368 = tpu.memref_slice %arg3[%dma_start3A_366, %dma_start3A_367] : memref<1000000x32xf32, #tpu.memory_space<hbm>> -> memref<1000000x32xf32, #tpu.memory_space<hbm>>
    tpu.enqueue_indirect_dma source(%dma_start3A_368 : memref<1000000x32xf32, #tpu.memory_space<hbm>>) target(%dma_start3A_362 : memref<128x32xf32, #tpu.memory_space<vmem>>) offsets(%dma_start3A_365 : memref<128xi32, #tpu.memory_space<vmem>>) semaphore(%arg7 : memref<!tpu.dma_semaphore, #tpu.memory_space<semaphore_mem>>)
    %dma_start3A_369 = arith.constant 1 : i32
    %dma_start3A_370 = arith.constant 1 : i32
    %dma_start3A_371 = arith.constant 1 : i32
    %dma_start3A_372 = arith.constant 128 : i32
    %dma_start3A_373 = arith.constant 0 : i32
    %dma_start3A_374 = tpu.memref_slice %arg6[%dma_start3A_371, %dma_start3A_372, %dma_start3A_373] : memref<2x1664x32xf32, #tpu.memory_space<vmem>> -> memref<1x128x32xf32, #tpu.memory_space<vmem>>
    %dma_start3A_375 = tpu.memref_squeeze %dma_start3A_374 : memref<1x128x32xf32, #tpu.memory_space<vmem>> -> memref<128x32xf32, #tpu.memory_space<vmem>>
    %dma_start3A_376 = arith.constant 0 : i32
    %dma_start3A_377 = tpu.memref_slice %arg5[%dma_start3A_369, %dma_start3A_370, %dma_start3A_376] : memref<8x13x128xi32, #tpu.memory_space<vmem>> -> memref<1x1x128xi32, #tpu.memory_space<vmem>>
    %dma_start3A_378 = tpu.memref_squeeze %dma_start3A_377 : memref<1x1x128xi32, #tpu.memory_space<vmem>> -> memref<128xi32, #tpu.memory_space<vmem>>
    %dma_start3A_379 = arith.constant 0 : i32
    %dma_start3A_380 = arith.constant 0 : i32
    %dma_start3A_381 = tpu.memref_slice %arg3[%dma_start3A_379, %dma_start3A_380] : memref<1000000x32xf32, #tpu.memory_space<hbm>> -> memref<1000000x32xf32, #tpu.memory_space<hbm>>
    tpu.enqueue_indirect_dma source(%dma_start3A_381 : memref<1000000x32xf32, #tpu.memory_space<hbm>>) target(%dma_start3A_375 : memref<128x32xf32, #tpu.memory_space<vmem>>) offsets(%dma_start3A_378 : memref<128xi32, #tpu.memory_space<vmem>>) semaphore(%arg7 : memref<!tpu.dma_semaphore, #tpu.memory_space<semaphore_mem>>)
    %dma_start3A_382 = arith.constant 1 : i32
    %dma_start3A_383 = arith.constant 2 : i32
    %dma_start3A_384 = arith.constant 1 : i32
    %dma_start3A_385 = arith.constant 256 : i32
    %dma_start3A_386 = arith.constant 0 : i32
    %dma_start3A_387 = tpu.memref_slice %arg6[%dma_start3A_384, %dma_start3A_385, %dma_start3A_386] : memref<2x1664x32xf32, #tpu.memory_space<vmem>> -> memref<1x128x32xf32, #tpu.memory_space<vmem>>
    %dma_start3A_388 = tpu.memref_squeeze %dma_start3A_387 : memref<1x128x32xf32, #tpu.memory_space<vmem>> -> memref<128x32xf32, #tpu.memory_space<vmem>>
    %dma_start3A_389 = arith.constant 0 : i32
    %dma_start3A_390 = tpu.memref_slice %arg5[%dma_start3A_382, %dma_start3A_383, %dma_start3A_389] : memref<8x13x128xi32, #tpu.memory_space<vmem>> -> memref<1x1x128xi32, #tpu.memory_space<vmem>>
    %dma_start3A_391 = tpu.memref_squeeze %dma_start3A_390 : memref<1x1x128xi32, #tpu.memory_space<vmem>> -> memref<128xi32, #tpu.memory_space<vmem>>
    %dma_start3A_392 = arith.constant 0 : i32
    %dma_start3A_393 = arith.constant 0 : i32
    %dma_start3A_394 = tpu.memref_slice %arg3[%dma_start3A_392, %dma_start3A_393] : memref<1000000x32xf32, #tpu.memory_space<hbm>> -> memref<1000000x32xf32, #tpu.memory_space<hbm>>
    tpu.enqueue_indirect_dma source(%dma_start3A_394 : memref<1000000x32xf32, #tpu.memory_space<hbm>>) target(%dma_start3A_388 : memref<128x32xf32, #tpu.memory_space<vmem>>) offsets(%dma_start3A_391 : memref<128xi32, #tpu.memory_space<vmem>>) semaphore(%arg7 : memref<!tpu.dma_semaphore, #tpu.memory_space<semaphore_mem>>)
    %dma_start3A_395 = arith.constant 1 : i32
    %dma_start3A_396 = arith.constant 3 : i32
    %dma_start3A_397 = arith.constant 1 : i32
    %dma_start3A_398 = arith.constant 384 : i32
    %dma_start3A_399 = arith.constant 0 : i32
    %dma_start3A_400 = tpu.memref_slice %arg6[%dma_start3A_397, %dma_start3A_398, %dma_start3A_399] : memref<2x1664x32xf32, #tpu.memory_space<vmem>> -> memref<1x128x32xf32, #tpu.memory_space<vmem>>
    %dma_start3A_401 = tpu.memref_squeeze %dma_start3A_400 : memref<1x128x32xf32, #tpu.memory_space<vmem>> -> memref<128x32xf32, #tpu.memory_space<vmem>>
    %dma_start3A_402 = arith.constant 0 : i32
    %dma_start3A_403 = tpu.memref_slice %arg5[%dma_start3A_395, %dma_start3A_396, %dma_start3A_402] : memref<8x13x128xi32, #tpu.memory_space<vmem>> -> memref<1x1x128xi32, #tpu.memory_space<vmem>>
    %dma_start3A_404 = tpu.memref_squeeze %dma_start3A_403 : memref<1x1x128xi32, #tpu.memory_space<vmem>> -> memref<128xi32, #tpu.memory_space<vmem>>
    %dma_start3A_405 = arith.constant 0 : i32
    %dma_start3A_406 = arith.constant 0 : i32
    %dma_start3A_407 = tpu.memref_slice %arg3[%dma_start3A_405, %dma_start3A_406] : memref<1000000x32xf32, #tpu.memory_space<hbm>> -> memref<1000000x32xf32, #tpu.memory_space<hbm>>
    tpu.enqueue_indirect_dma source(%dma_start3A_407 : memref<1000000x32xf32, #tpu.memory_space<hbm>>) target(%dma_start3A_401 : memref<128x32xf32, #tpu.memory_space<vmem>>) offsets(%dma_start3A_404 : memref<128xi32, #tpu.memory_space<vmem>>) semaphore(%arg7 : memref<!tpu.dma_semaphore, #tpu.memory_space<semaphore_mem>>)
    %dma_start3A_408 = arith.constant 1 : i32
    %dma_start3A_409 = arith.constant 4 : i32
    %dma_start3A_410 = arith.constant 1 : i32
    %dma_start3A_411 = arith.constant 512 : i32
    %dma_start3A_412 = arith.constant 0 : i32
    %dma_start3A_413 = tpu.memref_slice %arg6[%dma_start3A_410, %dma_start3A_411, %dma_start3A_412] : memref<2x1664x32xf32, #tpu.memory_space<vmem>> -> memref<1x128x32xf32, #tpu.memory_space<vmem>>
    %dma_start3A_414 = tpu.memref_squeeze %dma_start3A_413 : memref<1x128x32xf32, #tpu.memory_space<vmem>> -> memref<128x32xf32, #tpu.memory_space<vmem>>
    %dma_start3A_415 = arith.constant 0 : i32
    %dma_start3A_416 = tpu.memref_slice %arg5[%dma_start3A_408, %dma_start3A_409, %dma_start3A_415] : memref<8x13x128xi32, #tpu.memory_space<vmem>> -> memref<1x1x128xi32, #tpu.memory_space<vmem>>
    %dma_start3A_417 = tpu.memref_squeeze %dma_start3A_416 : memref<1x1x128xi32, #tpu.memory_space<vmem>> -> memref<128xi32, #tpu.memory_space<vmem>>
    %dma_start3A_418 = arith.constant 0 : i32
    %dma_start3A_419 = arith.constant 0 : i32
    %dma_start3A_420 = tpu.memref_slice %arg3[%dma_start3A_418, %dma_start3A_419] : memref<1000000x32xf32, #tpu.memory_space<hbm>> -> memref<1000000x32xf32, #tpu.memory_space<hbm>>
    tpu.enqueue_indirect_dma source(%dma_start3A_420 : memref<1000000x32xf32, #tpu.memory_space<hbm>>) target(%dma_start3A_414 : memref<128x32xf32, #tpu.memory_space<vmem>>) offsets(%dma_start3A_417 : memref<128xi32, #tpu.memory_space<vmem>>) semaphore(%arg7 : memref<!tpu.dma_semaphore, #tpu.memory_space<semaphore_mem>>)
    %dma_start3A_421 = arith.constant 1 : i32
    %dma_start3A_422 = arith.constant 5 : i32
    %dma_start3A_423 = arith.constant 1 : i32
    %dma_start3A_424 = arith.constant 640 : i32
    %dma_start3A_425 = arith.constant 0 : i32
    %dma_start3A_426 = tpu.memref_slice %arg6[%dma_start3A_423, %dma_start3A_424, %dma_start3A_425] : memref<2x1664x32xf32, #tpu.memory_space<vmem>> -> memref<1x128x32xf32, #tpu.memory_space<vmem>>
    %dma_start3A_427 = tpu.memref_squeeze %dma_start3A_426 : memref<1x128x32xf32, #tpu.memory_space<vmem>> -> memref<128x32xf32, #tpu.memory_space<vmem>>
    %dma_start3A_428 = arith.constant 0 : i32
    %dma_start3A_429 = tpu.memref_slice %arg5[%dma_start3A_421, %dma_start3A_422, %dma_start3A_428] : memref<8x13x128xi32, #tpu.memory_space<vmem>> -> memref<1x1x128xi32, #tpu.memory_space<vmem>>
    %dma_start3A_430 = tpu.memref_squeeze %dma_start3A_429 : memref<1x1x128xi32, #tpu.memory_space<vmem>> -> memref<128xi32, #tpu.memory_space<vmem>>
    %dma_start3A_431 = arith.constant 0 : i32
    %dma_start3A_432 = arith.constant 0 : i32
    %dma_start3A_433 = tpu.memref_slice %arg3[%dma_start3A_431, %dma_start3A_432] : memref<1000000x32xf32, #tpu.memory_space<hbm>> -> memref<1000000x32xf32, #tpu.memory_space<hbm>>
    tpu.enqueue_indirect_dma source(%dma_start3A_433 : memref<1000000x32xf32, #tpu.memory_space<hbm>>) target(%dma_start3A_427 : memref<128x32xf32, #tpu.memory_space<vmem>>) offsets(%dma_start3A_430 : memref<128xi32, #tpu.memory_space<vmem>>) semaphore(%arg7 : memref<!tpu.dma_semaphore, #tpu.memory_space<semaphore_mem>>)
    %dma_start3A_434 = arith.constant 1 : i32
    %dma_start3A_435 = arith.constant 6 : i32
    %dma_start3A_436 = arith.constant 1 : i32
    %dma_start3A_437 = arith.constant 768 : i32
    %dma_start3A_438 = arith.constant 0 : i32
    %dma_start3A_439 = tpu.memref_slice %arg6[%dma_start3A_436, %dma_start3A_437, %dma_start3A_438] : memref<2x1664x32xf32, #tpu.memory_space<vmem>> -> memref<1x128x32xf32, #tpu.memory_space<vmem>>
    %dma_start3A_440 = tpu.memref_squeeze %dma_start3A_439 : memref<1x128x32xf32, #tpu.memory_space<vmem>> -> memref<128x32xf32, #tpu.memory_space<vmem>>
    %dma_start3A_441 = arith.constant 0 : i32
    %dma_start3A_442 = tpu.memref_slice %arg5[%dma_start3A_434, %dma_start3A_435, %dma_start3A_441] : memref<8x13x128xi32, #tpu.memory_space<vmem>> -> memref<1x1x128xi32, #tpu.memory_space<vmem>>
    %dma_start3A_443 = tpu.memref_squeeze %dma_start3A_442 : memref<1x1x128xi32, #tpu.memory_space<vmem>> -> memref<128xi32, #tpu.memory_space<vmem>>
    %dma_start3A_444 = arith.constant 0 : i32
    %dma_start3A_445 = arith.constant 0 : i32
    %dma_start3A_446 = tpu.memref_slice %arg3[%dma_start3A_444, %dma_start3A_445] : memref<1000000x32xf32, #tpu.memory_space<hbm>> -> memref<1000000x32xf32, #tpu.memory_space<hbm>>
    tpu.enqueue_indirect_dma source(%dma_start3A_446 : memref<1000000x32xf32, #tpu.memory_space<hbm>>) target(%dma_start3A_440 : memref<128x32xf32, #tpu.memory_space<vmem>>) offsets(%dma_start3A_443 : memref<128xi32, #tpu.memory_space<vmem>>) semaphore(%arg7 : memref<!tpu.dma_semaphore, #tpu.memory_space<semaphore_mem>>)
    %dma_start3A_447 = arith.constant 1 : i32
    %dma_start3A_448 = arith.constant 7 : i32
    %dma_start3A_449 = arith.constant 1 : i32
    %dma_start3A_450 = arith.constant 896 : i32
    %dma_start3A_451 = arith.constant 0 : i32
    %dma_start3A_452 = tpu.memref_slice %arg6[%dma_start3A_449, %dma_start3A_450, %dma_start3A_451] : memref<2x1664x32xf32, #tpu.memory_space<vmem>> -> memref<1x128x32xf32, #tpu.memory_space<vmem>>
    %dma_start3A_453 = tpu.memref_squeeze %dma_start3A_452 : memref<1x128x32xf32, #tpu.memory_space<vmem>> -> memref<128x32xf32, #tpu.memory_space<vmem>>
    %dma_start3A_454 = arith.constant 0 : i32
    %dma_start3A_455 = tpu.memref_slice %arg5[%dma_start3A_447, %dma_start3A_448, %dma_start3A_454] : memref<8x13x128xi32, #tpu.memory_space<vmem>> -> memref<1x1x128xi32, #tpu.memory_space<vmem>>
    %dma_start3A_456 = tpu.memref_squeeze %dma_start3A_455 : memref<1x1x128xi32, #tpu.memory_space<vmem>> -> memref<128xi32, #tpu.memory_space<vmem>>
    %dma_start3A_457 = arith.constant 0 : i32
    %dma_start3A_458 = arith.constant 0 : i32
    %dma_start3A_459 = tpu.memref_slice %arg3[%dma_start3A_457, %dma_start3A_458] : memref<1000000x32xf32, #tpu.memory_space<hbm>> -> memref<1000000x32xf32, #tpu.memory_space<hbm>>
    tpu.enqueue_indirect_dma source(%dma_start3A_459 : memref<1000000x32xf32, #tpu.memory_space<hbm>>) target(%dma_start3A_453 : memref<128x32xf32, #tpu.memory_space<vmem>>) offsets(%dma_start3A_456 : memref<128xi32, #tpu.memory_space<vmem>>) semaphore(%arg7 : memref<!tpu.dma_semaphore, #tpu.memory_space<semaphore_mem>>)
    %dma_start3A_460 = arith.constant 1 : i32
    %dma_start3A_461 = arith.constant 8 : i32
    %dma_start3A_462 = arith.constant 1 : i32
    %dma_start3A_463 = arith.constant 1024 : i32
    %dma_start3A_464 = arith.constant 0 : i32
    %dma_start3A_465 = tpu.memref_slice %arg6[%dma_start3A_462, %dma_start3A_463, %dma_start3A_464] : memref<2x1664x32xf32, #tpu.memory_space<vmem>> -> memref<1x128x32xf32, #tpu.memory_space<vmem>>
    %dma_start3A_466 = tpu.memref_squeeze %dma_start3A_465 : memref<1x128x32xf32, #tpu.memory_space<vmem>> -> memref<128x32xf32, #tpu.memory_space<vmem>>
    %dma_start3A_467 = arith.constant 0 : i32
    %dma_start3A_468 = tpu.memref_slice %arg5[%dma_start3A_460, %dma_start3A_461, %dma_start3A_467] : memref<8x13x128xi32, #tpu.memory_space<vmem>> -> memref<1x1x128xi32, #tpu.memory_space<vmem>>
    %dma_start3A_469 = tpu.memref_squeeze %dma_start3A_468 : memref<1x1x128xi32, #tpu.memory_space<vmem>> -> memref<128xi32, #tpu.memory_space<vmem>>
    %dma_start3A_470 = arith.constant 0 : i32
    %dma_start3A_471 = arith.constant 0 : i32
    %dma_start3A_472 = tpu.memref_slice %arg3[%dma_start3A_470, %dma_start3A_471] : memref<1000000x32xf32, #tpu.memory_space<hbm>> -> memref<1000000x32xf32, #tpu.memory_space<hbm>>
    tpu.enqueue_indirect_dma source(%dma_start3A_472 : memref<1000000x32xf32, #tpu.memory_space<hbm>>) target(%dma_start3A_466 : memref<128x32xf32, #tpu.memory_space<vmem>>) offsets(%dma_start3A_469 : memref<128xi32, #tpu.memory_space<vmem>>) semaphore(%arg7 : memref<!tpu.dma_semaphore, #tpu.memory_space<semaphore_mem>>)
    %dma_start3A_473 = arith.constant 1 : i32
    %dma_start3A_474 = arith.constant 9 : i32
    %dma_start3A_475 = arith.constant 1 : i32
    %dma_start3A_476 = arith.constant 1152 : i32
    %dma_start3A_477 = arith.constant 0 : i32
    %dma_start3A_478 = tpu.memref_slice %arg6[%dma_start3A_475, %dma_start3A_476, %dma_start3A_477] : memref<2x1664x32xf32, #tpu.memory_space<vmem>> -> memref<1x128x32xf32, #tpu.memory_space<vmem>>
    %dma_start3A_479 = tpu.memref_squeeze %dma_start3A_478 : memref<1x128x32xf32, #tpu.memory_space<vmem>> -> memref<128x32xf32, #tpu.memory_space<vmem>>
    %dma_start3A_480 = arith.constant 0 : i32
    %dma_start3A_481 = tpu.memref_slice %arg5[%dma_start3A_473, %dma_start3A_474, %dma_start3A_480] : memref<8x13x128xi32, #tpu.memory_space<vmem>> -> memref<1x1x128xi32, #tpu.memory_space<vmem>>
    %dma_start3A_482 = tpu.memref_squeeze %dma_start3A_481 : memref<1x1x128xi32, #tpu.memory_space<vmem>> -> memref<128xi32, #tpu.memory_space<vmem>>
    %dma_start3A_483 = arith.constant 0 : i32
    %dma_start3A_484 = arith.constant 0 : i32
    %dma_start3A_485 = tpu.memref_slice %arg3[%dma_start3A_483, %dma_start3A_484] : memref<1000000x32xf32, #tpu.memory_space<hbm>> -> memref<1000000x32xf32, #tpu.memory_space<hbm>>
    tpu.enqueue_indirect_dma source(%dma_start3A_485 : memref<1000000x32xf32, #tpu.memory_space<hbm>>) target(%dma_start3A_479 : memref<128x32xf32, #tpu.memory_space<vmem>>) offsets(%dma_start3A_482 : memref<128xi32, #tpu.memory_space<vmem>>) semaphore(%arg7 : memref<!tpu.dma_semaphore, #tpu.memory_space<semaphore_mem>>)
    %dma_start3A_486 = arith.constant 1 : i32
    %dma_start3A_487 = arith.constant 10 : i32
    %dma_start3A_488 = arith.constant 1 : i32
    %dma_start3A_489 = arith.constant 1280 : i32
    %dma_start3A_490 = arith.constant 0 : i32
    %dma_start3A_491 = tpu.memref_slice %arg6[%dma_start3A_488, %dma_start3A_489, %dma_start3A_490] : memref<2x1664x32xf32, #tpu.memory_space<vmem>> -> memref<1x128x32xf32, #tpu.memory_space<vmem>>
    %dma_start3A_492 = tpu.memref_squeeze %dma_start3A_491 : memref<1x128x32xf32, #tpu.memory_space<vmem>> -> memref<128x32xf32, #tpu.memory_space<vmem>>
    %dma_start3A_493 = arith.constant 0 : i32
    %dma_start3A_494 = tpu.memref_slice %arg5[%dma_start3A_486, %dma_start3A_487, %dma_start3A_493] : memref<8x13x128xi32, #tpu.memory_space<vmem>> -> memref<1x1x128xi32, #tpu.memory_space<vmem>>
    %dma_start3A_495 = tpu.memref_squeeze %dma_start3A_494 : memref<1x1x128xi32, #tpu.memory_space<vmem>> -> memref<128xi32, #tpu.memory_space<vmem>>
    %dma_start3A_496 = arith.constant 0 : i32
    %dma_start3A_497 = arith.constant 0 : i32
    %dma_start3A_498 = tpu.memref_slice %arg3[%dma_start3A_496, %dma_start3A_497] : memref<1000000x32xf32, #tpu.memory_space<hbm>> -> memref<1000000x32xf32, #tpu.memory_space<hbm>>
    tpu.enqueue_indirect_dma source(%dma_start3A_498 : memref<1000000x32xf32, #tpu.memory_space<hbm>>) target(%dma_start3A_492 : memref<128x32xf32, #tpu.memory_space<vmem>>) offsets(%dma_start3A_495 : memref<128xi32, #tpu.memory_space<vmem>>) semaphore(%arg7 : memref<!tpu.dma_semaphore, #tpu.memory_space<semaphore_mem>>)
    %dma_start3A_499 = arith.constant 1 : i32
    %dma_start3A_500 = arith.constant 11 : i32
    %dma_start3A_501 = arith.constant 1 : i32
    %dma_start3A_502 = arith.constant 1408 : i32
    %dma_start3A_503 = arith.constant 0 : i32
    %dma_start3A_504 = tpu.memref_slice %arg6[%dma_start3A_501, %dma_start3A_502, %dma_start3A_503] : memref<2x1664x32xf32, #tpu.memory_space<vmem>> -> memref<1x128x32xf32, #tpu.memory_space<vmem>>
    %dma_start3A_505 = tpu.memref_squeeze %dma_start3A_504 : memref<1x128x32xf32, #tpu.memory_space<vmem>> -> memref<128x32xf32, #tpu.memory_space<vmem>>
    %dma_start3A_506 = arith.constant 0 : i32
    %dma_start3A_507 = tpu.memref_slice %arg5[%dma_start3A_499, %dma_start3A_500, %dma_start3A_506] : memref<8x13x128xi32, #tpu.memory_space<vmem>> -> memref<1x1x128xi32, #tpu.memory_space<vmem>>
    %dma_start3A_508 = tpu.memref_squeeze %dma_start3A_507 : memref<1x1x128xi32, #tpu.memory_space<vmem>> -> memref<128xi32, #tpu.memory_space<vmem>>
    %dma_start3A_509 = arith.constant 0 : i32
    %dma_start3A_510 = arith.constant 0 : i32
    %dma_start3A_511 = tpu.memref_slice %arg3[%dma_start3A_509, %dma_start3A_510] : memref<1000000x32xf32, #tpu.memory_space<hbm>> -> memref<1000000x32xf32, #tpu.memory_space<hbm>>
    tpu.enqueue_indirect_dma source(%dma_start3A_511 : memref<1000000x32xf32, #tpu.memory_space<hbm>>) target(%dma_start3A_505 : memref<128x32xf32, #tpu.memory_space<vmem>>) offsets(%dma_start3A_508 : memref<128xi32, #tpu.memory_space<vmem>>) semaphore(%arg7 : memref<!tpu.dma_semaphore, #tpu.memory_space<semaphore_mem>>)
    %dma_start3A_512 = arith.constant 1 : i32
    %dma_start3A_513 = arith.constant 12 : i32
    %dma_start3A_514 = arith.constant 1 : i32
    %dma_start3A_515 = arith.constant 1536 : i32
    %dma_start3A_516 = arith.constant 0 : i32
    %dma_start3A_517 = tpu.memref_slice %arg6[%dma_start3A_514, %dma_start3A_515, %dma_start3A_516] : memref<2x1664x32xf32, #tpu.memory_space<vmem>> -> memref<1x128x32xf32, #tpu.memory_space<vmem>>
    %dma_start3A_518 = tpu.memref_squeeze %dma_start3A_517 : memref<1x128x32xf32, #tpu.memory_space<vmem>> -> memref<128x32xf32, #tpu.memory_space<vmem>>
    %dma_start3A_519 = arith.constant 0 : i32
    %dma_start3A_520 = tpu.memref_slice %arg5[%dma_start3A_512, %dma_start3A_513, %dma_start3A_519] : memref<8x13x128xi32, #tpu.memory_space<vmem>> -> memref<1x1x128xi32, #tpu.memory_space<vmem>>
    %dma_start3A_521 = tpu.memref_squeeze %dma_start3A_520 : memref<1x1x128xi32, #tpu.memory_space<vmem>> -> memref<128xi32, #tpu.memory_space<vmem>>
    %dma_start3A_522 = arith.constant 0 : i32
    %dma_start3A_523 = arith.constant 0 : i32
    %dma_start3A_524 = tpu.memref_slice %arg3[%dma_start3A_522, %dma_start3A_523] : memref<1000000x32xf32, #tpu.memory_space<hbm>> -> memref<1000000x32xf32, #tpu.memory_space<hbm>>
    tpu.enqueue_indirect_dma source(%dma_start3A_524 : memref<1000000x32xf32, #tpu.memory_space<hbm>>) target(%dma_start3A_518 : memref<128x32xf32, #tpu.memory_space<vmem>>) offsets(%dma_start3A_521 : memref<128xi32, #tpu.memory_space<vmem>>) semaphore(%arg7 : memref<!tpu.dma_semaphore, #tpu.memory_space<semaphore_mem>>)
    %dma_wait3A_525 = arith.constant 1 : i32
    %dma_wait3A_526 = arith.constant 0 : i32
    %dma_wait3A_527 = arith.constant 1 : i32
    %dma_wait3A_528 = arith.constant 0 : i32
    %dma_wait3A_529 = arith.constant 0 : i32
    %dma_wait3A_530 = tpu.memref_slice %arg6[%dma_wait3A_527, %dma_wait3A_528, %dma_wait3A_529] : memref<2x1664x32xf32, #tpu.memory_space<vmem>> -> memref<1x128x32xf32, #tpu.memory_space<vmem>>
    %dma_wait3A_531 = tpu.memref_squeeze %dma_wait3A_530 : memref<1x128x32xf32, #tpu.memory_space<vmem>> -> memref<128x32xf32, #tpu.memory_space<vmem>>
    %dma_wait3A_532 = arith.constant 0 : i32
    %dma_wait3A_533 = tpu.memref_slice %arg5[%dma_wait3A_525, %dma_wait3A_526, %dma_wait3A_532] : memref<8x13x128xi32, #tpu.memory_space<vmem>> -> memref<1x1x128xi32, #tpu.memory_space<vmem>>
    %dma_wait3A_534 = tpu.memref_squeeze %dma_wait3A_533 : memref<1x1x128xi32, #tpu.memory_space<vmem>> -> memref<128xi32, #tpu.memory_space<vmem>>
    %dma_wait3A_535 = arith.constant 0 : i32
    %dma_wait3A_536 = arith.constant 0 : i32
    %dma_wait3A_537 = tpu.memref_slice %arg3[%dma_wait3A_535, %dma_wait3A_536] : memref<1000000x32xf32, #tpu.memory_space<hbm>> -> memref<1000000x32xf32, #tpu.memory_space<hbm>>
    tpu.wait_indirect_dma semaphore(%arg7 : memref<!tpu.dma_semaphore, #tpu.memory_space<semaphore_mem>>) src(%dma_wait3A_537 : memref<1000000x32xf32, #tpu.memory_space<hbm>>) dst(%dma_wait3A_531 : memref<128x32xf32, #tpu.memory_space<vmem>>)
    %dma_wait3A_538 = arith.constant 1 : i32
    %dma_wait3A_539 = arith.constant 1 : i32
    %dma_wait3A_540 = arith.constant 1 : i32
    %dma_wait3A_541 = arith.constant 128 : i32
    %dma_wait3A_542 = arith.constant 0 : i32
    %dma_wait3A_543 = tpu.memref_slice %arg6[%dma_wait3A_540, %dma_wait3A_541, %dma_wait3A_542] : memref<2x1664x32xf32, #tpu.memory_space<vmem>> -> memref<1x128x32xf32, #tpu.memory_space<vmem>>
    %dma_wait3A_544 = tpu.memref_squeeze %dma_wait3A_543 : memref<1x128x32xf32, #tpu.memory_space<vmem>> -> memref<128x32xf32, #tpu.memory_space<vmem>>
    %dma_wait3A_545 = arith.constant 0 : i32
    %dma_wait3A_546 = tpu.memref_slice %arg5[%dma_wait3A_538, %dma_wait3A_539, %dma_wait3A_545] : memref<8x13x128xi32, #tpu.memory_space<vmem>> -> memref<1x1x128xi32, #tpu.memory_space<vmem>>
    %dma_wait3A_547 = tpu.memref_squeeze %dma_wait3A_546 : memref<1x1x128xi32, #tpu.memory_space<vmem>> -> memref<128xi32, #tpu.memory_space<vmem>>
    %dma_wait3A_548 = arith.constant 0 : i32
    %dma_wait3A_549 = arith.constant 0 : i32
    %dma_wait3A_550 = tpu.memref_slice %arg3[%dma_wait3A_548, %dma_wait3A_549] : memref<1000000x32xf32, #tpu.memory_space<hbm>> -> memref<1000000x32xf32, #tpu.memory_space<hbm>>
    tpu.wait_indirect_dma semaphore(%arg7 : memref<!tpu.dma_semaphore, #tpu.memory_space<semaphore_mem>>) src(%dma_wait3A_550 : memref<1000000x32xf32, #tpu.memory_space<hbm>>) dst(%dma_wait3A_544 : memref<128x32xf32, #tpu.memory_space<vmem>>)
    %dma_wait3A_551 = arith.constant 1 : i32
    %dma_wait3A_552 = arith.constant 2 : i32
    %dma_wait3A_553 = arith.constant 1 : i32
    %dma_wait3A_554 = arith.constant 256 : i32
    %dma_wait3A_555 = arith.constant 0 : i32
    %dma_wait3A_556 = tpu.memref_slice %arg6[%dma_wait3A_553, %dma_wait3A_554, %dma_wait3A_555] : memref<2x1664x32xf32, #tpu.memory_space<vmem>> -> memref<1x128x32xf32, #tpu.memory_space<vmem>>
    %dma_wait3A_557 = tpu.memref_squeeze %dma_wait3A_556 : memref<1x128x32xf32, #tpu.memory_space<vmem>> -> memref<128x32xf32, #tpu.memory_space<vmem>>
    %dma_wait3A_558 = arith.constant 0 : i32
    %dma_wait3A_559 = tpu.memref_slice %arg5[%dma_wait3A_551, %dma_wait3A_552, %dma_wait3A_558] : memref<8x13x128xi32, #tpu.memory_space<vmem>> -> memref<1x1x128xi32, #tpu.memory_space<vmem>>
    %dma_wait3A_560 = tpu.memref_squeeze %dma_wait3A_559 : memref<1x1x128xi32, #tpu.memory_space<vmem>> -> memref<128xi32, #tpu.memory_space<vmem>>
    %dma_wait3A_561 = arith.constant 0 : i32
    %dma_wait3A_562 = arith.constant 0 : i32
    %dma_wait3A_563 = tpu.memref_slice %arg3[%dma_wait3A_561, %dma_wait3A_562] : memref<1000000x32xf32, #tpu.memory_space<hbm>> -> memref<1000000x32xf32, #tpu.memory_space<hbm>>
    tpu.wait_indirect_dma semaphore(%arg7 : memref<!tpu.dma_semaphore, #tpu.memory_space<semaphore_mem>>) src(%dma_wait3A_563 : memref<1000000x32xf32, #tpu.memory_space<hbm>>) dst(%dma_wait3A_557 : memref<128x32xf32, #tpu.memory_space<vmem>>)
    %dma_wait3A_564 = arith.constant 1 : i32
    %dma_wait3A_565 = arith.constant 3 : i32
    %dma_wait3A_566 = arith.constant 1 : i32
    %dma_wait3A_567 = arith.constant 384 : i32
    %dma_wait3A_568 = arith.constant 0 : i32
    %dma_wait3A_569 = tpu.memref_slice %arg6[%dma_wait3A_566, %dma_wait3A_567, %dma_wait3A_568] : memref<2x1664x32xf32, #tpu.memory_space<vmem>> -> memref<1x128x32xf32, #tpu.memory_space<vmem>>
    %dma_wait3A_570 = tpu.memref_squeeze %dma_wait3A_569 : memref<1x128x32xf32, #tpu.memory_space<vmem>> -> memref<128x32xf32, #tpu.memory_space<vmem>>
    %dma_wait3A_571 = arith.constant 0 : i32
    %dma_wait3A_572 = tpu.memref_slice %arg5[%dma_wait3A_564, %dma_wait3A_565, %dma_wait3A_571] : memref<8x13x128xi32, #tpu.memory_space<vmem>> -> memref<1x1x128xi32, #tpu.memory_space<vmem>>
    %dma_wait3A_573 = tpu.memref_squeeze %dma_wait3A_572 : memref<1x1x128xi32, #tpu.memory_space<vmem>> -> memref<128xi32, #tpu.memory_space<vmem>>
    %dma_wait3A_574 = arith.constant 0 : i32
    %dma_wait3A_575 = arith.constant 0 : i32
    %dma_wait3A_576 = tpu.memref_slice %arg3[%dma_wait3A_574, %dma_wait3A_575] : memref<1000000x32xf32, #tpu.memory_space<hbm>> -> memref<1000000x32xf32, #tpu.memory_space<hbm>>
    tpu.wait_indirect_dma semaphore(%arg7 : memref<!tpu.dma_semaphore, #tpu.memory_space<semaphore_mem>>) src(%dma_wait3A_576 : memref<1000000x32xf32, #tpu.memory_space<hbm>>) dst(%dma_wait3A_570 : memref<128x32xf32, #tpu.memory_space<vmem>>)
    %dma_wait3A_577 = arith.constant 1 : i32
    %dma_wait3A_578 = arith.constant 4 : i32
    %dma_wait3A_579 = arith.constant 1 : i32
    %dma_wait3A_580 = arith.constant 512 : i32
    %dma_wait3A_581 = arith.constant 0 : i32
    %dma_wait3A_582 = tpu.memref_slice %arg6[%dma_wait3A_579, %dma_wait3A_580, %dma_wait3A_581] : memref<2x1664x32xf32, #tpu.memory_space<vmem>> -> memref<1x128x32xf32, #tpu.memory_space<vmem>>
    %dma_wait3A_583 = tpu.memref_squeeze %dma_wait3A_582 : memref<1x128x32xf32, #tpu.memory_space<vmem>> -> memref<128x32xf32, #tpu.memory_space<vmem>>
    %dma_wait3A_584 = arith.constant 0 : i32
    %dma_wait3A_585 = tpu.memref_slice %arg5[%dma_wait3A_577, %dma_wait3A_578, %dma_wait3A_584] : memref<8x13x128xi32, #tpu.memory_space<vmem>> -> memref<1x1x128xi32, #tpu.memory_space<vmem>>
    %dma_wait3A_586 = tpu.memref_squeeze %dma_wait3A_585 : memref<1x1x128xi32, #tpu.memory_space<vmem>> -> memref<128xi32, #tpu.memory_space<vmem>>
    %dma_wait3A_587 = arith.constant 0 : i32
    %dma_wait3A_588 = arith.constant 0 : i32
    %dma_wait3A_589 = tpu.memref_slice %arg3[%dma_wait3A_587, %dma_wait3A_588] : memref<1000000x32xf32, #tpu.memory_space<hbm>> -> memref<1000000x32xf32, #tpu.memory_space<hbm>>
    tpu.wait_indirect_dma semaphore(%arg7 : memref<!tpu.dma_semaphore, #tpu.memory_space<semaphore_mem>>) src(%dma_wait3A_589 : memref<1000000x32xf32, #tpu.memory_space<hbm>>) dst(%dma_wait3A_583 : memref<128x32xf32, #tpu.memory_space<vmem>>)
    %dma_wait3A_590 = arith.constant 1 : i32
    %dma_wait3A_591 = arith.constant 5 : i32
    %dma_wait3A_592 = arith.constant 1 : i32
    %dma_wait3A_593 = arith.constant 640 : i32
    %dma_wait3A_594 = arith.constant 0 : i32
    %dma_wait3A_595 = tpu.memref_slice %arg6[%dma_wait3A_592, %dma_wait3A_593, %dma_wait3A_594] : memref<2x1664x32xf32, #tpu.memory_space<vmem>> -> memref<1x128x32xf32, #tpu.memory_space<vmem>>
    %dma_wait3A_596 = tpu.memref_squeeze %dma_wait3A_595 : memref<1x128x32xf32, #tpu.memory_space<vmem>> -> memref<128x32xf32, #tpu.memory_space<vmem>>
    %dma_wait3A_597 = arith.constant 0 : i32
    %dma_wait3A_598 = tpu.memref_slice %arg5[%dma_wait3A_590, %dma_wait3A_591, %dma_wait3A_597] : memref<8x13x128xi32, #tpu.memory_space<vmem>> -> memref<1x1x128xi32, #tpu.memory_space<vmem>>
    %dma_wait3A_599 = tpu.memref_squeeze %dma_wait3A_598 : memref<1x1x128xi32, #tpu.memory_space<vmem>> -> memref<128xi32, #tpu.memory_space<vmem>>
    %dma_wait3A_600 = arith.constant 0 : i32
    %dma_wait3A_601 = arith.constant 0 : i32
    %dma_wait3A_602 = tpu.memref_slice %arg3[%dma_wait3A_600, %dma_wait3A_601] : memref<1000000x32xf32, #tpu.memory_space<hbm>> -> memref<1000000x32xf32, #tpu.memory_space<hbm>>
    tpu.wait_indirect_dma semaphore(%arg7 : memref<!tpu.dma_semaphore, #tpu.memory_space<semaphore_mem>>) src(%dma_wait3A_602 : memref<1000000x32xf32, #tpu.memory_space<hbm>>) dst(%dma_wait3A_596 : memref<128x32xf32, #tpu.memory_space<vmem>>)
    %dma_wait3A_603 = arith.constant 1 : i32
    %dma_wait3A_604 = arith.constant 6 : i32
    %dma_wait3A_605 = arith.constant 1 : i32
    %dma_wait3A_606 = arith.constant 768 : i32
    %dma_wait3A_607 = arith.constant 0 : i32
    %dma_wait3A_608 = tpu.memref_slice %arg6[%dma_wait3A_605, %dma_wait3A_606, %dma_wait3A_607] : memref<2x1664x32xf32, #tpu.memory_space<vmem>> -> memref<1x128x32xf32, #tpu.memory_space<vmem>>
    %dma_wait3A_609 = tpu.memref_squeeze %dma_wait3A_608 : memref<1x128x32xf32, #tpu.memory_space<vmem>> -> memref<128x32xf32, #tpu.memory_space<vmem>>
    %dma_wait3A_610 = arith.constant 0 : i32
    %dma_wait3A_611 = tpu.memref_slice %arg5[%dma_wait3A_603, %dma_wait3A_604, %dma_wait3A_610] : memref<8x13x128xi32, #tpu.memory_space<vmem>> -> memref<1x1x128xi32, #tpu.memory_space<vmem>>
    %dma_wait3A_612 = tpu.memref_squeeze %dma_wait3A_611 : memref<1x1x128xi32, #tpu.memory_space<vmem>> -> memref<128xi32, #tpu.memory_space<vmem>>
    %dma_wait3A_613 = arith.constant 0 : i32
    %dma_wait3A_614 = arith.constant 0 : i32
    %dma_wait3A_615 = tpu.memref_slice %arg3[%dma_wait3A_613, %dma_wait3A_614] : memref<1000000x32xf32, #tpu.memory_space<hbm>> -> memref<1000000x32xf32, #tpu.memory_space<hbm>>
    tpu.wait_indirect_dma semaphore(%arg7 : memref<!tpu.dma_semaphore, #tpu.memory_space<semaphore_mem>>) src(%dma_wait3A_615 : memref<1000000x32xf32, #tpu.memory_space<hbm>>) dst(%dma_wait3A_609 : memref<128x32xf32, #tpu.memory_space<vmem>>)
    %dma_wait3A_616 = arith.constant 1 : i32
    %dma_wait3A_617 = arith.constant 7 : i32
    %dma_wait3A_618 = arith.constant 1 : i32
    %dma_wait3A_619 = arith.constant 896 : i32
    %dma_wait3A_620 = arith.constant 0 : i32
    %dma_wait3A_621 = tpu.memref_slice %arg6[%dma_wait3A_618, %dma_wait3A_619, %dma_wait3A_620] : memref<2x1664x32xf32, #tpu.memory_space<vmem>> -> memref<1x128x32xf32, #tpu.memory_space<vmem>>
    %dma_wait3A_622 = tpu.memref_squeeze %dma_wait3A_621 : memref<1x128x32xf32, #tpu.memory_space<vmem>> -> memref<128x32xf32, #tpu.memory_space<vmem>>
    %dma_wait3A_623 = arith.constant 0 : i32
    %dma_wait3A_624 = tpu.memref_slice %arg5[%dma_wait3A_616, %dma_wait3A_617, %dma_wait3A_623] : memref<8x13x128xi32, #tpu.memory_space<vmem>> -> memref<1x1x128xi32, #tpu.memory_space<vmem>>
    %dma_wait3A_625 = tpu.memref_squeeze %dma_wait3A_624 : memref<1x1x128xi32, #tpu.memory_space<vmem>> -> memref<128xi32, #tpu.memory_space<vmem>>
    %dma_wait3A_626 = arith.constant 0 : i32
    %dma_wait3A_627 = arith.constant 0 : i32
    %dma_wait3A_628 = tpu.memref_slice %arg3[%dma_wait3A_626, %dma_wait3A_627] : memref<1000000x32xf32, #tpu.memory_space<hbm>> -> memref<1000000x32xf32, #tpu.memory_space<hbm>>
    tpu.wait_indirect_dma semaphore(%arg7 : memref<!tpu.dma_semaphore, #tpu.memory_space<semaphore_mem>>) src(%dma_wait3A_628 : memref<1000000x32xf32, #tpu.memory_space<hbm>>) dst(%dma_wait3A_622 : memref<128x32xf32, #tpu.memory_space<vmem>>)
    %dma_wait3A_629 = arith.constant 1 : i32
    %dma_wait3A_630 = arith.constant 8 : i32
    %dma_wait3A_631 = arith.constant 1 : i32
    %dma_wait3A_632 = arith.constant 1024 : i32
    %dma_wait3A_633 = arith.constant 0 : i32
    %dma_wait3A_634 = tpu.memref_slice %arg6[%dma_wait3A_631, %dma_wait3A_632, %dma_wait3A_633] : memref<2x1664x32xf32, #tpu.memory_space<vmem>> -> memref<1x128x32xf32, #tpu.memory_space<vmem>>
    %dma_wait3A_635 = tpu.memref_squeeze %dma_wait3A_634 : memref<1x128x32xf32, #tpu.memory_space<vmem>> -> memref<128x32xf32, #tpu.memory_space<vmem>>
    %dma_wait3A_636 = arith.constant 0 : i32
    %dma_wait3A_637 = tpu.memref_slice %arg5[%dma_wait3A_629, %dma_wait3A_630, %dma_wait3A_636] : memref<8x13x128xi32, #tpu.memory_space<vmem>> -> memref<1x1x128xi32, #tpu.memory_space<vmem>>
    %dma_wait3A_638 = tpu.memref_squeeze %dma_wait3A_637 : memref<1x1x128xi32, #tpu.memory_space<vmem>> -> memref<128xi32, #tpu.memory_space<vmem>>
    %dma_wait3A_639 = arith.constant 0 : i32
    %dma_wait3A_640 = arith.constant 0 : i32
    %dma_wait3A_641 = tpu.memref_slice %arg3[%dma_wait3A_639, %dma_wait3A_640] : memref<1000000x32xf32, #tpu.memory_space<hbm>> -> memref<1000000x32xf32, #tpu.memory_space<hbm>>
    tpu.wait_indirect_dma semaphore(%arg7 : memref<!tpu.dma_semaphore, #tpu.memory_space<semaphore_mem>>) src(%dma_wait3A_641 : memref<1000000x32xf32, #tpu.memory_space<hbm>>) dst(%dma_wait3A_635 : memref<128x32xf32, #tpu.memory_space<vmem>>)
    %dma_wait3A_642 = arith.constant 1 : i32
    %dma_wait3A_643 = arith.constant 9 : i32
    %dma_wait3A_644 = arith.constant 1 : i32
    %dma_wait3A_645 = arith.constant 1152 : i32
    %dma_wait3A_646 = arith.constant 0 : i32
    %dma_wait3A_647 = tpu.memref_slice %arg6[%dma_wait3A_644, %dma_wait3A_645, %dma_wait3A_646] : memref<2x1664x32xf32, #tpu.memory_space<vmem>> -> memref<1x128x32xf32, #tpu.memory_space<vmem>>
    %dma_wait3A_648 = tpu.memref_squeeze %dma_wait3A_647 : memref<1x128x32xf32, #tpu.memory_space<vmem>> -> memref<128x32xf32, #tpu.memory_space<vmem>>
    %dma_wait3A_649 = arith.constant 0 : i32
    %dma_wait3A_650 = tpu.memref_slice %arg5[%dma_wait3A_642, %dma_wait3A_643, %dma_wait3A_649] : memref<8x13x128xi32, #tpu.memory_space<vmem>> -> memref<1x1x128xi32, #tpu.memory_space<vmem>>
    %dma_wait3A_651 = tpu.memref_squeeze %dma_wait3A_650 : memref<1x1x128xi32, #tpu.memory_space<vmem>> -> memref<128xi32, #tpu.memory_space<vmem>>
    %dma_wait3A_652 = arith.constant 0 : i32
    %dma_wait3A_653 = arith.constant 0 : i32
    %dma_wait3A_654 = tpu.memref_slice %arg3[%dma_wait3A_652, %dma_wait3A_653] : memref<1000000x32xf32, #tpu.memory_space<hbm>> -> memref<1000000x32xf32, #tpu.memory_space<hbm>>
    tpu.wait_indirect_dma semaphore(%arg7 : memref<!tpu.dma_semaphore, #tpu.memory_space<semaphore_mem>>) src(%dma_wait3A_654 : memref<1000000x32xf32, #tpu.memory_space<hbm>>) dst(%dma_wait3A_648 : memref<128x32xf32, #tpu.memory_space<vmem>>)
    %dma_wait3A_655 = arith.constant 1 : i32
    %dma_wait3A_656 = arith.constant 10 : i32
    %dma_wait3A_657 = arith.constant 1 : i32
    %dma_wait3A_658 = arith.constant 1280 : i32
    %dma_wait3A_659 = arith.constant 0 : i32
    %dma_wait3A_660 = tpu.memref_slice %arg6[%dma_wait3A_657, %dma_wait3A_658, %dma_wait3A_659] : memref<2x1664x32xf32, #tpu.memory_space<vmem>> -> memref<1x128x32xf32, #tpu.memory_space<vmem>>
    %dma_wait3A_661 = tpu.memref_squeeze %dma_wait3A_660 : memref<1x128x32xf32, #tpu.memory_space<vmem>> -> memref<128x32xf32, #tpu.memory_space<vmem>>
    %dma_wait3A_662 = arith.constant 0 : i32
    %dma_wait3A_663 = tpu.memref_slice %arg5[%dma_wait3A_655, %dma_wait3A_656, %dma_wait3A_662] : memref<8x13x128xi32, #tpu.memory_space<vmem>> -> memref<1x1x128xi32, #tpu.memory_space<vmem>>
    %dma_wait3A_664 = tpu.memref_squeeze %dma_wait3A_663 : memref<1x1x128xi32, #tpu.memory_space<vmem>> -> memref<128xi32, #tpu.memory_space<vmem>>
    %dma_wait3A_665 = arith.constant 0 : i32
    %dma_wait3A_666 = arith.constant 0 : i32
    %dma_wait3A_667 = tpu.memref_slice %arg3[%dma_wait3A_665, %dma_wait3A_666] : memref<1000000x32xf32, #tpu.memory_space<hbm>> -> memref<1000000x32xf32, #tpu.memory_space<hbm>>
    tpu.wait_indirect_dma semaphore(%arg7 : memref<!tpu.dma_semaphore, #tpu.memory_space<semaphore_mem>>) src(%dma_wait3A_667 : memref<1000000x32xf32, #tpu.memory_space<hbm>>) dst(%dma_wait3A_661 : memref<128x32xf32, #tpu.memory_space<vmem>>)
    %dma_wait3A_668 = arith.constant 1 : i32
    %dma_wait3A_669 = arith.constant 11 : i32
    %dma_wait3A_670 = arith.constant 1 : i32
    %dma_wait3A_671 = arith.constant 1408 : i32
    %dma_wait3A_672 = arith.constant 0 : i32
    %dma_wait3A_673 = tpu.memref_slice %arg6[%dma_wait3A_670, %dma_wait3A_671, %dma_wait3A_672] : memref<2x1664x32xf32, #tpu.memory_space<vmem>> -> memref<1x128x32xf32, #tpu.memory_space<vmem>>
    %dma_wait3A_674 = tpu.memref_squeeze %dma_wait3A_673 : memref<1x128x32xf32, #tpu.memory_space<vmem>> -> memref<128x32xf32, #tpu.memory_space<vmem>>
    %dma_wait3A_675 = arith.constant 0 : i32
    %dma_wait3A_676 = tpu.memref_slice %arg5[%dma_wait3A_668, %dma_wait3A_669, %dma_wait3A_675] : memref<8x13x128xi32, #tpu.memory_space<vmem>> -> memref<1x1x128xi32, #tpu.memory_space<vmem>>
    %dma_wait3A_677 = tpu.memref_squeeze %dma_wait3A_676 : memref<1x1x128xi32, #tpu.memory_space<vmem>> -> memref<128xi32, #tpu.memory_space<vmem>>
    %dma_wait3A_678 = arith.constant 0 : i32
    %dma_wait3A_679 = arith.constant 0 : i32
    %dma_wait3A_680 = tpu.memref_slice %arg3[%dma_wait3A_678, %dma_wait3A_679] : memref<1000000x32xf32, #tpu.memory_space<hbm>> -> memref<1000000x32xf32, #tpu.memory_space<hbm>>
    tpu.wait_indirect_dma semaphore(%arg7 : memref<!tpu.dma_semaphore, #tpu.memory_space<semaphore_mem>>) src(%dma_wait3A_680 : memref<1000000x32xf32, #tpu.memory_space<hbm>>) dst(%dma_wait3A_674 : memref<128x32xf32, #tpu.memory_space<vmem>>)
    %dma_wait3A_681 = arith.constant 1 : i32
    %dma_wait3A_682 = arith.constant 12 : i32
    %dma_wait3A_683 = arith.constant 1 : i32
    %dma_wait3A_684 = arith.constant 1536 : i32
    %dma_wait3A_685 = arith.constant 0 : i32
    %dma_wait3A_686 = tpu.memref_slice %arg6[%dma_wait3A_683, %dma_wait3A_684, %dma_wait3A_685] : memref<2x1664x32xf32, #tpu.memory_space<vmem>> -> memref<1x128x32xf32, #tpu.memory_space<vmem>>
    %dma_wait3A_687 = tpu.memref_squeeze %dma_wait3A_686 : memref<1x128x32xf32, #tpu.memory_space<vmem>> -> memref<128x32xf32, #tpu.memory_space<vmem>>
    %dma_wait3A_688 = arith.constant 0 : i32
    %dma_wait3A_689 = tpu.memref_slice %arg5[%dma_wait3A_681, %dma_wait3A_682, %dma_wait3A_688] : memref<8x13x128xi32, #tpu.memory_space<vmem>> -> memref<1x1x128xi32, #tpu.memory_space<vmem>>
    %dma_wait3A_690 = tpu.memref_squeeze %dma_wait3A_689 : memref<1x1x128xi32, #tpu.memory_space<vmem>> -> memref<128xi32, #tpu.memory_space<vmem>>
    %dma_wait3A_691 = arith.constant 0 : i32
    %dma_wait3A_692 = arith.constant 0 : i32
    %dma_wait3A_693 = tpu.memref_slice %arg3[%dma_wait3A_691, %dma_wait3A_692] : memref<1000000x32xf32, #tpu.memory_space<hbm>> -> memref<1000000x32xf32, #tpu.memory_space<hbm>>
    tpu.wait_indirect_dma semaphore(%arg7 : memref<!tpu.dma_semaphore, #tpu.memory_space<semaphore_mem>>) src(%dma_wait3A_693 : memref<1000000x32xf32, #tpu.memory_space<hbm>>) dst(%dma_wait3A_687 : memref<128x32xf32, #tpu.memory_space<vmem>>)
    %add3A_694 = arith.constant 1664 : i32
    %add3A_695 = arith.addi %mul3A_4, %add3A_694 : i32
    %dma_start3A_696 = arith.constant 1 : i32
    %dma_start3A_697 = arith.constant 0 : i32
    %dma_start3A_698 = arith.constant 0 : i32
    %dma_start3A_699 = tpu.memref_slice %arg6[%dma_start3A_696, %dma_start3A_697, %dma_start3A_698] : memref<2x1664x32xf32, #tpu.memory_space<vmem>> -> memref<1x1664x32xf32, #tpu.memory_space<vmem>>
    %dma_start3A_700 = tpu.memref_squeeze %dma_start3A_699 : memref<1x1664x32xf32, #tpu.memory_space<vmem>> -> memref<1664x32xf32, #tpu.memory_space<vmem>>
    %dma_start3A_701 = arith.constant 0 : i32
    %dma_start3A_702 = tpu.memref_slice %arg4[%add3A_695, %dma_start3A_701] : memref<425984x32xf32, #tpu.memory_space<hbm>> -> memref<1664x32xf32, #tpu.memory_space<hbm>>
    %dma_start3A_703 = arith.constant 0 : i32
    %dma_start3A_704 = tpu.memref_slice %arg4[%add3A_695, %dma_start3A_703] : memref<425984x32xf32, #tpu.memory_space<hbm>> -> memref<1664x32xf32, #tpu.memory_space<hbm>>
    %dma_start3A_705 = arith.constant 0 : i32
    %dma_start3A_706 = arith.constant 0 : i32
    %dma_start3A_707 = tpu.memref_slice %arg6[%dma_start3A_696, %dma_start3A_705, %dma_start3A_706] : memref<2x1664x32xf32, #tpu.memory_space<vmem>> -> memref<1x1664x32xf32, #tpu.memory_space<vmem>>
    %dma_start3A_708 = tpu.memref_squeeze %dma_start3A_707 : memref<1x1664x32xf32, #tpu.memory_space<vmem>> -> memref<1664x32xf32, #tpu.memory_space<vmem>>
    tpu.enqueue_dma source(%dma_start3A_708 : memref<1664x32xf32, #tpu.memory_space<vmem>>) target(%dma_start3A_704 : memref<1664x32xf32, #tpu.memory_space<hbm>>) target_semaphore(%arg9 : memref<!tpu.dma_semaphore, #tpu.memory_space<semaphore_mem>>)
    %scan3A = arith.constant 0 : i32
    %scan3A_709 = arith.constant 3 : i32
    %scan3A_710 = arith.addi %scan3A, %scan3A_709 : i32
    %scan3A_711 = arith.constant 1 : i32
    scf.for %scan3A_743 = %scan3A to %scan3A_710 step %scan3A_711  : i32 {
      %mul3A_744 = arith.constant 2 : i32
      %mul3A_745 = arith.muli %scan3A_743, %mul3A_744 : i32
      %add3A_746 = arith.constant 2 : i32
      %add3A_747 = arith.addi %add3A_746, %mul3A_745 : i32
      %dma_wait3A_748 = arith.constant 0 : i32
      %dma_wait3A_749 = arith.constant 0 : i32
      %dma_wait3A_750 = arith.constant 0 : i32
      %dma_wait3A_751 = tpu.memref_slice %arg6[%dma_wait3A_748, %dma_wait3A_749, %dma_wait3A_750] : memref<2x1664x32xf32, #tpu.memory_space<vmem>> -> memref<1x1664x32xf32, #tpu.memory_space<vmem>>
      %dma_wait3A_752 = tpu.memref_squeeze %dma_wait3A_751 : memref<1x1664x32xf32, #tpu.memory_space<vmem>> -> memref<1664x32xf32, #tpu.memory_space<vmem>>
      %dma_wait3A_753 = arith.constant 0 : i32
      %dma_wait3A_754 = arith.constant 0 : i32
      %dma_wait3A_755 = tpu.memref_slice %arg4[%dma_wait3A_753, %dma_wait3A_754] : memref<425984x32xf32, #tpu.memory_space<hbm>> -> memref<1664x32xf32, #tpu.memory_space<hbm>>
      %dma_wait3A_756 = arith.constant 0 : i32
      %dma_wait3A_757 = arith.constant 0 : i32
      %dma_wait3A_758 = tpu.memref_slice %arg4[%dma_wait3A_756, %dma_wait3A_757] : memref<425984x32xf32, #tpu.memory_space<hbm>> -> memref<1664x32xf32, #tpu.memory_space<hbm>>
      %dma_wait3A_759 = arith.constant 0 : i32
      %dma_wait3A_760 = arith.constant 0 : i32
      %dma_wait3A_761 = tpu.memref_slice %arg6[%dma_wait3A_748, %dma_wait3A_759, %dma_wait3A_760] : memref<2x1664x32xf32, #tpu.memory_space<vmem>> -> memref<1x1664x32xf32, #tpu.memory_space<vmem>>
      %dma_wait3A_762 = tpu.memref_squeeze %dma_wait3A_761 : memref<1x1664x32xf32, #tpu.memory_space<vmem>> -> memref<1664x32xf32, #tpu.memory_space<vmem>>
      tpu.wait_dma2 semaphore(%arg8 : memref<!tpu.dma_semaphore, #tpu.memory_space<semaphore_mem>>) src(%dma_wait3A_762 : memref<1664x32xf32, #tpu.memory_space<vmem>>) dst(%dma_wait3A_758 : memref<1664x32xf32, #tpu.memory_space<hbm>>)
      %add3A_763 = arith.constant 0 : i32
      %add3A_764 = arith.addi %add3A_747, %add3A_763 : i32
      %dma_start3A_765 = arith.constant 0 : i32
      %dma_start3A_766 = arith.constant 0 : i32
      %dma_start3A_767 = arith.constant 0 : i32
      %dma_start3A_768 = arith.constant 0 : i32
      %dma_start3A_769 = tpu.memref_slice %arg6[%dma_start3A_766, %dma_start3A_767, %dma_start3A_768] : memref<2x1664x32xf32, #tpu.memory_space<vmem>> -> memref<1x128x32xf32, #tpu.memory_space<vmem>>
      %dma_start3A_770 = tpu.memref_squeeze %dma_start3A_769 : memref<1x128x32xf32, #tpu.memory_space<vmem>> -> memref<128x32xf32, #tpu.memory_space<vmem>>
      %dma_start3A_771 = arith.constant 0 : i32
      %dma_start3A_772 = tpu.memref_slice %arg5[%add3A_764, %dma_start3A_765, %dma_start3A_771] : memref<8x13x128xi32, #tpu.memory_space<vmem>> -> memref<1x1x128xi32, #tpu.memory_space<vmem>>
      %dma_start3A_773 = tpu.memref_squeeze %dma_start3A_772 : memref<1x1x128xi32, #tpu.memory_space<vmem>> -> memref<128xi32, #tpu.memory_space<vmem>>
      %dma_start3A_774 = arith.constant 0 : i32
      %dma_start3A_775 = arith.constant 0 : i32
      %dma_start3A_776 = tpu.memref_slice %arg3[%dma_start3A_774, %dma_start3A_775] : memref<1000000x32xf32, #tpu.memory_space<hbm>> -> memref<1000000x32xf32, #tpu.memory_space<hbm>>
      tpu.enqueue_indirect_dma source(%dma_start3A_776 : memref<1000000x32xf32, #tpu.memory_space<hbm>>) target(%dma_start3A_770 : memref<128x32xf32, #tpu.memory_space<vmem>>) offsets(%dma_start3A_773 : memref<128xi32, #tpu.memory_space<vmem>>) semaphore(%arg7 : memref<!tpu.dma_semaphore, #tpu.memory_space<semaphore_mem>>)
      %dma_start3A_777 = arith.constant 1 : i32
      %dma_start3A_778 = arith.constant 0 : i32
      %dma_start3A_779 = arith.constant 128 : i32
      %dma_start3A_780 = arith.constant 0 : i32
      %dma_start3A_781 = tpu.memref_slice %arg6[%dma_start3A_778, %dma_start3A_779, %dma_start3A_780] : memref<2x1664x32xf32, #tpu.memory_space<vmem>> -> memref<1x128x32xf32, #tpu.memory_space<vmem>>
      %dma_start3A_782 = tpu.memref_squeeze %dma_start3A_781 : memref<1x128x32xf32, #tpu.memory_space<vmem>> -> memref<128x32xf32, #tpu.memory_space<vmem>>
      %dma_start3A_783 = arith.constant 0 : i32
      %dma_start3A_784 = tpu.memref_slice %arg5[%add3A_764, %dma_start3A_777, %dma_start3A_783] : memref<8x13x128xi32, #tpu.memory_space<vmem>> -> memref<1x1x128xi32, #tpu.memory_space<vmem>>
      %dma_start3A_785 = tpu.memref_squeeze %dma_start3A_784 : memref<1x1x128xi32, #tpu.memory_space<vmem>> -> memref<128xi32, #tpu.memory_space<vmem>>
      %dma_start3A_786 = arith.constant 0 : i32
      %dma_start3A_787 = arith.constant 0 : i32
      %dma_start3A_788 = tpu.memref_slice %arg3[%dma_start3A_786, %dma_start3A_787] : memref<1000000x32xf32, #tpu.memory_space<hbm>> -> memref<1000000x32xf32, #tpu.memory_space<hbm>>
      tpu.enqueue_indirect_dma source(%dma_start3A_788 : memref<1000000x32xf32, #tpu.memory_space<hbm>>) target(%dma_start3A_782 : memref<128x32xf32, #tpu.memory_space<vmem>>) offsets(%dma_start3A_785 : memref<128xi32, #tpu.memory_space<vmem>>) semaphore(%arg7 : memref<!tpu.dma_semaphore, #tpu.memory_space<semaphore_mem>>)
      %dma_start3A_789 = arith.constant 2 : i32
      %dma_start3A_790 = arith.constant 0 : i32
      %dma_start3A_791 = arith.constant 256 : i32
      %dma_start3A_792 = arith.constant 0 : i32
      %dma_start3A_793 = tpu.memref_slice %arg6[%dma_start3A_790, %dma_start3A_791, %dma_start3A_792] : memref<2x1664x32xf32, #tpu.memory_space<vmem>> -> memref<1x128x32xf32, #tpu.memory_space<vmem>>
      %dma_start3A_794 = tpu.memref_squeeze %dma_start3A_793 : memref<1x128x32xf32, #tpu.memory_space<vmem>> -> memref<128x32xf32, #tpu.memory_space<vmem>>
      %dma_start3A_795 = arith.constant 0 : i32
      %dma_start3A_796 = tpu.memref_slice %arg5[%add3A_764, %dma_start3A_789, %dma_start3A_795] : memref<8x13x128xi32, #tpu.memory_space<vmem>> -> memref<1x1x128xi32, #tpu.memory_space<vmem>>
      %dma_start3A_797 = tpu.memref_squeeze %dma_start3A_796 : memref<1x1x128xi32, #tpu.memory_space<vmem>> -> memref<128xi32, #tpu.memory_space<vmem>>
      %dma_start3A_798 = arith.constant 0 : i32
      %dma_start3A_799 = arith.constant 0 : i32
      %dma_start3A_800 = tpu.memref_slice %arg3[%dma_start3A_798, %dma_start3A_799] : memref<1000000x32xf32, #tpu.memory_space<hbm>> -> memref<1000000x32xf32, #tpu.memory_space<hbm>>
      tpu.enqueue_indirect_dma source(%dma_start3A_800 : memref<1000000x32xf32, #tpu.memory_space<hbm>>) target(%dma_start3A_794 : memref<128x32xf32, #tpu.memory_space<vmem>>) offsets(%dma_start3A_797 : memref<128xi32, #tpu.memory_space<vmem>>) semaphore(%arg7 : memref<!tpu.dma_semaphore, #tpu.memory_space<semaphore_mem>>)
      %dma_start3A_801 = arith.constant 3 : i32
      %dma_start3A_802 = arith.constant 0 : i32
      %dma_start3A_803 = arith.constant 384 : i32
      %dma_start3A_804 = arith.constant 0 : i32
      %dma_start3A_805 = tpu.memref_slice %arg6[%dma_start3A_802, %dma_start3A_803, %dma_start3A_804] : memref<2x1664x32xf32, #tpu.memory_space<vmem>> -> memref<1x128x32xf32, #tpu.memory_space<vmem>>
      %dma_start3A_806 = tpu.memref_squeeze %dma_start3A_805 : memref<1x128x32xf32, #tpu.memory_space<vmem>> -> memref<128x32xf32, #tpu.memory_space<vmem>>
      %dma_start3A_807 = arith.constant 0 : i32
      %dma_start3A_808 = tpu.memref_slice %arg5[%add3A_764, %dma_start3A_801, %dma_start3A_807] : memref<8x13x128xi32, #tpu.memory_space<vmem>> -> memref<1x1x128xi32, #tpu.memory_space<vmem>>
      %dma_start3A_809 = tpu.memref_squeeze %dma_start3A_808 : memref<1x1x128xi32, #tpu.memory_space<vmem>> -> memref<128xi32, #tpu.memory_space<vmem>>
      %dma_start3A_810 = arith.constant 0 : i32
      %dma_start3A_811 = arith.constant 0 : i32
      %dma_start3A_812 = tpu.memref_slice %arg3[%dma_start3A_810, %dma_start3A_811] : memref<1000000x32xf32, #tpu.memory_space<hbm>> -> memref<1000000x32xf32, #tpu.memory_space<hbm>>
      tpu.enqueue_indirect_dma source(%dma_start3A_812 : memref<1000000x32xf32, #tpu.memory_space<hbm>>) target(%dma_start3A_806 : memref<128x32xf32, #tpu.memory_space<vmem>>) offsets(%dma_start3A_809 : memref<128xi32, #tpu.memory_space<vmem>>) semaphore(%arg7 : memref<!tpu.dma_semaphore, #tpu.memory_space<semaphore_mem>>)
      %dma_start3A_813 = arith.constant 4 : i32
      %dma_start3A_814 = arith.constant 0 : i32
      %dma_start3A_815 = arith.constant 512 : i32
      %dma_start3A_816 = arith.constant 0 : i32
      %dma_start3A_817 = tpu.memref_slice %arg6[%dma_start3A_814, %dma_start3A_815, %dma_start3A_816] : memref<2x1664x32xf32, #tpu.memory_space<vmem>> -> memref<1x128x32xf32, #tpu.memory_space<vmem>>
      %dma_start3A_818 = tpu.memref_squeeze %dma_start3A_817 : memref<1x128x32xf32, #tpu.memory_space<vmem>> -> memref<128x32xf32, #tpu.memory_space<vmem>>
      %dma_start3A_819 = arith.constant 0 : i32
      %dma_start3A_820 = tpu.memref_slice %arg5[%add3A_764, %dma_start3A_813, %dma_start3A_819] : memref<8x13x128xi32, #tpu.memory_space<vmem>> -> memref<1x1x128xi32, #tpu.memory_space<vmem>>
      %dma_start3A_821 = tpu.memref_squeeze %dma_start3A_820 : memref<1x1x128xi32, #tpu.memory_space<vmem>> -> memref<128xi32, #tpu.memory_space<vmem>>
      %dma_start3A_822 = arith.constant 0 : i32
      %dma_start3A_823 = arith.constant 0 : i32
      %dma_start3A_824 = tpu.memref_slice %arg3[%dma_start3A_822, %dma_start3A_823] : memref<1000000x32xf32, #tpu.memory_space<hbm>> -> memref<1000000x32xf32, #tpu.memory_space<hbm>>
      tpu.enqueue_indirect_dma source(%dma_start3A_824 : memref<1000000x32xf32, #tpu.memory_space<hbm>>) target(%dma_start3A_818 : memref<128x32xf32, #tpu.memory_space<vmem>>) offsets(%dma_start3A_821 : memref<128xi32, #tpu.memory_space<vmem>>) semaphore(%arg7 : memref<!tpu.dma_semaphore, #tpu.memory_space<semaphore_mem>>)
      %dma_start3A_825 = arith.constant 5 : i32
      %dma_start3A_826 = arith.constant 0 : i32
      %dma_start3A_827 = arith.constant 640 : i32
      %dma_start3A_828 = arith.constant 0 : i32
      %dma_start3A_829 = tpu.memref_slice %arg6[%dma_start3A_826, %dma_start3A_827, %dma_start3A_828] : memref<2x1664x32xf32, #tpu.memory_space<vmem>> -> memref<1x128x32xf32, #tpu.memory_space<vmem>>
      %dma_start3A_830 = tpu.memref_squeeze %dma_start3A_829 : memref<1x128x32xf32, #tpu.memory_space<vmem>> -> memref<128x32xf32, #tpu.memory_space<vmem>>
      %dma_start3A_831 = arith.constant 0 : i32
      %dma_start3A_832 = tpu.memref_slice %arg5[%add3A_764, %dma_start3A_825, %dma_start3A_831] : memref<8x13x128xi32, #tpu.memory_space<vmem>> -> memref<1x1x128xi32, #tpu.memory_space<vmem>>
      %dma_start3A_833 = tpu.memref_squeeze %dma_start3A_832 : memref<1x1x128xi32, #tpu.memory_space<vmem>> -> memref<128xi32, #tpu.memory_space<vmem>>
      %dma_start3A_834 = arith.constant 0 : i32
      %dma_start3A_835 = arith.constant 0 : i32
      %dma_start3A_836 = tpu.memref_slice %arg3[%dma_start3A_834, %dma_start3A_835] : memref<1000000x32xf32, #tpu.memory_space<hbm>> -> memref<1000000x32xf32, #tpu.memory_space<hbm>>
      tpu.enqueue_indirect_dma source(%dma_start3A_836 : memref<1000000x32xf32, #tpu.memory_space<hbm>>) target(%dma_start3A_830 : memref<128x32xf32, #tpu.memory_space<vmem>>) offsets(%dma_start3A_833 : memref<128xi32, #tpu.memory_space<vmem>>) semaphore(%arg7 : memref<!tpu.dma_semaphore, #tpu.memory_space<semaphore_mem>>)
      %dma_start3A_837 = arith.constant 6 : i32
      %dma_start3A_838 = arith.constant 0 : i32
      %dma_start3A_839 = arith.constant 768 : i32
      %dma_start3A_840 = arith.constant 0 : i32
      %dma_start3A_841 = tpu.memref_slice %arg6[%dma_start3A_838, %dma_start3A_839, %dma_start3A_840] : memref<2x1664x32xf32, #tpu.memory_space<vmem>> -> memref<1x128x32xf32, #tpu.memory_space<vmem>>
      %dma_start3A_842 = tpu.memref_squeeze %dma_start3A_841 : memref<1x128x32xf32, #tpu.memory_space<vmem>> -> memref<128x32xf32, #tpu.memory_space<vmem>>
      %dma_start3A_843 = arith.constant 0 : i32
      %dma_start3A_844 = tpu.memref_slice %arg5[%add3A_764, %dma_start3A_837, %dma_start3A_843] : memref<8x13x128xi32, #tpu.memory_space<vmem>> -> memref<1x1x128xi32, #tpu.memory_space<vmem>>
      %dma_start3A_845 = tpu.memref_squeeze %dma_start3A_844 : memref<1x1x128xi32, #tpu.memory_space<vmem>> -> memref<128xi32, #tpu.memory_space<vmem>>
      %dma_start3A_846 = arith.constant 0 : i32
      %dma_start3A_847 = arith.constant 0 : i32
      %dma_start3A_848 = tpu.memref_slice %arg3[%dma_start3A_846, %dma_start3A_847] : memref<1000000x32xf32, #tpu.memory_space<hbm>> -> memref<1000000x32xf32, #tpu.memory_space<hbm>>
      tpu.enqueue_indirect_dma source(%dma_start3A_848 : memref<1000000x32xf32, #tpu.memory_space<hbm>>) target(%dma_start3A_842 : memref<128x32xf32, #tpu.memory_space<vmem>>) offsets(%dma_start3A_845 : memref<128xi32, #tpu.memory_space<vmem>>) semaphore(%arg7 : memref<!tpu.dma_semaphore, #tpu.memory_space<semaphore_mem>>)
      %dma_start3A_849 = arith.constant 7 : i32
      %dma_start3A_850 = arith.constant 0 : i32
      %dma_start3A_851 = arith.constant 896 : i32
      %dma_start3A_852 = arith.constant 0 : i32
      %dma_start3A_853 = tpu.memref_slice %arg6[%dma_start3A_850, %dma_start3A_851, %dma_start3A_852] : memref<2x1664x32xf32, #tpu.memory_space<vmem>> -> memref<1x128x32xf32, #tpu.memory_space<vmem>>
      %dma_start3A_854 = tpu.memref_squeeze %dma_start3A_853 : memref<1x128x32xf32, #tpu.memory_space<vmem>> -> memref<128x32xf32, #tpu.memory_space<vmem>>
      %dma_start3A_855 = arith.constant 0 : i32
      %dma_start3A_856 = tpu.memref_slice %arg5[%add3A_764, %dma_start3A_849, %dma_start3A_855] : memref<8x13x128xi32, #tpu.memory_space<vmem>> -> memref<1x1x128xi32, #tpu.memory_space<vmem>>
      %dma_start3A_857 = tpu.memref_squeeze %dma_start3A_856 : memref<1x1x128xi32, #tpu.memory_space<vmem>> -> memref<128xi32, #tpu.memory_space<vmem>>
      %dma_start3A_858 = arith.constant 0 : i32
      %dma_start3A_859 = arith.constant 0 : i32
      %dma_start3A_860 = tpu.memref_slice %arg3[%dma_start3A_858, %dma_start3A_859] : memref<1000000x32xf32, #tpu.memory_space<hbm>> -> memref<1000000x32xf32, #tpu.memory_space<hbm>>
      tpu.enqueue_indirect_dma source(%dma_start3A_860 : memref<1000000x32xf32, #tpu.memory_space<hbm>>) target(%dma_start3A_854 : memref<128x32xf32, #tpu.memory_space<vmem>>) offsets(%dma_start3A_857 : memref<128xi32, #tpu.memory_space<vmem>>) semaphore(%arg7 : memref<!tpu.dma_semaphore, #tpu.memory_space<semaphore_mem>>)
      %dma_start3A_861 = arith.constant 8 : i32
      %dma_start3A_862 = arith.constant 0 : i32
      %dma_start3A_863 = arith.constant 1024 : i32
      %dma_start3A_864 = arith.constant 0 : i32
      %dma_start3A_865 = tpu.memref_slice %arg6[%dma_start3A_862, %dma_start3A_863, %dma_start3A_864] : memref<2x1664x32xf32, #tpu.memory_space<vmem>> -> memref<1x128x32xf32, #tpu.memory_space<vmem>>
      %dma_start3A_866 = tpu.memref_squeeze %dma_start3A_865 : memref<1x128x32xf32, #tpu.memory_space<vmem>> -> memref<128x32xf32, #tpu.memory_space<vmem>>
      %dma_start3A_867 = arith.constant 0 : i32
      %dma_start3A_868 = tpu.memref_slice %arg5[%add3A_764, %dma_start3A_861, %dma_start3A_867] : memref<8x13x128xi32, #tpu.memory_space<vmem>> -> memref<1x1x128xi32, #tpu.memory_space<vmem>>
      %dma_start3A_869 = tpu.memref_squeeze %dma_start3A_868 : memref<1x1x128xi32, #tpu.memory_space<vmem>> -> memref<128xi32, #tpu.memory_space<vmem>>
      %dma_start3A_870 = arith.constant 0 : i32
      %dma_start3A_871 = arith.constant 0 : i32
      %dma_start3A_872 = tpu.memref_slice %arg3[%dma_start3A_870, %dma_start3A_871] : memref<1000000x32xf32, #tpu.memory_space<hbm>> -> memref<1000000x32xf32, #tpu.memory_space<hbm>>
      tpu.enqueue_indirect_dma source(%dma_start3A_872 : memref<1000000x32xf32, #tpu.memory_space<hbm>>) target(%dma_start3A_866 : memref<128x32xf32, #tpu.memory_space<vmem>>) offsets(%dma_start3A_869 : memref<128xi32, #tpu.memory_space<vmem>>) semaphore(%arg7 : memref<!tpu.dma_semaphore, #tpu.memory_space<semaphore_mem>>)
      %dma_start3A_873 = arith.constant 9 : i32
      %dma_start3A_874 = arith.constant 0 : i32
      %dma_start3A_875 = arith.constant 1152 : i32
      %dma_start3A_876 = arith.constant 0 : i32
      %dma_start3A_877 = tpu.memref_slice %arg6[%dma_start3A_874, %dma_start3A_875, %dma_start3A_876] : memref<2x1664x32xf32, #tpu.memory_space<vmem>> -> memref<1x128x32xf32, #tpu.memory_space<vmem>>
      %dma_start3A_878 = tpu.memref_squeeze %dma_start3A_877 : memref<1x128x32xf32, #tpu.memory_space<vmem>> -> memref<128x32xf32, #tpu.memory_space<vmem>>
      %dma_start3A_879 = arith.constant 0 : i32
      %dma_start3A_880 = tpu.memref_slice %arg5[%add3A_764, %dma_start3A_873, %dma_start3A_879] : memref<8x13x128xi32, #tpu.memory_space<vmem>> -> memref<1x1x128xi32, #tpu.memory_space<vmem>>
      %dma_start3A_881 = tpu.memref_squeeze %dma_start3A_880 : memref<1x1x128xi32, #tpu.memory_space<vmem>> -> memref<128xi32, #tpu.memory_space<vmem>>
      %dma_start3A_882 = arith.constant 0 : i32
      %dma_start3A_883 = arith.constant 0 : i32
      %dma_start3A_884 = tpu.memref_slice %arg3[%dma_start3A_882, %dma_start3A_883] : memref<1000000x32xf32, #tpu.memory_space<hbm>> -> memref<1000000x32xf32, #tpu.memory_space<hbm>>
      tpu.enqueue_indirect_dma source(%dma_start3A_884 : memref<1000000x32xf32, #tpu.memory_space<hbm>>) target(%dma_start3A_878 : memref<128x32xf32, #tpu.memory_space<vmem>>) offsets(%dma_start3A_881 : memref<128xi32, #tpu.memory_space<vmem>>) semaphore(%arg7 : memref<!tpu.dma_semaphore, #tpu.memory_space<semaphore_mem>>)
      %dma_start3A_885 = arith.constant 10 : i32
      %dma_start3A_886 = arith.constant 0 : i32
      %dma_start3A_887 = arith.constant 1280 : i32
      %dma_start3A_888 = arith.constant 0 : i32
      %dma_start3A_889 = tpu.memref_slice %arg6[%dma_start3A_886, %dma_start3A_887, %dma_start3A_888] : memref<2x1664x32xf32, #tpu.memory_space<vmem>> -> memref<1x128x32xf32, #tpu.memory_space<vmem>>
      %dma_start3A_890 = tpu.memref_squeeze %dma_start3A_889 : memref<1x128x32xf32, #tpu.memory_space<vmem>> -> memref<128x32xf32, #tpu.memory_space<vmem>>
      %dma_start3A_891 = arith.constant 0 : i32
      %dma_start3A_892 = tpu.memref_slice %arg5[%add3A_764, %dma_start3A_885, %dma_start3A_891] : memref<8x13x128xi32, #tpu.memory_space<vmem>> -> memref<1x1x128xi32, #tpu.memory_space<vmem>>
      %dma_start3A_893 = tpu.memref_squeeze %dma_start3A_892 : memref<1x1x128xi32, #tpu.memory_space<vmem>> -> memref<128xi32, #tpu.memory_space<vmem>>
      %dma_start3A_894 = arith.constant 0 : i32
      %dma_start3A_895 = arith.constant 0 : i32
      %dma_start3A_896 = tpu.memref_slice %arg3[%dma_start3A_894, %dma_start3A_895] : memref<1000000x32xf32, #tpu.memory_space<hbm>> -> memref<1000000x32xf32, #tpu.memory_space<hbm>>
      tpu.enqueue_indirect_dma source(%dma_start3A_896 : memref<1000000x32xf32, #tpu.memory_space<hbm>>) target(%dma_start3A_890 : memref<128x32xf32, #tpu.memory_space<vmem>>) offsets(%dma_start3A_893 : memref<128xi32, #tpu.memory_space<vmem>>) semaphore(%arg7 : memref<!tpu.dma_semaphore, #tpu.memory_space<semaphore_mem>>)
      %dma_start3A_897 = arith.constant 11 : i32
      %dma_start3A_898 = arith.constant 0 : i32
      %dma_start3A_899 = arith.constant 1408 : i32
      %dma_start3A_900 = arith.constant 0 : i32
      %dma_start3A_901 = tpu.memref_slice %arg6[%dma_start3A_898, %dma_start3A_899, %dma_start3A_900] : memref<2x1664x32xf32, #tpu.memory_space<vmem>> -> memref<1x128x32xf32, #tpu.memory_space<vmem>>
      %dma_start3A_902 = tpu.memref_squeeze %dma_start3A_901 : memref<1x128x32xf32, #tpu.memory_space<vmem>> -> memref<128x32xf32, #tpu.memory_space<vmem>>
      %dma_start3A_903 = arith.constant 0 : i32
      %dma_start3A_904 = tpu.memref_slice %arg5[%add3A_764, %dma_start3A_897, %dma_start3A_903] : memref<8x13x128xi32, #tpu.memory_space<vmem>> -> memref<1x1x128xi32, #tpu.memory_space<vmem>>
      %dma_start3A_905 = tpu.memref_squeeze %dma_start3A_904 : memref<1x1x128xi32, #tpu.memory_space<vmem>> -> memref<128xi32, #tpu.memory_space<vmem>>
      %dma_start3A_906 = arith.constant 0 : i32
      %dma_start3A_907 = arith.constant 0 : i32
      %dma_start3A_908 = tpu.memref_slice %arg3[%dma_start3A_906, %dma_start3A_907] : memref<1000000x32xf32, #tpu.memory_space<hbm>> -> memref<1000000x32xf32, #tpu.memory_space<hbm>>
      tpu.enqueue_indirect_dma source(%dma_start3A_908 : memref<1000000x32xf32, #tpu.memory_space<hbm>>) target(%dma_start3A_902 : memref<128x32xf32, #tpu.memory_space<vmem>>) offsets(%dma_start3A_905 : memref<128xi32, #tpu.memory_space<vmem>>) semaphore(%arg7 : memref<!tpu.dma_semaphore, #tpu.memory_space<semaphore_mem>>)
      %dma_start3A_909 = arith.constant 12 : i32
      %dma_start3A_910 = arith.constant 0 : i32
      %dma_start3A_911 = arith.constant 1536 : i32
      %dma_start3A_912 = arith.constant 0 : i32
      %dma_start3A_913 = tpu.memref_slice %arg6[%dma_start3A_910, %dma_start3A_911, %dma_start3A_912] : memref<2x1664x32xf32, #tpu.memory_space<vmem>> -> memref<1x128x32xf32, #tpu.memory_space<vmem>>
      %dma_start3A_914 = tpu.memref_squeeze %dma_start3A_913 : memref<1x128x32xf32, #tpu.memory_space<vmem>> -> memref<128x32xf32, #tpu.memory_space<vmem>>
      %dma_start3A_915 = arith.constant 0 : i32
      %dma_start3A_916 = tpu.memref_slice %arg5[%add3A_764, %dma_start3A_909, %dma_start3A_915] : memref<8x13x128xi32, #tpu.memory_space<vmem>> -> memref<1x1x128xi32, #tpu.memory_space<vmem>>
      %dma_start3A_917 = tpu.memref_squeeze %dma_start3A_916 : memref<1x1x128xi32, #tpu.memory_space<vmem>> -> memref<128xi32, #tpu.memory_space<vmem>>
      %dma_start3A_918 = arith.constant 0 : i32
      %dma_start3A_919 = arith.constant 0 : i32
      %dma_start3A_920 = tpu.memref_slice %arg3[%dma_start3A_918, %dma_start3A_919] : memref<1000000x32xf32, #tpu.memory_space<hbm>> -> memref<1000000x32xf32, #tpu.memory_space<hbm>>
      tpu.enqueue_indirect_dma source(%dma_start3A_920 : memref<1000000x32xf32, #tpu.memory_space<hbm>>) target(%dma_start3A_914 : memref<128x32xf32, #tpu.memory_space<vmem>>) offsets(%dma_start3A_917 : memref<128xi32, #tpu.memory_space<vmem>>) semaphore(%arg7 : memref<!tpu.dma_semaphore, #tpu.memory_space<semaphore_mem>>)
      %dma_wait3A_921 = arith.constant 0 : i32
      %dma_wait3A_922 = arith.constant 0 : i32
      %dma_wait3A_923 = arith.constant 0 : i32
      %dma_wait3A_924 = arith.constant 0 : i32
      %dma_wait3A_925 = tpu.memref_slice %arg6[%dma_wait3A_922, %dma_wait3A_923, %dma_wait3A_924] : memref<2x1664x32xf32, #tpu.memory_space<vmem>> -> memref<1x128x32xf32, #tpu.memory_space<vmem>>
      %dma_wait3A_926 = tpu.memref_squeeze %dma_wait3A_925 : memref<1x128x32xf32, #tpu.memory_space<vmem>> -> memref<128x32xf32, #tpu.memory_space<vmem>>
      %dma_wait3A_927 = arith.constant 0 : i32
      %dma_wait3A_928 = tpu.memref_slice %arg5[%add3A_764, %dma_wait3A_921, %dma_wait3A_927] : memref<8x13x128xi32, #tpu.memory_space<vmem>> -> memref<1x1x128xi32, #tpu.memory_space<vmem>>
      %dma_wait3A_929 = tpu.memref_squeeze %dma_wait3A_928 : memref<1x1x128xi32, #tpu.memory_space<vmem>> -> memref<128xi32, #tpu.memory_space<vmem>>
      %dma_wait3A_930 = arith.constant 0 : i32
      %dma_wait3A_931 = arith.constant 0 : i32
      %dma_wait3A_932 = tpu.memref_slice %arg3[%dma_wait3A_930, %dma_wait3A_931] : memref<1000000x32xf32, #tpu.memory_space<hbm>> -> memref<1000000x32xf32, #tpu.memory_space<hbm>>
      tpu.wait_indirect_dma semaphore(%arg7 : memref<!tpu.dma_semaphore, #tpu.memory_space<semaphore_mem>>) src(%dma_wait3A_932 : memref<1000000x32xf32, #tpu.memory_space<hbm>>) dst(%dma_wait3A_926 : memref<128x32xf32, #tpu.memory_space<vmem>>)
      %dma_wait3A_933 = arith.constant 1 : i32
      %dma_wait3A_934 = arith.constant 0 : i32
      %dma_wait3A_935 = arith.constant 128 : i32
      %dma_wait3A_936 = arith.constant 0 : i32
      %dma_wait3A_937 = tpu.memref_slice %arg6[%dma_wait3A_934, %dma_wait3A_935, %dma_wait3A_936] : memref<2x1664x32xf32, #tpu.memory_space<vmem>> -> memref<1x128x32xf32, #tpu.memory_space<vmem>>
      %dma_wait3A_938 = tpu.memref_squeeze %dma_wait3A_937 : memref<1x128x32xf32, #tpu.memory_space<vmem>> -> memref<128x32xf32, #tpu.memory_space<vmem>>
      %dma_wait3A_939 = arith.constant 0 : i32
      %dma_wait3A_940 = tpu.memref_slice %arg5[%add3A_764, %dma_wait3A_933, %dma_wait3A_939] : memref<8x13x128xi32, #tpu.memory_space<vmem>> -> memref<1x1x128xi32, #tpu.memory_space<vmem>>
      %dma_wait3A_941 = tpu.memref_squeeze %dma_wait3A_940 : memref<1x1x128xi32, #tpu.memory_space<vmem>> -> memref<128xi32, #tpu.memory_space<vmem>>
      %dma_wait3A_942 = arith.constant 0 : i32
      %dma_wait3A_943 = arith.constant 0 : i32
      %dma_wait3A_944 = tpu.memref_slice %arg3[%dma_wait3A_942, %dma_wait3A_943] : memref<1000000x32xf32, #tpu.memory_space<hbm>> -> memref<1000000x32xf32, #tpu.memory_space<hbm>>
      tpu.wait_indirect_dma semaphore(%arg7 : memref<!tpu.dma_semaphore, #tpu.memory_space<semaphore_mem>>) src(%dma_wait3A_944 : memref<1000000x32xf32, #tpu.memory_space<hbm>>) dst(%dma_wait3A_938 : memref<128x32xf32, #tpu.memory_space<vmem>>)
      %dma_wait3A_945 = arith.constant 2 : i32
      %dma_wait3A_946 = arith.constant 0 : i32
      %dma_wait3A_947 = arith.constant 256 : i32
      %dma_wait3A_948 = arith.constant 0 : i32
      %dma_wait3A_949 = tpu.memref_slice %arg6[%dma_wait3A_946, %dma_wait3A_947, %dma_wait3A_948] : memref<2x1664x32xf32, #tpu.memory_space<vmem>> -> memref<1x128x32xf32, #tpu.memory_space<vmem>>
      %dma_wait3A_950 = tpu.memref_squeeze %dma_wait3A_949 : memref<1x128x32xf32, #tpu.memory_space<vmem>> -> memref<128x32xf32, #tpu.memory_space<vmem>>
      %dma_wait3A_951 = arith.constant 0 : i32
      %dma_wait3A_952 = tpu.memref_slice %arg5[%add3A_764, %dma_wait3A_945, %dma_wait3A_951] : memref<8x13x128xi32, #tpu.memory_space<vmem>> -> memref<1x1x128xi32, #tpu.memory_space<vmem>>
      %dma_wait3A_953 = tpu.memref_squeeze %dma_wait3A_952 : memref<1x1x128xi32, #tpu.memory_space<vmem>> -> memref<128xi32, #tpu.memory_space<vmem>>
      %dma_wait3A_954 = arith.constant 0 : i32
      %dma_wait3A_955 = arith.constant 0 : i32
      %dma_wait3A_956 = tpu.memref_slice %arg3[%dma_wait3A_954, %dma_wait3A_955] : memref<1000000x32xf32, #tpu.memory_space<hbm>> -> memref<1000000x32xf32, #tpu.memory_space<hbm>>
      tpu.wait_indirect_dma semaphore(%arg7 : memref<!tpu.dma_semaphore, #tpu.memory_space<semaphore_mem>>) src(%dma_wait3A_956 : memref<1000000x32xf32, #tpu.memory_space<hbm>>) dst(%dma_wait3A_950 : memref<128x32xf32, #tpu.memory_space<vmem>>)
      %dma_wait3A_957 = arith.constant 3 : i32
      %dma_wait3A_958 = arith.constant 0 : i32
      %dma_wait3A_959 = arith.constant 384 : i32
      %dma_wait3A_960 = arith.constant 0 : i32
      %dma_wait3A_961 = tpu.memref_slice %arg6[%dma_wait3A_958, %dma_wait3A_959, %dma_wait3A_960] : memref<2x1664x32xf32, #tpu.memory_space<vmem>> -> memref<1x128x32xf32, #tpu.memory_space<vmem>>
      %dma_wait3A_962 = tpu.memref_squeeze %dma_wait3A_961 : memref<1x128x32xf32, #tpu.memory_space<vmem>> -> memref<128x32xf32, #tpu.memory_space<vmem>>
      %dma_wait3A_963 = arith.constant 0 : i32
      %dma_wait3A_964 = tpu.memref_slice %arg5[%add3A_764, %dma_wait3A_957, %dma_wait3A_963] : memref<8x13x128xi32, #tpu.memory_space<vmem>> -> memref<1x1x128xi32, #tpu.memory_space<vmem>>
      %dma_wait3A_965 = tpu.memref_squeeze %dma_wait3A_964 : memref<1x1x128xi32, #tpu.memory_space<vmem>> -> memref<128xi32, #tpu.memory_space<vmem>>
      %dma_wait3A_966 = arith.constant 0 : i32
      %dma_wait3A_967 = arith.constant 0 : i32
      %dma_wait3A_968 = tpu.memref_slice %arg3[%dma_wait3A_966, %dma_wait3A_967] : memref<1000000x32xf32, #tpu.memory_space<hbm>> -> memref<1000000x32xf32, #tpu.memory_space<hbm>>
      tpu.wait_indirect_dma semaphore(%arg7 : memref<!tpu.dma_semaphore, #tpu.memory_space<semaphore_mem>>) src(%dma_wait3A_968 : memref<1000000x32xf32, #tpu.memory_space<hbm>>) dst(%dma_wait3A_962 : memref<128x32xf32, #tpu.memory_space<vmem>>)
      %dma_wait3A_969 = arith.constant 4 : i32
      %dma_wait3A_970 = arith.constant 0 : i32
      %dma_wait3A_971 = arith.constant 512 : i32
      %dma_wait3A_972 = arith.constant 0 : i32
      %dma_wait3A_973 = tpu.memref_slice %arg6[%dma_wait3A_970, %dma_wait3A_971, %dma_wait3A_972] : memref<2x1664x32xf32, #tpu.memory_space<vmem>> -> memref<1x128x32xf32, #tpu.memory_space<vmem>>
      %dma_wait3A_974 = tpu.memref_squeeze %dma_wait3A_973 : memref<1x128x32xf32, #tpu.memory_space<vmem>> -> memref<128x32xf32, #tpu.memory_space<vmem>>
      %dma_wait3A_975 = arith.constant 0 : i32
      %dma_wait3A_976 = tpu.memref_slice %arg5[%add3A_764, %dma_wait3A_969, %dma_wait3A_975] : memref<8x13x128xi32, #tpu.memory_space<vmem>> -> memref<1x1x128xi32, #tpu.memory_space<vmem>>
      %dma_wait3A_977 = tpu.memref_squeeze %dma_wait3A_976 : memref<1x1x128xi32, #tpu.memory_space<vmem>> -> memref<128xi32, #tpu.memory_space<vmem>>
      %dma_wait3A_978 = arith.constant 0 : i32
      %dma_wait3A_979 = arith.constant 0 : i32
      %dma_wait3A_980 = tpu.memref_slice %arg3[%dma_wait3A_978, %dma_wait3A_979] : memref<1000000x32xf32, #tpu.memory_space<hbm>> -> memref<1000000x32xf32, #tpu.memory_space<hbm>>
      tpu.wait_indirect_dma semaphore(%arg7 : memref<!tpu.dma_semaphore, #tpu.memory_space<semaphore_mem>>) src(%dma_wait3A_980 : memref<1000000x32xf32, #tpu.memory_space<hbm>>) dst(%dma_wait3A_974 : memref<128x32xf32, #tpu.memory_space<vmem>>)
      %dma_wait3A_981 = arith.constant 5 : i32
      %dma_wait3A_982 = arith.constant 0 : i32
      %dma_wait3A_983 = arith.constant 640 : i32
      %dma_wait3A_984 = arith.constant 0 : i32
      %dma_wait3A_985 = tpu.memref_slice %arg6[%dma_wait3A_982, %dma_wait3A_983, %dma_wait3A_984] : memref<2x1664x32xf32, #tpu.memory_space<vmem>> -> memref<1x128x32xf32, #tpu.memory_space<vmem>>
      %dma_wait3A_986 = tpu.memref_squeeze %dma_wait3A_985 : memref<1x128x32xf32, #tpu.memory_space<vmem>> -> memref<128x32xf32, #tpu.memory_space<vmem>>
      %dma_wait3A_987 = arith.constant 0 : i32
      %dma_wait3A_988 = tpu.memref_slice %arg5[%add3A_764, %dma_wait3A_981, %dma_wait3A_987] : memref<8x13x128xi32, #tpu.memory_space<vmem>> -> memref<1x1x128xi32, #tpu.memory_space<vmem>>
      %dma_wait3A_989 = tpu.memref_squeeze %dma_wait3A_988 : memref<1x1x128xi32, #tpu.memory_space<vmem>> -> memref<128xi32, #tpu.memory_space<vmem>>
      %dma_wait3A_990 = arith.constant 0 : i32
      %dma_wait3A_991 = arith.constant 0 : i32
      %dma_wait3A_992 = tpu.memref_slice %arg3[%dma_wait3A_990, %dma_wait3A_991] : memref<1000000x32xf32, #tpu.memory_space<hbm>> -> memref<1000000x32xf32, #tpu.memory_space<hbm>>
      tpu.wait_indirect_dma semaphore(%arg7 : memref<!tpu.dma_semaphore, #tpu.memory_space<semaphore_mem>>) src(%dma_wait3A_992 : memref<1000000x32xf32, #tpu.memory_space<hbm>>) dst(%dma_wait3A_986 : memref<128x32xf32, #tpu.memory_space<vmem>>)
      %dma_wait3A_993 = arith.constant 6 : i32
      %dma_wait3A_994 = arith.constant 0 : i32
      %dma_wait3A_995 = arith.constant 768 : i32
      %dma_wait3A_996 = arith.constant 0 : i32
      %dma_wait3A_997 = tpu.memref_slice %arg6[%dma_wait3A_994, %dma_wait3A_995, %dma_wait3A_996] : memref<2x1664x32xf32, #tpu.memory_space<vmem>> -> memref<1x128x32xf32, #tpu.memory_space<vmem>>
      %dma_wait3A_998 = tpu.memref_squeeze %dma_wait3A_997 : memref<1x128x32xf32, #tpu.memory_space<vmem>> -> memref<128x32xf32, #tpu.memory_space<vmem>>
      %dma_wait3A_999 = arith.constant 0 : i32
      %dma_wait3A_1000 = tpu.memref_slice %arg5[%add3A_764, %dma_wait3A_993, %dma_wait3A_999] : memref<8x13x128xi32, #tpu.memory_space<vmem>> -> memref<1x1x128xi32, #tpu.memory_space<vmem>>
      %dma_wait3A_1001 = tpu.memref_squeeze %dma_wait3A_1000 : memref<1x1x128xi32, #tpu.memory_space<vmem>> -> memref<128xi32, #tpu.memory_space<vmem>>
      %dma_wait3A_1002 = arith.constant 0 : i32
      %dma_wait3A_1003 = arith.constant 0 : i32
      %dma_wait3A_1004 = tpu.memref_slice %arg3[%dma_wait3A_1002, %dma_wait3A_1003] : memref<1000000x32xf32, #tpu.memory_space<hbm>> -> memref<1000000x32xf32, #tpu.memory_space<hbm>>
      tpu.wait_indirect_dma semaphore(%arg7 : memref<!tpu.dma_semaphore, #tpu.memory_space<semaphore_mem>>) src(%dma_wait3A_1004 : memref<1000000x32xf32, #tpu.memory_space<hbm>>) dst(%dma_wait3A_998 : memref<128x32xf32, #tpu.memory_space<vmem>>)
      %dma_wait3A_1005 = arith.constant 7 : i32
      %dma_wait3A_1006 = arith.constant 0 : i32
      %dma_wait3A_1007 = arith.constant 896 : i32
      %dma_wait3A_1008 = arith.constant 0 : i32
      %dma_wait3A_1009 = tpu.memref_slice %arg6[%dma_wait3A_1006, %dma_wait3A_1007, %dma_wait3A_1008] : memref<2x1664x32xf32, #tpu.memory_space<vmem>> -> memref<1x128x32xf32, #tpu.memory_space<vmem>>
      %dma_wait3A_1010 = tpu.memref_squeeze %dma_wait3A_1009 : memref<1x128x32xf32, #tpu.memory_space<vmem>> -> memref<128x32xf32, #tpu.memory_space<vmem>>
      %dma_wait3A_1011 = arith.constant 0 : i32
      %dma_wait3A_1012 = tpu.memref_slice %arg5[%add3A_764, %dma_wait3A_1005, %dma_wait3A_1011] : memref<8x13x128xi32, #tpu.memory_space<vmem>> -> memref<1x1x128xi32, #tpu.memory_space<vmem>>
      %dma_wait3A_1013 = tpu.memref_squeeze %dma_wait3A_1012 : memref<1x1x128xi32, #tpu.memory_space<vmem>> -> memref<128xi32, #tpu.memory_space<vmem>>
      %dma_wait3A_1014 = arith.constant 0 : i32
      %dma_wait3A_1015 = arith.constant 0 : i32
      %dma_wait3A_1016 = tpu.memref_slice %arg3[%dma_wait3A_1014, %dma_wait3A_1015] : memref<1000000x32xf32, #tpu.memory_space<hbm>> -> memref<1000000x32xf32, #tpu.memory_space<hbm>>
      tpu.wait_indirect_dma semaphore(%arg7 : memref<!tpu.dma_semaphore, #tpu.memory_space<semaphore_mem>>) src(%dma_wait3A_1016 : memref<1000000x32xf32, #tpu.memory_space<hbm>>) dst(%dma_wait3A_1010 : memref<128x32xf32, #tpu.memory_space<vmem>>)
      %dma_wait3A_1017 = arith.constant 8 : i32
      %dma_wait3A_1018 = arith.constant 0 : i32
      %dma_wait3A_1019 = arith.constant 1024 : i32
      %dma_wait3A_1020 = arith.constant 0 : i32
      %dma_wait3A_1021 = tpu.memref_slice %arg6[%dma_wait3A_1018, %dma_wait3A_1019, %dma_wait3A_1020] : memref<2x1664x32xf32, #tpu.memory_space<vmem>> -> memref<1x128x32xf32, #tpu.memory_space<vmem>>
      %dma_wait3A_1022 = tpu.memref_squeeze %dma_wait3A_1021 : memref<1x128x32xf32, #tpu.memory_space<vmem>> -> memref<128x32xf32, #tpu.memory_space<vmem>>
      %dma_wait3A_1023 = arith.constant 0 : i32
      %dma_wait3A_1024 = tpu.memref_slice %arg5[%add3A_764, %dma_wait3A_1017, %dma_wait3A_1023] : memref<8x13x128xi32, #tpu.memory_space<vmem>> -> memref<1x1x128xi32, #tpu.memory_space<vmem>>
      %dma_wait3A_1025 = tpu.memref_squeeze %dma_wait3A_1024 : memref<1x1x128xi32, #tpu.memory_space<vmem>> -> memref<128xi32, #tpu.memory_space<vmem>>
      %dma_wait3A_1026 = arith.constant 0 : i32
      %dma_wait3A_1027 = arith.constant 0 : i32
      %dma_wait3A_1028 = tpu.memref_slice %arg3[%dma_wait3A_1026, %dma_wait3A_1027] : memref<1000000x32xf32, #tpu.memory_space<hbm>> -> memref<1000000x32xf32, #tpu.memory_space<hbm>>
      tpu.wait_indirect_dma semaphore(%arg7 : memref<!tpu.dma_semaphore, #tpu.memory_space<semaphore_mem>>) src(%dma_wait3A_1028 : memref<1000000x32xf32, #tpu.memory_space<hbm>>) dst(%dma_wait3A_1022 : memref<128x32xf32, #tpu.memory_space<vmem>>)
      %dma_wait3A_1029 = arith.constant 9 : i32
      %dma_wait3A_1030 = arith.constant 0 : i32
      %dma_wait3A_1031 = arith.constant 1152 : i32
      %dma_wait3A_1032 = arith.constant 0 : i32
      %dma_wait3A_1033 = tpu.memref_slice %arg6[%dma_wait3A_1030, %dma_wait3A_1031, %dma_wait3A_1032] : memref<2x1664x32xf32, #tpu.memory_space<vmem>> -> memref<1x128x32xf32, #tpu.memory_space<vmem>>
      %dma_wait3A_1034 = tpu.memref_squeeze %dma_wait3A_1033 : memref<1x128x32xf32, #tpu.memory_space<vmem>> -> memref<128x32xf32, #tpu.memory_space<vmem>>
      %dma_wait3A_1035 = arith.constant 0 : i32
      %dma_wait3A_1036 = tpu.memref_slice %arg5[%add3A_764, %dma_wait3A_1029, %dma_wait3A_1035] : memref<8x13x128xi32, #tpu.memory_space<vmem>> -> memref<1x1x128xi32, #tpu.memory_space<vmem>>
      %dma_wait3A_1037 = tpu.memref_squeeze %dma_wait3A_1036 : memref<1x1x128xi32, #tpu.memory_space<vmem>> -> memref<128xi32, #tpu.memory_space<vmem>>
      %dma_wait3A_1038 = arith.constant 0 : i32
      %dma_wait3A_1039 = arith.constant 0 : i32
      %dma_wait3A_1040 = tpu.memref_slice %arg3[%dma_wait3A_1038, %dma_wait3A_1039] : memref<1000000x32xf32, #tpu.memory_space<hbm>> -> memref<1000000x32xf32, #tpu.memory_space<hbm>>
      tpu.wait_indirect_dma semaphore(%arg7 : memref<!tpu.dma_semaphore, #tpu.memory_space<semaphore_mem>>) src(%dma_wait3A_1040 : memref<1000000x32xf32, #tpu.memory_space<hbm>>) dst(%dma_wait3A_1034 : memref<128x32xf32, #tpu.memory_space<vmem>>)
      %dma_wait3A_1041 = arith.constant 10 : i32
      %dma_wait3A_1042 = arith.constant 0 : i32
      %dma_wait3A_1043 = arith.constant 1280 : i32
      %dma_wait3A_1044 = arith.constant 0 : i32
      %dma_wait3A_1045 = tpu.memref_slice %arg6[%dma_wait3A_1042, %dma_wait3A_1043, %dma_wait3A_1044] : memref<2x1664x32xf32, #tpu.memory_space<vmem>> -> memref<1x128x32xf32, #tpu.memory_space<vmem>>
      %dma_wait3A_1046 = tpu.memref_squeeze %dma_wait3A_1045 : memref<1x128x32xf32, #tpu.memory_space<vmem>> -> memref<128x32xf32, #tpu.memory_space<vmem>>
      %dma_wait3A_1047 = arith.constant 0 : i32
      %dma_wait3A_1048 = tpu.memref_slice %arg5[%add3A_764, %dma_wait3A_1041, %dma_wait3A_1047] : memref<8x13x128xi32, #tpu.memory_space<vmem>> -> memref<1x1x128xi32, #tpu.memory_space<vmem>>
      %dma_wait3A_1049 = tpu.memref_squeeze %dma_wait3A_1048 : memref<1x1x128xi32, #tpu.memory_space<vmem>> -> memref<128xi32, #tpu.memory_space<vmem>>
      %dma_wait3A_1050 = arith.constant 0 : i32
      %dma_wait3A_1051 = arith.constant 0 : i32
      %dma_wait3A_1052 = tpu.memref_slice %arg3[%dma_wait3A_1050, %dma_wait3A_1051] : memref<1000000x32xf32, #tpu.memory_space<hbm>> -> memref<1000000x32xf32, #tpu.memory_space<hbm>>
      tpu.wait_indirect_dma semaphore(%arg7 : memref<!tpu.dma_semaphore, #tpu.memory_space<semaphore_mem>>) src(%dma_wait3A_1052 : memref<1000000x32xf32, #tpu.memory_space<hbm>>) dst(%dma_wait3A_1046 : memref<128x32xf32, #tpu.memory_space<vmem>>)
      %dma_wait3A_1053 = arith.constant 11 : i32
      %dma_wait3A_1054 = arith.constant 0 : i32
      %dma_wait3A_1055 = arith.constant 1408 : i32
      %dma_wait3A_1056 = arith.constant 0 : i32
      %dma_wait3A_1057 = tpu.memref_slice %arg6[%dma_wait3A_1054, %dma_wait3A_1055, %dma_wait3A_1056] : memref<2x1664x32xf32, #tpu.memory_space<vmem>> -> memref<1x128x32xf32, #tpu.memory_space<vmem>>
      %dma_wait3A_1058 = tpu.memref_squeeze %dma_wait3A_1057 : memref<1x128x32xf32, #tpu.memory_space<vmem>> -> memref<128x32xf32, #tpu.memory_space<vmem>>
      %dma_wait3A_1059 = arith.constant 0 : i32
      %dma_wait3A_1060 = tpu.memref_slice %arg5[%add3A_764, %dma_wait3A_1053, %dma_wait3A_1059] : memref<8x13x128xi32, #tpu.memory_space<vmem>> -> memref<1x1x128xi32, #tpu.memory_space<vmem>>
      %dma_wait3A_1061 = tpu.memref_squeeze %dma_wait3A_1060 : memref<1x1x128xi32, #tpu.memory_space<vmem>> -> memref<128xi32, #tpu.memory_space<vmem>>
      %dma_wait3A_1062 = arith.constant 0 : i32
      %dma_wait3A_1063 = arith.constant 0 : i32
      %dma_wait3A_1064 = tpu.memref_slice %arg3[%dma_wait3A_1062, %dma_wait3A_1063] : memref<1000000x32xf32, #tpu.memory_space<hbm>> -> memref<1000000x32xf32, #tpu.memory_space<hbm>>
      tpu.wait_indirect_dma semaphore(%arg7 : memref<!tpu.dma_semaphore, #tpu.memory_space<semaphore_mem>>) src(%dma_wait3A_1064 : memref<1000000x32xf32, #tpu.memory_space<hbm>>) dst(%dma_wait3A_1058 : memref<128x32xf32, #tpu.memory_space<vmem>>)
      %dma_wait3A_1065 = arith.constant 12 : i32
      %dma_wait3A_1066 = arith.constant 0 : i32
      %dma_wait3A_1067 = arith.constant 1536 : i32
      %dma_wait3A_1068 = arith.constant 0 : i32
      %dma_wait3A_1069 = tpu.memref_slice %arg6[%dma_wait3A_1066, %dma_wait3A_1067, %dma_wait3A_1068] : memref<2x1664x32xf32, #tpu.memory_space<vmem>> -> memref<1x128x32xf32, #tpu.memory_space<vmem>>
      %dma_wait3A_1070 = tpu.memref_squeeze %dma_wait3A_1069 : memref<1x128x32xf32, #tpu.memory_space<vmem>> -> memref<128x32xf32, #tpu.memory_space<vmem>>
      %dma_wait3A_1071 = arith.constant 0 : i32
      %dma_wait3A_1072 = tpu.memref_slice %arg5[%add3A_764, %dma_wait3A_1065, %dma_wait3A_1071] : memref<8x13x128xi32, #tpu.memory_space<vmem>> -> memref<1x1x128xi32, #tpu.memory_space<vmem>>
      %dma_wait3A_1073 = tpu.memref_squeeze %dma_wait3A_1072 : memref<1x1x128xi32, #tpu.memory_space<vmem>> -> memref<128xi32, #tpu.memory_space<vmem>>
      %dma_wait3A_1074 = arith.constant 0 : i32
      %dma_wait3A_1075 = arith.constant 0 : i32
      %dma_wait3A_1076 = tpu.memref_slice %arg3[%dma_wait3A_1074, %dma_wait3A_1075] : memref<1000000x32xf32, #tpu.memory_space<hbm>> -> memref<1000000x32xf32, #tpu.memory_space<hbm>>
      tpu.wait_indirect_dma semaphore(%arg7 : memref<!tpu.dma_semaphore, #tpu.memory_space<semaphore_mem>>) src(%dma_wait3A_1076 : memref<1000000x32xf32, #tpu.memory_space<hbm>>) dst(%dma_wait3A_1070 : memref<128x32xf32, #tpu.memory_space<vmem>>)
      %add3A_1077 = arith.constant 0 : i32
      %add3A_1078 = arith.addi %add3A_747, %add3A_1077 : i32
      %mul3A_1079 = arith.constant 1664 : i32
      %mul3A_1080 = arith.muli %add3A_1078, %mul3A_1079 : i32
      %add3A_1081 = arith.addi %mul3A_4, %mul3A_1080 : i32
      %dma_start3A_1082 = arith.constant 0 : i32
      %dma_start3A_1083 = arith.constant 0 : i32
      %dma_start3A_1084 = arith.constant 0 : i32
      %dma_start3A_1085 = tpu.memref_slice %arg6[%dma_start3A_1082, %dma_start3A_1083, %dma_start3A_1084] : memref<2x1664x32xf32, #tpu.memory_space<vmem>> -> memref<1x1664x32xf32, #tpu.memory_space<vmem>>
      %dma_start3A_1086 = tpu.memref_squeeze %dma_start3A_1085 : memref<1x1664x32xf32, #tpu.memory_space<vmem>> -> memref<1664x32xf32, #tpu.memory_space<vmem>>
      %dma_start3A_1087 = arith.constant 0 : i32
      %dma_start3A_1088 = tpu.memref_slice %arg4[%add3A_1081, %dma_start3A_1087] : memref<425984x32xf32, #tpu.memory_space<hbm>> -> memref<1664x32xf32, #tpu.memory_space<hbm>>
      %dma_start3A_1089 = arith.constant 0 : i32
      %dma_start3A_1090 = tpu.memref_slice %arg4[%add3A_1081, %dma_start3A_1089] : memref<425984x32xf32, #tpu.memory_space<hbm>> -> memref<1664x32xf32, #tpu.memory_space<hbm>>
      %dma_start3A_1091 = arith.constant 0 : i32
      %dma_start3A_1092 = arith.constant 0 : i32
      %dma_start3A_1093 = tpu.memref_slice %arg6[%dma_start3A_1082, %dma_start3A_1091, %dma_start3A_1092] : memref<2x1664x32xf32, #tpu.memory_space<vmem>> -> memref<1x1664x32xf32, #tpu.memory_space<vmem>>
      %dma_start3A_1094 = tpu.memref_squeeze %dma_start3A_1093 : memref<1x1664x32xf32, #tpu.memory_space<vmem>> -> memref<1664x32xf32, #tpu.memory_space<vmem>>
      tpu.enqueue_dma source(%dma_start3A_1094 : memref<1664x32xf32, #tpu.memory_space<vmem>>) target(%dma_start3A_1090 : memref<1664x32xf32, #tpu.memory_space<hbm>>) target_semaphore(%arg8 : memref<!tpu.dma_semaphore, #tpu.memory_space<semaphore_mem>>)
      %dma_wait3A_1095 = arith.constant 1 : i32
      %dma_wait3A_1096 = arith.constant 0 : i32
      %dma_wait3A_1097 = arith.constant 0 : i32
      %dma_wait3A_1098 = tpu.memref_slice %arg6[%dma_wait3A_1095, %dma_wait3A_1096, %dma_wait3A_1097] : memref<2x1664x32xf32, #tpu.memory_space<vmem>> -> memref<1x1664x32xf32, #tpu.memory_space<vmem>>
      %dma_wait3A_1099 = tpu.memref_squeeze %dma_wait3A_1098 : memref<1x1664x32xf32, #tpu.memory_space<vmem>> -> memref<1664x32xf32, #tpu.memory_space<vmem>>
      %dma_wait3A_1100 = arith.constant 0 : i32
      %dma_wait3A_1101 = arith.constant 0 : i32
      %dma_wait3A_1102 = tpu.memref_slice %arg4[%dma_wait3A_1100, %dma_wait3A_1101] : memref<425984x32xf32, #tpu.memory_space<hbm>> -> memref<1664x32xf32, #tpu.memory_space<hbm>>
      %dma_wait3A_1103 = arith.constant 0 : i32
      %dma_wait3A_1104 = arith.constant 0 : i32
      %dma_wait3A_1105 = tpu.memref_slice %arg4[%dma_wait3A_1103, %dma_wait3A_1104] : memref<425984x32xf32, #tpu.memory_space<hbm>> -> memref<1664x32xf32, #tpu.memory_space<hbm>>
      %dma_wait3A_1106 = arith.constant 0 : i32
      %dma_wait3A_1107 = arith.constant 0 : i32
      %dma_wait3A_1108 = tpu.memref_slice %arg6[%dma_wait3A_1095, %dma_wait3A_1106, %dma_wait3A_1107] : memref<2x1664x32xf32, #tpu.memory_space<vmem>> -> memref<1x1664x32xf32, #tpu.memory_space<vmem>>
      %dma_wait3A_1109 = tpu.memref_squeeze %dma_wait3A_1108 : memref<1x1664x32xf32, #tpu.memory_space<vmem>> -> memref<1664x32xf32, #tpu.memory_space<vmem>>
      tpu.wait_dma2 semaphore(%arg9 : memref<!tpu.dma_semaphore, #tpu.memory_space<semaphore_mem>>) src(%dma_wait3A_1109 : memref<1664x32xf32, #tpu.memory_space<vmem>>) dst(%dma_wait3A_1105 : memref<1664x32xf32, #tpu.memory_space<hbm>>)
      %add3A_1110 = arith.constant 1 : i32
      %add3A_1111 = arith.addi %add3A_747, %add3A_1110 : i32
      %dma_start3A_1112 = arith.constant 0 : i32
      %dma_start3A_1113 = arith.constant 1 : i32
      %dma_start3A_1114 = arith.constant 0 : i32
      %dma_start3A_1115 = arith.constant 0 : i32
      %dma_start3A_1116 = tpu.memref_slice %arg6[%dma_start3A_1113, %dma_start3A_1114, %dma_start3A_1115] : memref<2x1664x32xf32, #tpu.memory_space<vmem>> -> memref<1x128x32xf32, #tpu.memory_space<vmem>>
      %dma_start3A_1117 = tpu.memref_squeeze %dma_start3A_1116 : memref<1x128x32xf32, #tpu.memory_space<vmem>> -> memref<128x32xf32, #tpu.memory_space<vmem>>
      %dma_start3A_1118 = arith.constant 0 : i32
      %dma_start3A_1119 = tpu.memref_slice %arg5[%add3A_1111, %dma_start3A_1112, %dma_start3A_1118] : memref<8x13x128xi32, #tpu.memory_space<vmem>> -> memref<1x1x128xi32, #tpu.memory_space<vmem>>
      %dma_start3A_1120 = tpu.memref_squeeze %dma_start3A_1119 : memref<1x1x128xi32, #tpu.memory_space<vmem>> -> memref<128xi32, #tpu.memory_space<vmem>>
      %dma_start3A_1121 = arith.constant 0 : i32
      %dma_start3A_1122 = arith.constant 0 : i32
      %dma_start3A_1123 = tpu.memref_slice %arg3[%dma_start3A_1121, %dma_start3A_1122] : memref<1000000x32xf32, #tpu.memory_space<hbm>> -> memref<1000000x32xf32, #tpu.memory_space<hbm>>
      tpu.enqueue_indirect_dma source(%dma_start3A_1123 : memref<1000000x32xf32, #tpu.memory_space<hbm>>) target(%dma_start3A_1117 : memref<128x32xf32, #tpu.memory_space<vmem>>) offsets(%dma_start3A_1120 : memref<128xi32, #tpu.memory_space<vmem>>) semaphore(%arg7 : memref<!tpu.dma_semaphore, #tpu.memory_space<semaphore_mem>>)
      %dma_start3A_1124 = arith.constant 1 : i32
      %dma_start3A_1125 = arith.constant 1 : i32
      %dma_start3A_1126 = arith.constant 128 : i32
      %dma_start3A_1127 = arith.constant 0 : i32
      %dma_start3A_1128 = tpu.memref_slice %arg6[%dma_start3A_1125, %dma_start3A_1126, %dma_start3A_1127] : memref<2x1664x32xf32, #tpu.memory_space<vmem>> -> memref<1x128x32xf32, #tpu.memory_space<vmem>>
      %dma_start3A_1129 = tpu.memref_squeeze %dma_start3A_1128 : memref<1x128x32xf32, #tpu.memory_space<vmem>> -> memref<128x32xf32, #tpu.memory_space<vmem>>
      %dma_start3A_1130 = arith.constant 0 : i32
      %dma_start3A_1131 = tpu.memref_slice %arg5[%add3A_1111, %dma_start3A_1124, %dma_start3A_1130] : memref<8x13x128xi32, #tpu.memory_space<vmem>> -> memref<1x1x128xi32, #tpu.memory_space<vmem>>
      %dma_start3A_1132 = tpu.memref_squeeze %dma_start3A_1131 : memref<1x1x128xi32, #tpu.memory_space<vmem>> -> memref<128xi32, #tpu.memory_space<vmem>>
      %dma_start3A_1133 = arith.constant 0 : i32
      %dma_start3A_1134 = arith.constant 0 : i32
      %dma_start3A_1135 = tpu.memref_slice %arg3[%dma_start3A_1133, %dma_start3A_1134] : memref<1000000x32xf32, #tpu.memory_space<hbm>> -> memref<1000000x32xf32, #tpu.memory_space<hbm>>
      tpu.enqueue_indirect_dma source(%dma_start3A_1135 : memref<1000000x32xf32, #tpu.memory_space<hbm>>) target(%dma_start3A_1129 : memref<128x32xf32, #tpu.memory_space<vmem>>) offsets(%dma_start3A_1132 : memref<128xi32, #tpu.memory_space<vmem>>) semaphore(%arg7 : memref<!tpu.dma_semaphore, #tpu.memory_space<semaphore_mem>>)
      %dma_start3A_1136 = arith.constant 2 : i32
      %dma_start3A_1137 = arith.constant 1 : i32
      %dma_start3A_1138 = arith.constant 256 : i32
      %dma_start3A_1139 = arith.constant 0 : i32
      %dma_start3A_1140 = tpu.memref_slice %arg6[%dma_start3A_1137, %dma_start3A_1138, %dma_start3A_1139] : memref<2x1664x32xf32, #tpu.memory_space<vmem>> -> memref<1x128x32xf32, #tpu.memory_space<vmem>>
      %dma_start3A_1141 = tpu.memref_squeeze %dma_start3A_1140 : memref<1x128x32xf32, #tpu.memory_space<vmem>> -> memref<128x32xf32, #tpu.memory_space<vmem>>
      %dma_start3A_1142 = arith.constant 0 : i32
      %dma_start3A_1143 = tpu.memref_slice %arg5[%add3A_1111, %dma_start3A_1136, %dma_start3A_1142] : memref<8x13x128xi32, #tpu.memory_space<vmem>> -> memref<1x1x128xi32, #tpu.memory_space<vmem>>
      %dma_start3A_1144 = tpu.memref_squeeze %dma_start3A_1143 : memref<1x1x128xi32, #tpu.memory_space<vmem>> -> memref<128xi32, #tpu.memory_space<vmem>>
      %dma_start3A_1145 = arith.constant 0 : i32
      %dma_start3A_1146 = arith.constant 0 : i32
      %dma_start3A_1147 = tpu.memref_slice %arg3[%dma_start3A_1145, %dma_start3A_1146] : memref<1000000x32xf32, #tpu.memory_space<hbm>> -> memref<1000000x32xf32, #tpu.memory_space<hbm>>
      tpu.enqueue_indirect_dma source(%dma_start3A_1147 : memref<1000000x32xf32, #tpu.memory_space<hbm>>) target(%dma_start3A_1141 : memref<128x32xf32, #tpu.memory_space<vmem>>) offsets(%dma_start3A_1144 : memref<128xi32, #tpu.memory_space<vmem>>) semaphore(%arg7 : memref<!tpu.dma_semaphore, #tpu.memory_space<semaphore_mem>>)
      %dma_start3A_1148 = arith.constant 3 : i32
      %dma_start3A_1149 = arith.constant 1 : i32
      %dma_start3A_1150 = arith.constant 384 : i32
      %dma_start3A_1151 = arith.constant 0 : i32
      %dma_start3A_1152 = tpu.memref_slice %arg6[%dma_start3A_1149, %dma_start3A_1150, %dma_start3A_1151] : memref<2x1664x32xf32, #tpu.memory_space<vmem>> -> memref<1x128x32xf32, #tpu.memory_space<vmem>>
      %dma_start3A_1153 = tpu.memref_squeeze %dma_start3A_1152 : memref<1x128x32xf32, #tpu.memory_space<vmem>> -> memref<128x32xf32, #tpu.memory_space<vmem>>
      %dma_start3A_1154 = arith.constant 0 : i32
      %dma_start3A_1155 = tpu.memref_slice %arg5[%add3A_1111, %dma_start3A_1148, %dma_start3A_1154] : memref<8x13x128xi32, #tpu.memory_space<vmem>> -> memref<1x1x128xi32, #tpu.memory_space<vmem>>
      %dma_start3A_1156 = tpu.memref_squeeze %dma_start3A_1155 : memref<1x1x128xi32, #tpu.memory_space<vmem>> -> memref<128xi32, #tpu.memory_space<vmem>>
      %dma_start3A_1157 = arith.constant 0 : i32
      %dma_start3A_1158 = arith.constant 0 : i32
      %dma_start3A_1159 = tpu.memref_slice %arg3[%dma_start3A_1157, %dma_start3A_1158] : memref<1000000x32xf32, #tpu.memory_space<hbm>> -> memref<1000000x32xf32, #tpu.memory_space<hbm>>
      tpu.enqueue_indirect_dma source(%dma_start3A_1159 : memref<1000000x32xf32, #tpu.memory_space<hbm>>) target(%dma_start3A_1153 : memref<128x32xf32, #tpu.memory_space<vmem>>) offsets(%dma_start3A_1156 : memref<128xi32, #tpu.memory_space<vmem>>) semaphore(%arg7 : memref<!tpu.dma_semaphore, #tpu.memory_space<semaphore_mem>>)
      %dma_start3A_1160 = arith.constant 4 : i32
      %dma_start3A_1161 = arith.constant 1 : i32
      %dma_start3A_1162 = arith.constant 512 : i32
      %dma_start3A_1163 = arith.constant 0 : i32
      %dma_start3A_1164 = tpu.memref_slice %arg6[%dma_start3A_1161, %dma_start3A_1162, %dma_start3A_1163] : memref<2x1664x32xf32, #tpu.memory_space<vmem>> -> memref<1x128x32xf32, #tpu.memory_space<vmem>>
      %dma_start3A_1165 = tpu.memref_squeeze %dma_start3A_1164 : memref<1x128x32xf32, #tpu.memory_space<vmem>> -> memref<128x32xf32, #tpu.memory_space<vmem>>
      %dma_start3A_1166 = arith.constant 0 : i32
      %dma_start3A_1167 = tpu.memref_slice %arg5[%add3A_1111, %dma_start3A_1160, %dma_start3A_1166] : memref<8x13x128xi32, #tpu.memory_space<vmem>> -> memref<1x1x128xi32, #tpu.memory_space<vmem>>
      %dma_start3A_1168 = tpu.memref_squeeze %dma_start3A_1167 : memref<1x1x128xi32, #tpu.memory_space<vmem>> -> memref<128xi32, #tpu.memory_space<vmem>>
      %dma_start3A_1169 = arith.constant 0 : i32
      %dma_start3A_1170 = arith.constant 0 : i32
      %dma_start3A_1171 = tpu.memref_slice %arg3[%dma_start3A_1169, %dma_start3A_1170] : memref<1000000x32xf32, #tpu.memory_space<hbm>> -> memref<1000000x32xf32, #tpu.memory_space<hbm>>
      tpu.enqueue_indirect_dma source(%dma_start3A_1171 : memref<1000000x32xf32, #tpu.memory_space<hbm>>) target(%dma_start3A_1165 : memref<128x32xf32, #tpu.memory_space<vmem>>) offsets(%dma_start3A_1168 : memref<128xi32, #tpu.memory_space<vmem>>) semaphore(%arg7 : memref<!tpu.dma_semaphore, #tpu.memory_space<semaphore_mem>>)
      %dma_start3A_1172 = arith.constant 5 : i32
      %dma_start3A_1173 = arith.constant 1 : i32
      %dma_start3A_1174 = arith.constant 640 : i32
      %dma_start3A_1175 = arith.constant 0 : i32
      %dma_start3A_1176 = tpu.memref_slice %arg6[%dma_start3A_1173, %dma_start3A_1174, %dma_start3A_1175] : memref<2x1664x32xf32, #tpu.memory_space<vmem>> -> memref<1x128x32xf32, #tpu.memory_space<vmem>>
      %dma_start3A_1177 = tpu.memref_squeeze %dma_start3A_1176 : memref<1x128x32xf32, #tpu.memory_space<vmem>> -> memref<128x32xf32, #tpu.memory_space<vmem>>
      %dma_start3A_1178 = arith.constant 0 : i32
      %dma_start3A_1179 = tpu.memref_slice %arg5[%add3A_1111, %dma_start3A_1172, %dma_start3A_1178] : memref<8x13x128xi32, #tpu.memory_space<vmem>> -> memref<1x1x128xi32, #tpu.memory_space<vmem>>
      %dma_start3A_1180 = tpu.memref_squeeze %dma_start3A_1179 : memref<1x1x128xi32, #tpu.memory_space<vmem>> -> memref<128xi32, #tpu.memory_space<vmem>>
      %dma_start3A_1181 = arith.constant 0 : i32
      %dma_start3A_1182 = arith.constant 0 : i32
      %dma_start3A_1183 = tpu.memref_slice %arg3[%dma_start3A_1181, %dma_start3A_1182] : memref<1000000x32xf32, #tpu.memory_space<hbm>> -> memref<1000000x32xf32, #tpu.memory_space<hbm>>
      tpu.enqueue_indirect_dma source(%dma_start3A_1183 : memref<1000000x32xf32, #tpu.memory_space<hbm>>) target(%dma_start3A_1177 : memref<128x32xf32, #tpu.memory_space<vmem>>) offsets(%dma_start3A_1180 : memref<128xi32, #tpu.memory_space<vmem>>) semaphore(%arg7 : memref<!tpu.dma_semaphore, #tpu.memory_space<semaphore_mem>>)
      %dma_start3A_1184 = arith.constant 6 : i32
      %dma_start3A_1185 = arith.constant 1 : i32
      %dma_start3A_1186 = arith.constant 768 : i32
      %dma_start3A_1187 = arith.constant 0 : i32
      %dma_start3A_1188 = tpu.memref_slice %arg6[%dma_start3A_1185, %dma_start3A_1186, %dma_start3A_1187] : memref<2x1664x32xf32, #tpu.memory_space<vmem>> -> memref<1x128x32xf32, #tpu.memory_space<vmem>>
      %dma_start3A_1189 = tpu.memref_squeeze %dma_start3A_1188 : memref<1x128x32xf32, #tpu.memory_space<vmem>> -> memref<128x32xf32, #tpu.memory_space<vmem>>
      %dma_start3A_1190 = arith.constant 0 : i32
      %dma_start3A_1191 = tpu.memref_slice %arg5[%add3A_1111, %dma_start3A_1184, %dma_start3A_1190] : memref<8x13x128xi32, #tpu.memory_space<vmem>> -> memref<1x1x128xi32, #tpu.memory_space<vmem>>
      %dma_start3A_1192 = tpu.memref_squeeze %dma_start3A_1191 : memref<1x1x128xi32, #tpu.memory_space<vmem>> -> memref<128xi32, #tpu.memory_space<vmem>>
      %dma_start3A_1193 = arith.constant 0 : i32
      %dma_start3A_1194 = arith.constant 0 : i32
      %dma_start3A_1195 = tpu.memref_slice %arg3[%dma_start3A_1193, %dma_start3A_1194] : memref<1000000x32xf32, #tpu.memory_space<hbm>> -> memref<1000000x32xf32, #tpu.memory_space<hbm>>
      tpu.enqueue_indirect_dma source(%dma_start3A_1195 : memref<1000000x32xf32, #tpu.memory_space<hbm>>) target(%dma_start3A_1189 : memref<128x32xf32, #tpu.memory_space<vmem>>) offsets(%dma_start3A_1192 : memref<128xi32, #tpu.memory_space<vmem>>) semaphore(%arg7 : memref<!tpu.dma_semaphore, #tpu.memory_space<semaphore_mem>>)
      %dma_start3A_1196 = arith.constant 7 : i32
      %dma_start3A_1197 = arith.constant 1 : i32
      %dma_start3A_1198 = arith.constant 896 : i32
      %dma_start3A_1199 = arith.constant 0 : i32
      %dma_start3A_1200 = tpu.memref_slice %arg6[%dma_start3A_1197, %dma_start3A_1198, %dma_start3A_1199] : memref<2x1664x32xf32, #tpu.memory_space<vmem>> -> memref<1x128x32xf32, #tpu.memory_space<vmem>>
      %dma_start3A_1201 = tpu.memref_squeeze %dma_start3A_1200 : memref<1x128x32xf32, #tpu.memory_space<vmem>> -> memref<128x32xf32, #tpu.memory_space<vmem>>
      %dma_start3A_1202 = arith.constant 0 : i32
      %dma_start3A_1203 = tpu.memref_slice %arg5[%add3A_1111, %dma_start3A_1196, %dma_start3A_1202] : memref<8x13x128xi32, #tpu.memory_space<vmem>> -> memref<1x1x128xi32, #tpu.memory_space<vmem>>
      %dma_start3A_1204 = tpu.memref_squeeze %dma_start3A_1203 : memref<1x1x128xi32, #tpu.memory_space<vmem>> -> memref<128xi32, #tpu.memory_space<vmem>>
      %dma_start3A_1205 = arith.constant 0 : i32
      %dma_start3A_1206 = arith.constant 0 : i32
      %dma_start3A_1207 = tpu.memref_slice %arg3[%dma_start3A_1205, %dma_start3A_1206] : memref<1000000x32xf32, #tpu.memory_space<hbm>> -> memref<1000000x32xf32, #tpu.memory_space<hbm>>
      tpu.enqueue_indirect_dma source(%dma_start3A_1207 : memref<1000000x32xf32, #tpu.memory_space<hbm>>) target(%dma_start3A_1201 : memref<128x32xf32, #tpu.memory_space<vmem>>) offsets(%dma_start3A_1204 : memref<128xi32, #tpu.memory_space<vmem>>) semaphore(%arg7 : memref<!tpu.dma_semaphore, #tpu.memory_space<semaphore_mem>>)
      %dma_start3A_1208 = arith.constant 8 : i32
      %dma_start3A_1209 = arith.constant 1 : i32
      %dma_start3A_1210 = arith.constant 1024 : i32
      %dma_start3A_1211 = arith.constant 0 : i32
      %dma_start3A_1212 = tpu.memref_slice %arg6[%dma_start3A_1209, %dma_start3A_1210, %dma_start3A_1211] : memref<2x1664x32xf32, #tpu.memory_space<vmem>> -> memref<1x128x32xf32, #tpu.memory_space<vmem>>
      %dma_start3A_1213 = tpu.memref_squeeze %dma_start3A_1212 : memref<1x128x32xf32, #tpu.memory_space<vmem>> -> memref<128x32xf32, #tpu.memory_space<vmem>>
      %dma_start3A_1214 = arith.constant 0 : i32
      %dma_start3A_1215 = tpu.memref_slice %arg5[%add3A_1111, %dma_start3A_1208, %dma_start3A_1214] : memref<8x13x128xi32, #tpu.memory_space<vmem>> -> memref<1x1x128xi32, #tpu.memory_space<vmem>>
      %dma_start3A_1216 = tpu.memref_squeeze %dma_start3A_1215 : memref<1x1x128xi32, #tpu.memory_space<vmem>> -> memref<128xi32, #tpu.memory_space<vmem>>
      %dma_start3A_1217 = arith.constant 0 : i32
      %dma_start3A_1218 = arith.constant 0 : i32
      %dma_start3A_1219 = tpu.memref_slice %arg3[%dma_start3A_1217, %dma_start3A_1218] : memref<1000000x32xf32, #tpu.memory_space<hbm>> -> memref<1000000x32xf32, #tpu.memory_space<hbm>>
      tpu.enqueue_indirect_dma source(%dma_start3A_1219 : memref<1000000x32xf32, #tpu.memory_space<hbm>>) target(%dma_start3A_1213 : memref<128x32xf32, #tpu.memory_space<vmem>>) offsets(%dma_start3A_1216 : memref<128xi32, #tpu.memory_space<vmem>>) semaphore(%arg7 : memref<!tpu.dma_semaphore, #tpu.memory_space<semaphore_mem>>)
      %dma_start3A_1220 = arith.constant 9 : i32
      %dma_start3A_1221 = arith.constant 1 : i32
      %dma_start3A_1222 = arith.constant 1152 : i32
      %dma_start3A_1223 = arith.constant 0 : i32
      %dma_start3A_1224 = tpu.memref_slice %arg6[%dma_start3A_1221, %dma_start3A_1222, %dma_start3A_1223] : memref<2x1664x32xf32, #tpu.memory_space<vmem>> -> memref<1x128x32xf32, #tpu.memory_space<vmem>>
      %dma_start3A_1225 = tpu.memref_squeeze %dma_start3A_1224 : memref<1x128x32xf32, #tpu.memory_space<vmem>> -> memref<128x32xf32, #tpu.memory_space<vmem>>
      %dma_start3A_1226 = arith.constant 0 : i32
      %dma_start3A_1227 = tpu.memref_slice %arg5[%add3A_1111, %dma_start3A_1220, %dma_start3A_1226] : memref<8x13x128xi32, #tpu.memory_space<vmem>> -> memref<1x1x128xi32, #tpu.memory_space<vmem>>
      %dma_start3A_1228 = tpu.memref_squeeze %dma_start3A_1227 : memref<1x1x128xi32, #tpu.memory_space<vmem>> -> memref<128xi32, #tpu.memory_space<vmem>>
      %dma_start3A_1229 = arith.constant 0 : i32
      %dma_start3A_1230 = arith.constant 0 : i32
      %dma_start3A_1231 = tpu.memref_slice %arg3[%dma_start3A_1229, %dma_start3A_1230] : memref<1000000x32xf32, #tpu.memory_space<hbm>> -> memref<1000000x32xf32, #tpu.memory_space<hbm>>
      tpu.enqueue_indirect_dma source(%dma_start3A_1231 : memref<1000000x32xf32, #tpu.memory_space<hbm>>) target(%dma_start3A_1225 : memref<128x32xf32, #tpu.memory_space<vmem>>) offsets(%dma_start3A_1228 : memref<128xi32, #tpu.memory_space<vmem>>) semaphore(%arg7 : memref<!tpu.dma_semaphore, #tpu.memory_space<semaphore_mem>>)
      %dma_start3A_1232 = arith.constant 10 : i32
      %dma_start3A_1233 = arith.constant 1 : i32
      %dma_start3A_1234 = arith.constant 1280 : i32
      %dma_start3A_1235 = arith.constant 0 : i32
      %dma_start3A_1236 = tpu.memref_slice %arg6[%dma_start3A_1233, %dma_start3A_1234, %dma_start3A_1235] : memref<2x1664x32xf32, #tpu.memory_space<vmem>> -> memref<1x128x32xf32, #tpu.memory_space<vmem>>
      %dma_start3A_1237 = tpu.memref_squeeze %dma_start3A_1236 : memref<1x128x32xf32, #tpu.memory_space<vmem>> -> memref<128x32xf32, #tpu.memory_space<vmem>>
      %dma_start3A_1238 = arith.constant 0 : i32
      %dma_start3A_1239 = tpu.memref_slice %arg5[%add3A_1111, %dma_start3A_1232, %dma_start3A_1238] : memref<8x13x128xi32, #tpu.memory_space<vmem>> -> memref<1x1x128xi32, #tpu.memory_space<vmem>>
      %dma_start3A_1240 = tpu.memref_squeeze %dma_start3A_1239 : memref<1x1x128xi32, #tpu.memory_space<vmem>> -> memref<128xi32, #tpu.memory_space<vmem>>
      %dma_start3A_1241 = arith.constant 0 : i32
      %dma_start3A_1242 = arith.constant 0 : i32
      %dma_start3A_1243 = tpu.memref_slice %arg3[%dma_start3A_1241, %dma_start3A_1242] : memref<1000000x32xf32, #tpu.memory_space<hbm>> -> memref<1000000x32xf32, #tpu.memory_space<hbm>>
      tpu.enqueue_indirect_dma source(%dma_start3A_1243 : memref<1000000x32xf32, #tpu.memory_space<hbm>>) target(%dma_start3A_1237 : memref<128x32xf32, #tpu.memory_space<vmem>>) offsets(%dma_start3A_1240 : memref<128xi32, #tpu.memory_space<vmem>>) semaphore(%arg7 : memref<!tpu.dma_semaphore, #tpu.memory_space<semaphore_mem>>)
      %dma_start3A_1244 = arith.constant 11 : i32
      %dma_start3A_1245 = arith.constant 1 : i32
      %dma_start3A_1246 = arith.constant 1408 : i32
      %dma_start3A_1247 = arith.constant 0 : i32
      %dma_start3A_1248 = tpu.memref_slice %arg6[%dma_start3A_1245, %dma_start3A_1246, %dma_start3A_1247] : memref<2x1664x32xf32, #tpu.memory_space<vmem>> -> memref<1x128x32xf32, #tpu.memory_space<vmem>>
      %dma_start3A_1249 = tpu.memref_squeeze %dma_start3A_1248 : memref<1x128x32xf32, #tpu.memory_space<vmem>> -> memref<128x32xf32, #tpu.memory_space<vmem>>
      %dma_start3A_1250 = arith.constant 0 : i32
      %dma_start3A_1251 = tpu.memref_slice %arg5[%add3A_1111, %dma_start3A_1244, %dma_start3A_1250] : memref<8x13x128xi32, #tpu.memory_space<vmem>> -> memref<1x1x128xi32, #tpu.memory_space<vmem>>
      %dma_start3A_1252 = tpu.memref_squeeze %dma_start3A_1251 : memref<1x1x128xi32, #tpu.memory_space<vmem>> -> memref<128xi32, #tpu.memory_space<vmem>>
      %dma_start3A_1253 = arith.constant 0 : i32
      %dma_start3A_1254 = arith.constant 0 : i32
      %dma_start3A_1255 = tpu.memref_slice %arg3[%dma_start3A_1253, %dma_start3A_1254] : memref<1000000x32xf32, #tpu.memory_space<hbm>> -> memref<1000000x32xf32, #tpu.memory_space<hbm>>
      tpu.enqueue_indirect_dma source(%dma_start3A_1255 : memref<1000000x32xf32, #tpu.memory_space<hbm>>) target(%dma_start3A_1249 : memref<128x32xf32, #tpu.memory_space<vmem>>) offsets(%dma_start3A_1252 : memref<128xi32, #tpu.memory_space<vmem>>) semaphore(%arg7 : memref<!tpu.dma_semaphore, #tpu.memory_space<semaphore_mem>>)
      %dma_start3A_1256 = arith.constant 12 : i32
      %dma_start3A_1257 = arith.constant 1 : i32
      %dma_start3A_1258 = arith.constant 1536 : i32
      %dma_start3A_1259 = arith.constant 0 : i32
      %dma_start3A_1260 = tpu.memref_slice %arg6[%dma_start3A_1257, %dma_start3A_1258, %dma_start3A_1259] : memref<2x1664x32xf32, #tpu.memory_space<vmem>> -> memref<1x128x32xf32, #tpu.memory_space<vmem>>
      %dma_start3A_1261 = tpu.memref_squeeze %dma_start3A_1260 : memref<1x128x32xf32, #tpu.memory_space<vmem>> -> memref<128x32xf32, #tpu.memory_space<vmem>>
      %dma_start3A_1262 = arith.constant 0 : i32
      %dma_start3A_1263 = tpu.memref_slice %arg5[%add3A_1111, %dma_start3A_1256, %dma_start3A_1262] : memref<8x13x128xi32, #tpu.memory_space<vmem>> -> memref<1x1x128xi32, #tpu.memory_space<vmem>>
      %dma_start3A_1264 = tpu.memref_squeeze %dma_start3A_1263 : memref<1x1x128xi32, #tpu.memory_space<vmem>> -> memref<128xi32, #tpu.memory_space<vmem>>
      %dma_start3A_1265 = arith.constant 0 : i32
      %dma_start3A_1266 = arith.constant 0 : i32
      %dma_start3A_1267 = tpu.memref_slice %arg3[%dma_start3A_1265, %dma_start3A_1266] : memref<1000000x32xf32, #tpu.memory_space<hbm>> -> memref<1000000x32xf32, #tpu.memory_space<hbm>>
      tpu.enqueue_indirect_dma source(%dma_start3A_1267 : memref<1000000x32xf32, #tpu.memory_space<hbm>>) target(%dma_start3A_1261 : memref<128x32xf32, #tpu.memory_space<vmem>>) offsets(%dma_start3A_1264 : memref<128xi32, #tpu.memory_space<vmem>>) semaphore(%arg7 : memref<!tpu.dma_semaphore, #tpu.memory_space<semaphore_mem>>)
      %dma_wait3A_1268 = arith.constant 0 : i32
      %dma_wait3A_1269 = arith.constant 1 : i32
      %dma_wait3A_1270 = arith.constant 0 : i32
      %dma_wait3A_1271 = arith.constant 0 : i32
      %dma_wait3A_1272 = tpu.memref_slice %arg6[%dma_wait3A_1269, %dma_wait3A_1270, %dma_wait3A_1271] : memref<2x1664x32xf32, #tpu.memory_space<vmem>> -> memref<1x128x32xf32, #tpu.memory_space<vmem>>
      %dma_wait3A_1273 = tpu.memref_squeeze %dma_wait3A_1272 : memref<1x128x32xf32, #tpu.memory_space<vmem>> -> memref<128x32xf32, #tpu.memory_space<vmem>>
      %dma_wait3A_1274 = arith.constant 0 : i32
      %dma_wait3A_1275 = tpu.memref_slice %arg5[%add3A_1111, %dma_wait3A_1268, %dma_wait3A_1274] : memref<8x13x128xi32, #tpu.memory_space<vmem>> -> memref<1x1x128xi32, #tpu.memory_space<vmem>>
      %dma_wait3A_1276 = tpu.memref_squeeze %dma_wait3A_1275 : memref<1x1x128xi32, #tpu.memory_space<vmem>> -> memref<128xi32, #tpu.memory_space<vmem>>
      %dma_wait3A_1277 = arith.constant 0 : i32
      %dma_wait3A_1278 = arith.constant 0 : i32
      %dma_wait3A_1279 = tpu.memref_slice %arg3[%dma_wait3A_1277, %dma_wait3A_1278] : memref<1000000x32xf32, #tpu.memory_space<hbm>> -> memref<1000000x32xf32, #tpu.memory_space<hbm>>
      tpu.wait_indirect_dma semaphore(%arg7 : memref<!tpu.dma_semaphore, #tpu.memory_space<semaphore_mem>>) src(%dma_wait3A_1279 : memref<1000000x32xf32, #tpu.memory_space<hbm>>) dst(%dma_wait3A_1273 : memref<128x32xf32, #tpu.memory_space<vmem>>)
      %dma_wait3A_1280 = arith.constant 1 : i32
      %dma_wait3A_1281 = arith.constant 1 : i32
      %dma_wait3A_1282 = arith.constant 128 : i32
      %dma_wait3A_1283 = arith.constant 0 : i32
      %dma_wait3A_1284 = tpu.memref_slice %arg6[%dma_wait3A_1281, %dma_wait3A_1282, %dma_wait3A_1283] : memref<2x1664x32xf32, #tpu.memory_space<vmem>> -> memref<1x128x32xf32, #tpu.memory_space<vmem>>
      %dma_wait3A_1285 = tpu.memref_squeeze %dma_wait3A_1284 : memref<1x128x32xf32, #tpu.memory_space<vmem>> -> memref<128x32xf32, #tpu.memory_space<vmem>>
      %dma_wait3A_1286 = arith.constant 0 : i32
      %dma_wait3A_1287 = tpu.memref_slice %arg5[%add3A_1111, %dma_wait3A_1280, %dma_wait3A_1286] : memref<8x13x128xi32, #tpu.memory_space<vmem>> -> memref<1x1x128xi32, #tpu.memory_space<vmem>>
      %dma_wait3A_1288 = tpu.memref_squeeze %dma_wait3A_1287 : memref<1x1x128xi32, #tpu.memory_space<vmem>> -> memref<128xi32, #tpu.memory_space<vmem>>
      %dma_wait3A_1289 = arith.constant 0 : i32
      %dma_wait3A_1290 = arith.constant 0 : i32
      %dma_wait3A_1291 = tpu.memref_slice %arg3[%dma_wait3A_1289, %dma_wait3A_1290] : memref<1000000x32xf32, #tpu.memory_space<hbm>> -> memref<1000000x32xf32, #tpu.memory_space<hbm>>
      tpu.wait_indirect_dma semaphore(%arg7 : memref<!tpu.dma_semaphore, #tpu.memory_space<semaphore_mem>>) src(%dma_wait3A_1291 : memref<1000000x32xf32, #tpu.memory_space<hbm>>) dst(%dma_wait3A_1285 : memref<128x32xf32, #tpu.memory_space<vmem>>)
      %dma_wait3A_1292 = arith.constant 2 : i32
      %dma_wait3A_1293 = arith.constant 1 : i32
      %dma_wait3A_1294 = arith.constant 256 : i32
      %dma_wait3A_1295 = arith.constant 0 : i32
      %dma_wait3A_1296 = tpu.memref_slice %arg6[%dma_wait3A_1293, %dma_wait3A_1294, %dma_wait3A_1295] : memref<2x1664x32xf32, #tpu.memory_space<vmem>> -> memref<1x128x32xf32, #tpu.memory_space<vmem>>
      %dma_wait3A_1297 = tpu.memref_squeeze %dma_wait3A_1296 : memref<1x128x32xf32, #tpu.memory_space<vmem>> -> memref<128x32xf32, #tpu.memory_space<vmem>>
      %dma_wait3A_1298 = arith.constant 0 : i32
      %dma_wait3A_1299 = tpu.memref_slice %arg5[%add3A_1111, %dma_wait3A_1292, %dma_wait3A_1298] : memref<8x13x128xi32, #tpu.memory_space<vmem>> -> memref<1x1x128xi32, #tpu.memory_space<vmem>>
      %dma_wait3A_1300 = tpu.memref_squeeze %dma_wait3A_1299 : memref<1x1x128xi32, #tpu.memory_space<vmem>> -> memref<128xi32, #tpu.memory_space<vmem>>
      %dma_wait3A_1301 = arith.constant 0 : i32
      %dma_wait3A_1302 = arith.constant 0 : i32
      %dma_wait3A_1303 = tpu.memref_slice %arg3[%dma_wait3A_1301, %dma_wait3A_1302] : memref<1000000x32xf32, #tpu.memory_space<hbm>> -> memref<1000000x32xf32, #tpu.memory_space<hbm>>
      tpu.wait_indirect_dma semaphore(%arg7 : memref<!tpu.dma_semaphore, #tpu.memory_space<semaphore_mem>>) src(%dma_wait3A_1303 : memref<1000000x32xf32, #tpu.memory_space<hbm>>) dst(%dma_wait3A_1297 : memref<128x32xf32, #tpu.memory_space<vmem>>)
      %dma_wait3A_1304 = arith.constant 3 : i32
      %dma_wait3A_1305 = arith.constant 1 : i32
      %dma_wait3A_1306 = arith.constant 384 : i32
      %dma_wait3A_1307 = arith.constant 0 : i32
      %dma_wait3A_1308 = tpu.memref_slice %arg6[%dma_wait3A_1305, %dma_wait3A_1306, %dma_wait3A_1307] : memref<2x1664x32xf32, #tpu.memory_space<vmem>> -> memref<1x128x32xf32, #tpu.memory_space<vmem>>
      %dma_wait3A_1309 = tpu.memref_squeeze %dma_wait3A_1308 : memref<1x128x32xf32, #tpu.memory_space<vmem>> -> memref<128x32xf32, #tpu.memory_space<vmem>>
      %dma_wait3A_1310 = arith.constant 0 : i32
      %dma_wait3A_1311 = tpu.memref_slice %arg5[%add3A_1111, %dma_wait3A_1304, %dma_wait3A_1310] : memref<8x13x128xi32, #tpu.memory_space<vmem>> -> memref<1x1x128xi32, #tpu.memory_space<vmem>>
      %dma_wait3A_1312 = tpu.memref_squeeze %dma_wait3A_1311 : memref<1x1x128xi32, #tpu.memory_space<vmem>> -> memref<128xi32, #tpu.memory_space<vmem>>
      %dma_wait3A_1313 = arith.constant 0 : i32
      %dma_wait3A_1314 = arith.constant 0 : i32
      %dma_wait3A_1315 = tpu.memref_slice %arg3[%dma_wait3A_1313, %dma_wait3A_1314] : memref<1000000x32xf32, #tpu.memory_space<hbm>> -> memref<1000000x32xf32, #tpu.memory_space<hbm>>
      tpu.wait_indirect_dma semaphore(%arg7 : memref<!tpu.dma_semaphore, #tpu.memory_space<semaphore_mem>>) src(%dma_wait3A_1315 : memref<1000000x32xf32, #tpu.memory_space<hbm>>) dst(%dma_wait3A_1309 : memref<128x32xf32, #tpu.memory_space<vmem>>)
      %dma_wait3A_1316 = arith.constant 4 : i32
      %dma_wait3A_1317 = arith.constant 1 : i32
      %dma_wait3A_1318 = arith.constant 512 : i32
      %dma_wait3A_1319 = arith.constant 0 : i32
      %dma_wait3A_1320 = tpu.memref_slice %arg6[%dma_wait3A_1317, %dma_wait3A_1318, %dma_wait3A_1319] : memref<2x1664x32xf32, #tpu.memory_space<vmem>> -> memref<1x128x32xf32, #tpu.memory_space<vmem>>
      %dma_wait3A_1321 = tpu.memref_squeeze %dma_wait3A_1320 : memref<1x128x32xf32, #tpu.memory_space<vmem>> -> memref<128x32xf32, #tpu.memory_space<vmem>>
      %dma_wait3A_1322 = arith.constant 0 : i32
      %dma_wait3A_1323 = tpu.memref_slice %arg5[%add3A_1111, %dma_wait3A_1316, %dma_wait3A_1322] : memref<8x13x128xi32, #tpu.memory_space<vmem>> -> memref<1x1x128xi32, #tpu.memory_space<vmem>>
      %dma_wait3A_1324 = tpu.memref_squeeze %dma_wait3A_1323 : memref<1x1x128xi32, #tpu.memory_space<vmem>> -> memref<128xi32, #tpu.memory_space<vmem>>
      %dma_wait3A_1325 = arith.constant 0 : i32
      %dma_wait3A_1326 = arith.constant 0 : i32
      %dma_wait3A_1327 = tpu.memref_slice %arg3[%dma_wait3A_1325, %dma_wait3A_1326] : memref<1000000x32xf32, #tpu.memory_space<hbm>> -> memref<1000000x32xf32, #tpu.memory_space<hbm>>
      tpu.wait_indirect_dma semaphore(%arg7 : memref<!tpu.dma_semaphore, #tpu.memory_space<semaphore_mem>>) src(%dma_wait3A_1327 : memref<1000000x32xf32, #tpu.memory_space<hbm>>) dst(%dma_wait3A_1321 : memref<128x32xf32, #tpu.memory_space<vmem>>)
      %dma_wait3A_1328 = arith.constant 5 : i32
      %dma_wait3A_1329 = arith.constant 1 : i32
      %dma_wait3A_1330 = arith.constant 640 : i32
      %dma_wait3A_1331 = arith.constant 0 : i32
      %dma_wait3A_1332 = tpu.memref_slice %arg6[%dma_wait3A_1329, %dma_wait3A_1330, %dma_wait3A_1331] : memref<2x1664x32xf32, #tpu.memory_space<vmem>> -> memref<1x128x32xf32, #tpu.memory_space<vmem>>
      %dma_wait3A_1333 = tpu.memref_squeeze %dma_wait3A_1332 : memref<1x128x32xf32, #tpu.memory_space<vmem>> -> memref<128x32xf32, #tpu.memory_space<vmem>>
      %dma_wait3A_1334 = arith.constant 0 : i32
      %dma_wait3A_1335 = tpu.memref_slice %arg5[%add3A_1111, %dma_wait3A_1328, %dma_wait3A_1334] : memref<8x13x128xi32, #tpu.memory_space<vmem>> -> memref<1x1x128xi32, #tpu.memory_space<vmem>>
      %dma_wait3A_1336 = tpu.memref_squeeze %dma_wait3A_1335 : memref<1x1x128xi32, #tpu.memory_space<vmem>> -> memref<128xi32, #tpu.memory_space<vmem>>
      %dma_wait3A_1337 = arith.constant 0 : i32
      %dma_wait3A_1338 = arith.constant 0 : i32
      %dma_wait3A_1339 = tpu.memref_slice %arg3[%dma_wait3A_1337, %dma_wait3A_1338] : memref<1000000x32xf32, #tpu.memory_space<hbm>> -> memref<1000000x32xf32, #tpu.memory_space<hbm>>
      tpu.wait_indirect_dma semaphore(%arg7 : memref<!tpu.dma_semaphore, #tpu.memory_space<semaphore_mem>>) src(%dma_wait3A_1339 : memref<1000000x32xf32, #tpu.memory_space<hbm>>) dst(%dma_wait3A_1333 : memref<128x32xf32, #tpu.memory_space<vmem>>)
      %dma_wait3A_1340 = arith.constant 6 : i32
      %dma_wait3A_1341 = arith.constant 1 : i32
      %dma_wait3A_1342 = arith.constant 768 : i32
      %dma_wait3A_1343 = arith.constant 0 : i32
      %dma_wait3A_1344 = tpu.memref_slice %arg6[%dma_wait3A_1341, %dma_wait3A_1342, %dma_wait3A_1343] : memref<2x1664x32xf32, #tpu.memory_space<vmem>> -> memref<1x128x32xf32, #tpu.memory_space<vmem>>
      %dma_wait3A_1345 = tpu.memref_squeeze %dma_wait3A_1344 : memref<1x128x32xf32, #tpu.memory_space<vmem>> -> memref<128x32xf32, #tpu.memory_space<vmem>>
      %dma_wait3A_1346 = arith.constant 0 : i32
      %dma_wait3A_1347 = tpu.memref_slice %arg5[%add3A_1111, %dma_wait3A_1340, %dma_wait3A_1346] : memref<8x13x128xi32, #tpu.memory_space<vmem>> -> memref<1x1x128xi32, #tpu.memory_space<vmem>>
      %dma_wait3A_1348 = tpu.memref_squeeze %dma_wait3A_1347 : memref<1x1x128xi32, #tpu.memory_space<vmem>> -> memref<128xi32, #tpu.memory_space<vmem>>
      %dma_wait3A_1349 = arith.constant 0 : i32
      %dma_wait3A_1350 = arith.constant 0 : i32
      %dma_wait3A_1351 = tpu.memref_slice %arg3[%dma_wait3A_1349, %dma_wait3A_1350] : memref<1000000x32xf32, #tpu.memory_space<hbm>> -> memref<1000000x32xf32, #tpu.memory_space<hbm>>
      tpu.wait_indirect_dma semaphore(%arg7 : memref<!tpu.dma_semaphore, #tpu.memory_space<semaphore_mem>>) src(%dma_wait3A_1351 : memref<1000000x32xf32, #tpu.memory_space<hbm>>) dst(%dma_wait3A_1345 : memref<128x32xf32, #tpu.memory_space<vmem>>)
      %dma_wait3A_1352 = arith.constant 7 : i32
      %dma_wait3A_1353 = arith.constant 1 : i32
      %dma_wait3A_1354 = arith.constant 896 : i32
      %dma_wait3A_1355 = arith.constant 0 : i32
      %dma_wait3A_1356 = tpu.memref_slice %arg6[%dma_wait3A_1353, %dma_wait3A_1354, %dma_wait3A_1355] : memref<2x1664x32xf32, #tpu.memory_space<vmem>> -> memref<1x128x32xf32, #tpu.memory_space<vmem>>
      %dma_wait3A_1357 = tpu.memref_squeeze %dma_wait3A_1356 : memref<1x128x32xf32, #tpu.memory_space<vmem>> -> memref<128x32xf32, #tpu.memory_space<vmem>>
      %dma_wait3A_1358 = arith.constant 0 : i32
      %dma_wait3A_1359 = tpu.memref_slice %arg5[%add3A_1111, %dma_wait3A_1352, %dma_wait3A_1358] : memref<8x13x128xi32, #tpu.memory_space<vmem>> -> memref<1x1x128xi32, #tpu.memory_space<vmem>>
      %dma_wait3A_1360 = tpu.memref_squeeze %dma_wait3A_1359 : memref<1x1x128xi32, #tpu.memory_space<vmem>> -> memref<128xi32, #tpu.memory_space<vmem>>
      %dma_wait3A_1361 = arith.constant 0 : i32
      %dma_wait3A_1362 = arith.constant 0 : i32
      %dma_wait3A_1363 = tpu.memref_slice %arg3[%dma_wait3A_1361, %dma_wait3A_1362] : memref<1000000x32xf32, #tpu.memory_space<hbm>> -> memref<1000000x32xf32, #tpu.memory_space<hbm>>
      tpu.wait_indirect_dma semaphore(%arg7 : memref<!tpu.dma_semaphore, #tpu.memory_space<semaphore_mem>>) src(%dma_wait3A_1363 : memref<1000000x32xf32, #tpu.memory_space<hbm>>) dst(%dma_wait3A_1357 : memref<128x32xf32, #tpu.memory_space<vmem>>)
      %dma_wait3A_1364 = arith.constant 8 : i32
      %dma_wait3A_1365 = arith.constant 1 : i32
      %dma_wait3A_1366 = arith.constant 1024 : i32
      %dma_wait3A_1367 = arith.constant 0 : i32
      %dma_wait3A_1368 = tpu.memref_slice %arg6[%dma_wait3A_1365, %dma_wait3A_1366, %dma_wait3A_1367] : memref<2x1664x32xf32, #tpu.memory_space<vmem>> -> memref<1x128x32xf32, #tpu.memory_space<vmem>>
      %dma_wait3A_1369 = tpu.memref_squeeze %dma_wait3A_1368 : memref<1x128x32xf32, #tpu.memory_space<vmem>> -> memref<128x32xf32, #tpu.memory_space<vmem>>
      %dma_wait3A_1370 = arith.constant 0 : i32
      %dma_wait3A_1371 = tpu.memref_slice %arg5[%add3A_1111, %dma_wait3A_1364, %dma_wait3A_1370] : memref<8x13x128xi32, #tpu.memory_space<vmem>> -> memref<1x1x128xi32, #tpu.memory_space<vmem>>
      %dma_wait3A_1372 = tpu.memref_squeeze %dma_wait3A_1371 : memref<1x1x128xi32, #tpu.memory_space<vmem>> -> memref<128xi32, #tpu.memory_space<vmem>>
      %dma_wait3A_1373 = arith.constant 0 : i32
      %dma_wait3A_1374 = arith.constant 0 : i32
      %dma_wait3A_1375 = tpu.memref_slice %arg3[%dma_wait3A_1373, %dma_wait3A_1374] : memref<1000000x32xf32, #tpu.memory_space<hbm>> -> memref<1000000x32xf32, #tpu.memory_space<hbm>>
      tpu.wait_indirect_dma semaphore(%arg7 : memref<!tpu.dma_semaphore, #tpu.memory_space<semaphore_mem>>) src(%dma_wait3A_1375 : memref<1000000x32xf32, #tpu.memory_space<hbm>>) dst(%dma_wait3A_1369 : memref<128x32xf32, #tpu.memory_space<vmem>>)
      %dma_wait3A_1376 = arith.constant 9 : i32
      %dma_wait3A_1377 = arith.constant 1 : i32
      %dma_wait3A_1378 = arith.constant 1152 : i32
      %dma_wait3A_1379 = arith.constant 0 : i32
      %dma_wait3A_1380 = tpu.memref_slice %arg6[%dma_wait3A_1377, %dma_wait3A_1378, %dma_wait3A_1379] : memref<2x1664x32xf32, #tpu.memory_space<vmem>> -> memref<1x128x32xf32, #tpu.memory_space<vmem>>
      %dma_wait3A_1381 = tpu.memref_squeeze %dma_wait3A_1380 : memref<1x128x32xf32, #tpu.memory_space<vmem>> -> memref<128x32xf32, #tpu.memory_space<vmem>>
      %dma_wait3A_1382 = arith.constant 0 : i32
      %dma_wait3A_1383 = tpu.memref_slice %arg5[%add3A_1111, %dma_wait3A_1376, %dma_wait3A_1382] : memref<8x13x128xi32, #tpu.memory_space<vmem>> -> memref<1x1x128xi32, #tpu.memory_space<vmem>>
      %dma_wait3A_1384 = tpu.memref_squeeze %dma_wait3A_1383 : memref<1x1x128xi32, #tpu.memory_space<vmem>> -> memref<128xi32, #tpu.memory_space<vmem>>
      %dma_wait3A_1385 = arith.constant 0 : i32
      %dma_wait3A_1386 = arith.constant 0 : i32
      %dma_wait3A_1387 = tpu.memref_slice %arg3[%dma_wait3A_1385, %dma_wait3A_1386] : memref<1000000x32xf32, #tpu.memory_space<hbm>> -> memref<1000000x32xf32, #tpu.memory_space<hbm>>
      tpu.wait_indirect_dma semaphore(%arg7 : memref<!tpu.dma_semaphore, #tpu.memory_space<semaphore_mem>>) src(%dma_wait3A_1387 : memref<1000000x32xf32, #tpu.memory_space<hbm>>) dst(%dma_wait3A_1381 : memref<128x32xf32, #tpu.memory_space<vmem>>)
      %dma_wait3A_1388 = arith.constant 10 : i32
      %dma_wait3A_1389 = arith.constant 1 : i32
      %dma_wait3A_1390 = arith.constant 1280 : i32
      %dma_wait3A_1391 = arith.constant 0 : i32
      %dma_wait3A_1392 = tpu.memref_slice %arg6[%dma_wait3A_1389, %dma_wait3A_1390, %dma_wait3A_1391] : memref<2x1664x32xf32, #tpu.memory_space<vmem>> -> memref<1x128x32xf32, #tpu.memory_space<vmem>>
      %dma_wait3A_1393 = tpu.memref_squeeze %dma_wait3A_1392 : memref<1x128x32xf32, #tpu.memory_space<vmem>> -> memref<128x32xf32, #tpu.memory_space<vmem>>
      %dma_wait3A_1394 = arith.constant 0 : i32
      %dma_wait3A_1395 = tpu.memref_slice %arg5[%add3A_1111, %dma_wait3A_1388, %dma_wait3A_1394] : memref<8x13x128xi32, #tpu.memory_space<vmem>> -> memref<1x1x128xi32, #tpu.memory_space<vmem>>
      %dma_wait3A_1396 = tpu.memref_squeeze %dma_wait3A_1395 : memref<1x1x128xi32, #tpu.memory_space<vmem>> -> memref<128xi32, #tpu.memory_space<vmem>>
      %dma_wait3A_1397 = arith.constant 0 : i32
      %dma_wait3A_1398 = arith.constant 0 : i32
      %dma_wait3A_1399 = tpu.memref_slice %arg3[%dma_wait3A_1397, %dma_wait3A_1398] : memref<1000000x32xf32, #tpu.memory_space<hbm>> -> memref<1000000x32xf32, #tpu.memory_space<hbm>>
      tpu.wait_indirect_dma semaphore(%arg7 : memref<!tpu.dma_semaphore, #tpu.memory_space<semaphore_mem>>) src(%dma_wait3A_1399 : memref<1000000x32xf32, #tpu.memory_space<hbm>>) dst(%dma_wait3A_1393 : memref<128x32xf32, #tpu.memory_space<vmem>>)
      %dma_wait3A_1400 = arith.constant 11 : i32
      %dma_wait3A_1401 = arith.constant 1 : i32
      %dma_wait3A_1402 = arith.constant 1408 : i32
      %dma_wait3A_1403 = arith.constant 0 : i32
      %dma_wait3A_1404 = tpu.memref_slice %arg6[%dma_wait3A_1401, %dma_wait3A_1402, %dma_wait3A_1403] : memref<2x1664x32xf32, #tpu.memory_space<vmem>> -> memref<1x128x32xf32, #tpu.memory_space<vmem>>
      %dma_wait3A_1405 = tpu.memref_squeeze %dma_wait3A_1404 : memref<1x128x32xf32, #tpu.memory_space<vmem>> -> memref<128x32xf32, #tpu.memory_space<vmem>>
      %dma_wait3A_1406 = arith.constant 0 : i32
      %dma_wait3A_1407 = tpu.memref_slice %arg5[%add3A_1111, %dma_wait3A_1400, %dma_wait3A_1406] : memref<8x13x128xi32, #tpu.memory_space<vmem>> -> memref<1x1x128xi32, #tpu.memory_space<vmem>>
      %dma_wait3A_1408 = tpu.memref_squeeze %dma_wait3A_1407 : memref<1x1x128xi32, #tpu.memory_space<vmem>> -> memref<128xi32, #tpu.memory_space<vmem>>
      %dma_wait3A_1409 = arith.constant 0 : i32
      %dma_wait3A_1410 = arith.constant 0 : i32
      %dma_wait3A_1411 = tpu.memref_slice %arg3[%dma_wait3A_1409, %dma_wait3A_1410] : memref<1000000x32xf32, #tpu.memory_space<hbm>> -> memref<1000000x32xf32, #tpu.memory_space<hbm>>
      tpu.wait_indirect_dma semaphore(%arg7 : memref<!tpu.dma_semaphore, #tpu.memory_space<semaphore_mem>>) src(%dma_wait3A_1411 : memref<1000000x32xf32, #tpu.memory_space<hbm>>) dst(%dma_wait3A_1405 : memref<128x32xf32, #tpu.memory_space<vmem>>)
      %dma_wait3A_1412 = arith.constant 12 : i32
      %dma_wait3A_1413 = arith.constant 1 : i32
      %dma_wait3A_1414 = arith.constant 1536 : i32
      %dma_wait3A_1415 = arith.constant 0 : i32
      %dma_wait3A_1416 = tpu.memref_slice %arg6[%dma_wait3A_1413, %dma_wait3A_1414, %dma_wait3A_1415] : memref<2x1664x32xf32, #tpu.memory_space<vmem>> -> memref<1x128x32xf32, #tpu.memory_space<vmem>>
      %dma_wait3A_1417 = tpu.memref_squeeze %dma_wait3A_1416 : memref<1x128x32xf32, #tpu.memory_space<vmem>> -> memref<128x32xf32, #tpu.memory_space<vmem>>
      %dma_wait3A_1418 = arith.constant 0 : i32
      %dma_wait3A_1419 = tpu.memref_slice %arg5[%add3A_1111, %dma_wait3A_1412, %dma_wait3A_1418] : memref<8x13x128xi32, #tpu.memory_space<vmem>> -> memref<1x1x128xi32, #tpu.memory_space<vmem>>
      %dma_wait3A_1420 = tpu.memref_squeeze %dma_wait3A_1419 : memref<1x1x128xi32, #tpu.memory_space<vmem>> -> memref<128xi32, #tpu.memory_space<vmem>>
      %dma_wait3A_1421 = arith.constant 0 : i32
      %dma_wait3A_1422 = arith.constant 0 : i32
      %dma_wait3A_1423 = tpu.memref_slice %arg3[%dma_wait3A_1421, %dma_wait3A_1422] : memref<1000000x32xf32, #tpu.memory_space<hbm>> -> memref<1000000x32xf32, #tpu.memory_space<hbm>>
      tpu.wait_indirect_dma semaphore(%arg7 : memref<!tpu.dma_semaphore, #tpu.memory_space<semaphore_mem>>) src(%dma_wait3A_1423 : memref<1000000x32xf32, #tpu.memory_space<hbm>>) dst(%dma_wait3A_1417 : memref<128x32xf32, #tpu.memory_space<vmem>>)
      %add3A_1424 = arith.constant 1 : i32
      %add3A_1425 = arith.addi %add3A_747, %add3A_1424 : i32
      %mul3A_1426 = arith.constant 1664 : i32
      %mul3A_1427 = arith.muli %add3A_1425, %mul3A_1426 : i32
      %add3A_1428 = arith.addi %mul3A_4, %mul3A_1427 : i32
      %dma_start3A_1429 = arith.constant 1 : i32
      %dma_start3A_1430 = arith.constant 0 : i32
      %dma_start3A_1431 = arith.constant 0 : i32
      %dma_start3A_1432 = tpu.memref_slice %arg6[%dma_start3A_1429, %dma_start3A_1430, %dma_start3A_1431] : memref<2x1664x32xf32, #tpu.memory_space<vmem>> -> memref<1x1664x32xf32, #tpu.memory_space<vmem>>
      %dma_start3A_1433 = tpu.memref_squeeze %dma_start3A_1432 : memref<1x1664x32xf32, #tpu.memory_space<vmem>> -> memref<1664x32xf32, #tpu.memory_space<vmem>>
      %dma_start3A_1434 = arith.constant 0 : i32
      %dma_start3A_1435 = tpu.memref_slice %arg4[%add3A_1428, %dma_start3A_1434] : memref<425984x32xf32, #tpu.memory_space<hbm>> -> memref<1664x32xf32, #tpu.memory_space<hbm>>
      %dma_start3A_1436 = arith.constant 0 : i32
      %dma_start3A_1437 = tpu.memref_slice %arg4[%add3A_1428, %dma_start3A_1436] : memref<425984x32xf32, #tpu.memory_space<hbm>> -> memref<1664x32xf32, #tpu.memory_space<hbm>>
      %dma_start3A_1438 = arith.constant 0 : i32
      %dma_start3A_1439 = arith.constant 0 : i32
      %dma_start3A_1440 = tpu.memref_slice %arg6[%dma_start3A_1429, %dma_start3A_1438, %dma_start3A_1439] : memref<2x1664x32xf32, #tpu.memory_space<vmem>> -> memref<1x1664x32xf32, #tpu.memory_space<vmem>>
      %dma_start3A_1441 = tpu.memref_squeeze %dma_start3A_1440 : memref<1x1664x32xf32, #tpu.memory_space<vmem>> -> memref<1664x32xf32, #tpu.memory_space<vmem>>
      tpu.enqueue_dma source(%dma_start3A_1441 : memref<1664x32xf32, #tpu.memory_space<vmem>>) target(%dma_start3A_1437 : memref<1664x32xf32, #tpu.memory_space<hbm>>) target_semaphore(%arg9 : memref<!tpu.dma_semaphore, #tpu.memory_space<semaphore_mem>>)
    }
    %scan3A_712 = arith.constant 3 : i32
    %dma_wait3A_713 = arith.constant 0 : i32
    %dma_wait3A_714 = arith.constant 0 : i32
    %dma_wait3A_715 = arith.constant 0 : i32
    %dma_wait3A_716 = tpu.memref_slice %arg6[%dma_wait3A_713, %dma_wait3A_714, %dma_wait3A_715] : memref<2x1664x32xf32, #tpu.memory_space<vmem>> -> memref<1x1664x32xf32, #tpu.memory_space<vmem>>
    %dma_wait3A_717 = tpu.memref_squeeze %dma_wait3A_716 : memref<1x1664x32xf32, #tpu.memory_space<vmem>> -> memref<1664x32xf32, #tpu.memory_space<vmem>>
    %dma_wait3A_718 = arith.constant 0 : i32
    %dma_wait3A_719 = arith.constant 0 : i32
    %dma_wait3A_720 = tpu.memref_slice %arg4[%dma_wait3A_718, %dma_wait3A_719] : memref<425984x32xf32, #tpu.memory_space<hbm>> -> memref<1664x32xf32, #tpu.memory_space<hbm>>
    %dma_wait3A_721 = arith.constant 0 : i32
    %dma_wait3A_722 = arith.constant 0 : i32
    %dma_wait3A_723 = tpu.memref_slice %arg4[%dma_wait3A_721, %dma_wait3A_722] : memref<425984x32xf32, #tpu.memory_space<hbm>> -> memref<1664x32xf32, #tpu.memory_space<hbm>>
    %dma_wait3A_724 = arith.constant 0 : i32
    %dma_wait3A_725 = arith.constant 0 : i32
    %dma_wait3A_726 = tpu.memref_slice %arg6[%dma_wait3A_713, %dma_wait3A_724, %dma_wait3A_725] : memref<2x1664x32xf32, #tpu.memory_space<vmem>> -> memref<1x1664x32xf32, #tpu.memory_space<vmem>>
    %dma_wait3A_727 = tpu.memref_squeeze %dma_wait3A_726 : memref<1x1664x32xf32, #tpu.memory_space<vmem>> -> memref<1664x32xf32, #tpu.memory_space<vmem>>
    tpu.wait_dma2 semaphore(%arg8 : memref<!tpu.dma_semaphore, #tpu.memory_space<semaphore_mem>>) src(%dma_wait3A_727 : memref<1664x32xf32, #tpu.memory_space<vmem>>) dst(%dma_wait3A_723 : memref<1664x32xf32, #tpu.memory_space<hbm>>)
    %dma_wait3A_728 = arith.constant 1 : i32
    %dma_wait3A_729 = arith.constant 0 : i32
    %dma_wait3A_730 = arith.constant 0 : i32
    %dma_wait3A_731 = tpu.memref_slice %arg6[%dma_wait3A_728, %dma_wait3A_729, %dma_wait3A_730] : memref<2x1664x32xf32, #tpu.memory_space<vmem>> -> memref<1x1664x32xf32, #tpu.memory_space<vmem>>
    %dma_wait3A_732 = tpu.memref_squeeze %dma_wait3A_731 : memref<1x1664x32xf32, #tpu.memory_space<vmem>> -> memref<1664x32xf32, #tpu.memory_space<vmem>>
    %dma_wait3A_733 = arith.constant 0 : i32
    %dma_wait3A_734 = arith.constant 0 : i32
    %dma_wait3A_735 = tpu.memref_slice %arg4[%dma_wait3A_733, %dma_wait3A_734] : memref<425984x32xf32, #tpu.memory_space<hbm>> -> memref<1664x32xf32, #tpu.memory_space<hbm>>
    %dma_wait3A_736 = arith.constant 0 : i32
    %dma_wait3A_737 = arith.constant 0 : i32
    %dma_wait3A_738 = tpu.memref_slice %arg4[%dma_wait3A_736, %dma_wait3A_737] : memref<425984x32xf32, #tpu.memory_space<hbm>> -> memref<1664x32xf32, #tpu.memory_space<hbm>>
    %dma_wait3A_739 = arith.constant 0 : i32
    %dma_wait3A_740 = arith.constant 0 : i32
    %dma_wait3A_741 = tpu.memref_slice %arg6[%dma_wait3A_728, %dma_wait3A_739, %dma_wait3A_740] : memref<2x1664x32xf32, #tpu.memory_space<vmem>> -> memref<1x1664x32xf32, #tpu.memory_space<vmem>>
    %dma_wait3A_742 = tpu.memref_squeeze %dma_wait3A_741 : memref<1x1664x32xf32, #tpu.memory_space<vmem>> -> memref<1664x32xf32, #tpu.memory_space<vmem>>
    tpu.wait_dma2 semaphore(%arg9 : memref<!tpu.dma_semaphore, #tpu.memory_space<semaphore_mem>>) src(%dma_wait3A_742 : memref<1664x32xf32, #tpu.memory_space<vmem>>) dst(%dma_wait3A_738 : memref<1664x32xf32, #tpu.memory_space<hbm>>)
    return
  }
}

</mosaic_0001>

<sc_bundles>
// kernel: kernel.3.cloned.1.call-start
scs
__scs_entry_jumppad:
0x0: {  	(pc) =	sbr.rel $0x88, $3  }
0x1: {  	(tag) =	ssettag $0x0;
	lr =	simm.s32 $0x1  }
0x2: {  	[smem:$0x3F9F] =	sst lr;
	_ =	strace $0xD0000000  }
0x3: {  	_ = 	snop  }
0x4: {  	_ = 	snop  }
0x5: {  	_ = 	snop  }
0x6: {  	_ = 	snop  }
0x7: {  	_ = 	snop  }
__scs_overlays_trampoline_lowered:
0x8: {  	[smem:$0x3FAE] =	sst s0  }
0x9: {  	[smem:$0x3FAF] =	sst s1  }
0xa: {  	[smem:$0x3FB0] =	sst s2  }
0xb: {  	[smem:$0x3FB1] =	sst s3  }
0xc: {  	[smem:$0x3FB2] =	sst s4  }
0xd: {  	[smem:$0x3FB3] =	sst s5  }
0xe: {  	[smem:$0x3FB4] =	sst s6  }
0xf: {  	[smem:$0x3FB5] =	sst s7  }
0x10: {  	[smem:$0x3FB6] =	sst s8  }
0x11: {  	[smem:$0x3FB7] =	sst s9;
	s0 =	simm.s32 @!p0 $0x0  }
0x12: {  	s1 =	sld [smem:$0x3F9D];
	s0 =	simm.s32 @p0 $0x1  }
0x13: {  	[smem:$0x3FB8] =	sst s0;
	s0 =	simm.s32 @!p1 $0x0  }
0x14: {  	s2 =	sld [smem:$0x3F9C];
	s0 =	simm.s32 @p1 $0x1  }
0x15: {  	[smem:$0x3FB9] =	sst s0;
	s0 =	simm.s32 @!p2 $0x0  }
0x16: {  	s3 =	sld [smem:$0x3FDB];
	s0 =	simm.s32 @p2 $0x1  }
0x17: {  	s4 =	simm.s32 $0x1BF5;
	[smem:$0x3FBB] =	sst s0  }
0x18: {  	s0 =	sld [smem:$0x3F9E];
	_ =	swait.ge [sflag:s4], $0x0  }
0x19: {  	s7 =	sld [smem:$0x3F9F]  }
0x1a: {  	s8 =	sadd.s32 $0xFFFFE003, lr  }
0x1b: {  	s9 =	sadd.s32 $0xFFFFFEF7, lr;
	s5 =	simm.s32 $0xFFFFFFFF;
	p2 =	slt.u32 s8, $0xFFFFF086  }
0x1c: {  	p1 =	slt.u32 s9, $0xF7A;
	s5 =	simm.s32 @!p2 $0x0  }
0x1d: {  	s5 =	simm.s32 @p1 $0x1;
	p0 =	seq.s32 s7, s2  }
0x1e: {  	s7 =	smul.u32 @!p0 $0xF7A, s2;
	p2 =	seq.s32 @!p0 s5, $0x0  }
0x1f: {  	s9 =	smul.u32 $0xF7A, s1;
	s8 =	simm.s32 @!p0 $0x1BF5;
	p2 =	por !p2, p0  }
0x20: {  	[sflag:s8] =	ssyncset.s32 @!p0 $0xFFFFF086;
	s6 =	sadd.s32 @!p0 s3, s7;
	s7 =	simm.s32 @!p0 $0x108  }
0x21: {  	s3 =	sadd.s32 s3, s9;
	s6 =	sadd.s32 @!p0 $0x88, s6;
	s7 =	simm.s32 @p2 $0x1082  }
0x22: {  	[simem:s7], [sflag:s8] =	dma.local @!p0 [hbm:s6], $0xF7A  }
0x23: {  	s9 =	sor.u32 $0xD0000000, s2;
	s6 =	simm.s32 $0x108;
	_ =	swait.ge @!p0 [sflag:s8], $0x0  }
0x24: {  	s3 =	sadd.s32 $0x88, s3;
	s6 =	simm.s32 @!p1 $0x1082;
	[sflag:s4] =	ssyncset.s32 $0xFFFFF086  }
0x25: {  	[simem:s6], [sflag:s4] =	dma.local [hbm:s3], $0xF7A  }
0x26: {  	[smem:$0x3F9F] =	sst s1;
	(tag) =	ssettag s2;
	_ =	strace s9  }
0x27: {  	s1 =	sld [smem:$0x3FAF]  }
0x28: {  	s2 =	sld [smem:$0x3FB0]  }
0x29: {  	s4 =	sld [smem:$0x3FB2]  }
0x2a: {  	p0 =	seq.s32 s5, $0x0;
	s5 =	sld [smem:$0x3FB3]  }
0x2b: {  	s6 =	sld [smem:$0x3FB4]  }
0x2c: {  	s7 =	sld [smem:$0x3FB5]  }
0x2d: {  	s3 =	simm.s32 $0x108;
	s8 =	sld [smem:$0x3FB6]  }
0x2e: {  	s3 =	simm.s32 @!p0 $0x1082;
	s9 =	sld [smem:$0x3FB7]  }
0x2f: {  	lr =	sadd.s32 s0, s3;
	s0 =	sld [smem:$0x3FAE]  }
0x30: {  	s3 =	sld [smem:$0x3FB1]  }
0x31: {  	[smem:$0x3FBA] =	sst s10  }
0x32: {  	s10 =	sld [smem:$0x3FB8];
	_ =	sdelay $0x3  }
0x33: {  	p0 =	seq.s32 s10, $0x1;
	s10 =	sld [smem:$0x3FBA];
	_ =	sdelay $0x3  }
0x34: {  	[smem:$0x3FBA] =	sst s10  }
0x35: {  	s10 =	sld [smem:$0x3FB9];
	_ =	sdelay $0x3  }
0x36: {  	p1 =	seq.s32 s10, $0x1;
	s10 =	sld [smem:$0x3FBA];
	_ =	sdelay $0x3  }
0x37: {  	[smem:$0x3FBA] =	sst s10  }
0x38: {  	s10 =	sld [smem:$0x3FBB]  }
0x39: {  	_ = 	snop;
	(pc) =	sbr.ind lr, $3  }
0x3a: {  	_ = 	snop  }
0x3b: {  	_ = 	snop  }
0x3c: {  	p2 =	seq.s32 s10, $0x1;
	s10 =	sld [smem:$0x3FBA]  }
0x3d: {  	_ =	shalt  }
0x3e: {  	_ =	shalt  }
0x3f: {  	_ =	shalt  }
0x40: {  	_ =	shalt  }
0x41: {  	_ =	shalt  }
0x42: {  	_ =	shalt  }
0x43: {  	_ =	shalt  }
0x44: {  	_ =	shalt  }
0x45: {  	_ =	shalt  }
0x46: {  	_ =	shalt  }
0x47: {  	_ =	shalt  }
0x48: {  	_ =	shalt  }
0x49: {  	_ =	shalt  }
0x4a: {  	_ =	shalt  }
0x4b: {  	_ =	shalt  }
0x4c: {  	_ =	shalt  }
0x4d: {  	_ =	shalt  }
0x4e: {  	_ =	shalt  }
0x4f: {  	_ =	shalt  }
0x50: {  	_ =	shalt  }
0x51: {  	_ =	shalt  }
0x52: {  	_ =	shalt  }
0x53: {  	_ =	shalt  }
0x54: {  	_ =	shalt  }
0x55: {  	_ =	shalt  }
0x56: {  	_ =	shalt  }
0x57: {  	_ =	shalt  }
0x58: {  	_ =	shalt  }
0x59: {  	_ =	shalt  }
0x5a: {  	_ =	shalt  }
0x5b: {  	_ =	shalt  }
0x5c: {  	_ =	shalt  }
0x5d: {  	_ =	shalt  }
0x5e: {  	_ =	shalt  }
0x5f: {  	_ =	shalt  }
0x60: {  	_ =	shalt  }
0x61: {  	_ =	shalt  }
0x62: {  	_ =	shalt  }
0x63: {  	_ =	shalt  }
0x64: {  	_ =	shalt  }
0x65: {  	_ =	shalt  }
0x66: {  	_ =	shalt  }
0x67: {  	_ =	shalt  }
0x68: {  	_ =	shalt  }
0x69: {  	_ =	shalt  }
0x6a: {  	_ =	shalt  }
0x6b: {  	_ =	shalt  }
0x6c: {  	_ =	shalt  }
0x6d: {  	_ =	shalt  }
0x6e: {  	_ =	shalt  }
0x6f: {  	_ =	shalt  }
0x70: {  	_ =	shalt  }
0x71: {  	_ =	shalt  }
0x72: {  	_ =	shalt  }
0x73: {  	_ =	shalt  }
0x74: {  	_ =	shalt  }
0x75: {  	_ =	shalt  }
0x76: {  	_ =	shalt  }
0x77: {  	_ =	shalt  }
0x78: {  	_ =	shalt  }
0x79: {  	_ =	shalt  }
0x7a: {  	_ =	shalt  }
0x7b: {  	_ =	shalt  }
0x7c: {  	_ =	shalt  }
0x7d: {  	_ =	shalt  }
0x7e: {  	_ =	shalt  }
0x7f: {  	_ =	shalt  }
0x80: {  	_ =	shalt  }
0x81: {  	_ =	shalt  }
0x82: {  	_ =	shalt  }
0x83: {  	_ =	shalt  }
0x84: {  	_ =	shalt  }
0x85: {  	_ =	shalt  }
0x86: {  	_ =	shalt  }
0x87: {  	_ =	shalt  }
.Lfunc_end0:
.L_simem_size_0:
called_computation.1_lowered:
.L_overlay_start_0:
0x88: {  	s2 =	sld [smem:$0x3FD9]  }
0x89: {  	s3 =	sld [smem:$0x3FFE];
	_ =	sdelay $0x1  }
0x8a: {  	s1 =	srdreg.scid  }
0x8b: {  	s0 =	sand.u32 $0x1, s1  }
0x8c: {  	s17 =	sshll.u32 s0, $0xA;
	s2 =	sadd.s32 s3, s2  }
0x8d: {  	s2 =	sadd.s32 s2, s17  }
0x8e: {  	[smem:$0x3FC6] =	sst s2  }
0x8f: {  	_ = 	snop  }
0x90: {  	s2 =	sld [smem:$0x3FD0];
	(tm) =	ssettm $0x1  }
0x91: {  	s18 =	sld [smem:$0x3FFB];
	_ =	sdelay $0x3  }
0x92: {  	_ =	strace s18  }
0x93: {  	s3 =	sld [smem:$0x3FFC];
	_ =	sdelay $0x3  }
0x94: {  	_ =	strace s3  }
0x95: {  	s3 =	sld [smem:$0x3FFD];
	_ =	sdelay $0x3  }
0x96: {  	_ =	strace s3  }
0x97: {  	_ =	strace $0x8FFFFFFF  }
0x98: {  	s19 =	sld [smem:$0x3FDB];
	_ =	sdelay $0x1  }
0x99: {  	s4 =	simm.s32 $_scs_section_size  }
0x9a: {  	s5 =	simm.s32 $_size__tile_overlayer_lowered;
	s6 =	simm.s32 $_tile_overlayer_lowered  }
0x9b: {  	s22 =	simm.s32 $0x1BFF;
	s21 =	sshll.u32 s6, $0x1;
	s3 =	sadd.s32 s4, s19  }
0x9c: {  	s7 =	simm.s32 $0x0;
	s20 =	sshll.u32 s5, $0x1;
	s5 =	sadd.s32 s21, s3  }
0x9d: {  	[timem:s7], [sflag:s22] =	dma.local [hbm:s5], s20  }
0x9e: {  	_ =	swait.ge [sflag:s22], s20  }
0x9f: {  	s4 =	ssub.s32 $0x0, s20;
	[sflag:s22] =	ssyncset.done $0x0  }
0xa0: {  	[sflag:s22] =	ssyncadd.s32 s4;
	_ =	sdelay $0x1  }
0xa1: {  	s23 =	simm.s32 $0x1B8B  }
0xa2: {  	_ =	swait.ge [sflag:s23], $0x1  }
0xa3: {  	[sflag:s23] =	ssyncset.done $0x0  }
0xa4: {  	s25 =	simm.s32 $0x1B8E;
	s24 =	sld [smem:$0x3FFE];
	[sflag:s23] =	ssyncadd.s32 $0xFFFFFFFF  }
0xa5: {  	s26 =	simm.s32 $execute0_lowered;
	[smem:$0x3FD2] =	sst s25  }
0xa6: {  	s5 =	sshll.u32 s26, $0x1;
	_ =	strace $0x80000046;
	[dreg:$0x1] =	wrdreg $0xFFFFFFFF  }
0xa7: {  	s28 =	simm.s32 $_size_execute0_lowered;
	s3 =	sadd.s32 s3, s5;
	[dreg:$0x0] =	wrdreg $0x0  }
0xa8: {  	s5 =	sshll.u32 s28, $0x1;
	[dreg:$0x2] =	wrdreg s3  }
0xa9: {  	[dreg:$0x3] =	wrdreg s5  }
0xaa: {  	[dreg:$0x4] =	wrdreg $0xC0  }
0xab: {  	_ =	task [dreg:s7], $0x5FFFF  }
0xac: {  	[dreg:$0x1] =	wrdreg $0xFFFFFFFF  }
0xad: {  	[dreg:$0x0] =	wrdreg $0x60  }
0xae: {  	[dreg:$0x2] =	wrdreg s24  }
0xaf: {  	[dreg:$0x3] =	wrdreg s2  }
0xb0: {  	[dreg:$0x4] =	wrdreg $0x9  }
0xb1: {  	_ =	task.clear_ibuf [dreg:s7], $0x5FFFF;
	_ =	strace $0x90000046  }
0xb2: {  	s29 =	simm.s32 $0x9;
	_ =	strace $0x80000048  }
0xb3: {  	_ =	swait.ge [sflag:s29], $0x1  }
0xb4: {  	[sflag:s29] =	ssyncadd.s32 $0xFFFFFFFF  }
0xb5: {  	_ =	strace $0x90000048  }
0xb6: {  	_ =	sfence  }
0xb7: {  	s30 =	sld [smem:$0x0];
	_ =	sdelay $0x2  }
0xb8: {  	s31 =	sshll.u32 s1, $0xD;
	s1 =	sshrl.u32 s1, $0x2  }
0xb9: {  	s3 =	sand.u32 $0x4000, s31;
	s1 =	sadd.s32 s1, s30  }
0xba: {  	s0 =	sor.u32 s3, s0;
	s1 =	sshll.u32 s1, $0x11  }
0xbb: {  	s0 =	sor.u32 s1, s0  }
0xbc: {  	s0 =	sadd.s32 $0x8F2B, s0  }
0xbd: {  	[sflag:s0] =	ssyncadd.remote.s32 $0x1  }
0xbe: {  	_ =	sfence.sel $0xFFFF  }
0xbf: {  	[dreg:$0x0] =	wrdreg $0xFFFFFFFF;
	(pc) =	sbr.abs _section_cstart, $3  }
0xc0: {  	[dreg:$0x1] =	wrdreg $0xFFFFFFFF  }
0xc1: {  	_ =	task.clear_ibuf [dreg:s7], $0x2FFFF;
	_ =	strace $0x9FFFFFFF  }
0xc2: {  	(tm) =	ssettm $0x7FFFFFFF  }
0xc3: {  	_ =	shalt  }
tec
execute0_lowered:
.L_overlay_start_1:
0x0: {  	(tag) =	ssettag $0x1  }
0x1: {  	s0 =	rddreg [dreg:$0x0];
	s1 =	srdreg.scid  }
0x2: {  	s6 =	stileid.u32;
	s4 =	rddreg [dreg:$0x1]  }
0x3: {  	s2 =	simm.s32 $0x0;
	s15 =	simm.s32 $0x4400;
	s17 =	simm.s32 $0x5400  }
0x4: {  	s19 =	simm.s32 $0x6400;
	s12 =	simm.s32 $0xA400;
	s16 =	simm.s32 $0xE400  }
0x5: {  	s14 =	simm.s32 $0x1;
	s18 =	simm.s32 $0x10400;
	s28 =	simm.s32 $0x12400  }
0x6: {  	s20 =	simm.s32 $0x13400;
	s30 =	simm.s32 $0x19400;
	s31 =	simm.s32 $0x1A400  }
0x7: {  	s1 =	sand.u32 $0x1, s1;
	s3 =	sshll.u32 s6, $0x1;
	s6 =	smul.u32 $0x6800, s6  }
0x8: {  	s5 =	sor.u32 s1, s3;
	s7 =	ssub.s32 $0x2, s1;
	s1 =	smul.u32 $0x3400, s1  }
0x9: {  	s11 =	simm.s32 $0x3;
	s29 =	simm.s32 $0x0;
	s3 =	smul.u32 $0x3400, s5  }
0xa: {  	[smem:$0x7FF] =	sst s2;
	s2 =	simm.s32 $0x18400;
	s10 =	smul.u32 $0x68000, s5  }
0xb: {  	_ =	strace $0x80000047;
	s9 =	sshrl.u32 s7, $0x1;
	s5 =	smul.u32 $0xD000, s5  }
0xc: {  	s21 =	ssub.s32 s7, s9;
	s1 =	sadd.s32 s1, s6;
	s9 =	simm.s32 $0x80  }
0xd: {  	s7 =	simm.s32 $0x17400;
	s3 =	sshrl.u32 s3, $0x3;
	s22 =	sshrl.u32 s10, $0x3  }
0xe: {  	s1 =	sshll.u32 s1, $0x2;
	s10 =	simm.s32 $0x3400;
	s8 =	sadd.s32 s3, s0  }
0xf: {  	s3 =	sadd.s32 $0xF42E00, s0;
	s6 =	sadd.s32 s4, s22;
	s1 =	sadd.s32 s4, s1  }
0x10: {  	s4 =	sadd.s32 s4, s5;
	s0 =	smax.u32 s21, $0x1;
	s21 =	simm.s32 $0x7400  }
0x11: {  	s22 =	simm.s32 $0xB400;
	s5 =	simm.s32 $0x15400;
	[dreg:$0x6] =	wrdreg s4  }
0x12: {  	s23 =	sadd.s32 $0xA00, s8;
	s24 =	sadd.s32 $0x1A00, s6;
	[dreg:$0x8] =	wrdreg s0  }
0x13: {  	s25 =	sadd.s32 $0x4E00, s1;
	s26 =	sadd.s32 $0x3400, s1;
	[dreg:$0x5] =	wrdreg s23  }
0x14: {  	s1 =	simm.s32 $0x9400;
	s0 =	simm.s32 $0x11400;
	[dreg:$0x7] =	wrdreg s24  }
0x15: {  	s4 =	simm.s32 $0x14400;
	s6 =	simm.s32 $0x16400;
	[dreg:$0x3] =	wrdreg s25  }
0x16: {  	s8 =	simm.s32 $0x2;
	[dreg:$0x4] =	wrdreg s26;
	s23 =	simm.s32 $0x8400  }
0x17: {  	s25 =	simm.s32 $0xC400;
	s26 =	simm.s32 $0xD400;
	s24 =	simm.s32 $0xF400  }
.LBB2_1:
0x18: {  	[dreg:$0x9] =	wrdreg s29  }
0x19: {  	s13 =	rddreg [dreg:$0x5];
	s29 =	simm.s32 $0x0  }
0x1a: {  	[tilespmem:s29], [sflag:$0x4] =	stream.linear.gather [hbm4b:s13+s29], $0x3400, $0x38;
	[tilespmem:$0x1D400] =	vst v63  }
0x1b: {  	s13 =	simm.s32 $0x4  }
0x1c: {  	_ =	swait.ge [sflag:s13], $0x3400  }
0x1d: {  	[sflag:s13] =	ssyncset.done $0x0  }
0x1e: {  	[sflag:s13] =	ssyncadd.s32 $0xFFFFCC00  }
0x1f: {  	[tilespmem:s10], [sflag:$0x1] =	stream.indirect.gather [hbm4b:s3+s9], $0x20, s29, s9, $0xb8;
	[tilespmem:$0x1D400] =	vst v63  }
0x20: {  	_ = 	snop  }
0x21: {  	[tilespmem:s15], [sflag:$0x1] =	stream.indirect.gather [hbm4b:s3+s9], $0x20, s9, s9, $0xb8;
	[tilespmem:$0x1D400] =	vst v63  }
0x22: {  	s13 =	simm.s32 $0x100  }
0x23: {  	[tilespmem:s17], [sflag:$0x1] =	stream.indirect.gather [hbm4b:s3+s9], $0x20, s13, s9, $0xb8;
	[tilespmem:$0x1D400] =	vst v63  }
0x24: {  	s13 =	simm.s32 $0x180  }
0x25: {  	[tilespmem:s19], [sflag:$0x1] =	stream.indirect.gather [hbm4b:s3+s9], $0x20, s13, s9, $0xb8;
	[tilespmem:$0x1D400] =	vst v63  }
0x26: {  	s13 =	simm.s32 $0x200  }
0x27: {  	[tilespmem:s21], [sflag:$0x1] =	stream.indirect.gather [hbm4b:s3+s9], $0x20, s13, s9, $0xb8;
	[tilespmem:$0x1D400] =	vst v63  }
0x28: {  	s13 =	simm.s32 $0x280  }
0x29: {  	[tilespmem:s23], [sflag:$0x1] =	stream.indirect.gather [hbm4b:s3+s9], $0x20, s13, s9, $0xb8;
	[tilespmem:$0x1D400] =	vst v63  }
0x2a: {  	s13 =	simm.s32 $0x300  }
0x2b: {  	[tilespmem:s1], [sflag:$0x1] =	stream.indirect.gather [hbm4b:s3+s9], $0x20, s13, s9, $0xb8;
	[tilespmem:$0x1D400] =	vst v63  }
0x2c: {  	s13 =	simm.s32 $0x380  }
0x2d: {  	[tilespmem:s12], [sflag:$0x1] =	stream.indirect.gather [hbm4b:s3+s9], $0x20, s13, s9, $0xb8;
	[tilespmem:$0x1D400] =	vst v63  }
0x2e: {  	s13 =	simm.s32 $0x400  }
0x2f: {  	[tilespmem:s22], [sflag:$0x1] =	stream.indirect.gather [hbm4b:s3+s9], $0x20, s13, s9, $0xb8;
	[tilespmem:$0x1D400] =	vst v63  }
0x30: {  	s13 =	simm.s32 $0x480  }
0x31: {  	[tilespmem:s25], [sflag:$0x1] =	stream.indirect.gather [hbm4b:s3+s9], $0x20, s13, s9, $0xb8;
	[tilespmem:$0x1D400] =	vst v63  }
0x32: {  	s13 =	simm.s32 $0x500  }
0x33: {  	[tilespmem:s26], [sflag:$0x1] =	stream.indirect.gather [hbm4b:s3+s9], $0x20, s13, s9, $0xb8;
	[tilespmem:$0x1D400] =	vst v63  }
0x34: {  	s13 =	simm.s32 $0x580  }
0x35: {  	[tilespmem:s16], [sflag:$0x1] =	stream.indirect.gather [hbm4b:s3+s9], $0x20, s13, s9, $0xb8;
	[tilespmem:$0x1D400] =	vst v63  }
0x36: {  	s13 =	simm.s32 $0x600  }
0x37: {  	[tilespmem:s24], [sflag:$0x1] =	stream.indirect.gather [hbm4b:s3+s9], $0x20, s13, s9, $0xb8;
	[tilespmem:$0x1D400] =	vst v63  }
0x38: {  	_ =	swait.ge [sflag:s14], $0x1000  }
0x39: {  	[sflag:s14] =	ssyncset.done $0x0  }
0x3a: {  	[sflag:s14] =	ssyncadd.s32 $0xFFFFF000  }
0x3b: {  	_ =	swait.ge [sflag:s14], $0x1000  }
0x3c: {  	[sflag:s14] =	ssyncset.done $0x0  }
0x3d: {  	[sflag:s14] =	ssyncadd.s32 $0xFFFFF000  }
0x3e: {  	_ =	swait.ge [sflag:s14], $0x1000  }
0x3f: {  	[sflag:s14] =	ssyncset.done $0x0  }
0x40: {  	[sflag:s14] =	ssyncadd.s32 $0xFFFFF000  }
0x41: {  	_ =	swait.ge [sflag:s14], $0x1000  }
0x42: {  	[sflag:s14] =	ssyncset.done $0x0  }
0x43: {  	[sflag:s14] =	ssyncadd.s32 $0xFFFFF000  }
0x44: {  	_ =	swait.ge [sflag:s14], $0x1000  }
0x45: {  	[sflag:s14] =	ssyncset.done $0x0  }
0x46: {  	[sflag:s14] =	ssyncadd.s32 $0xFFFFF000  }
0x47: {  	_ =	swait.ge [sflag:s14], $0x1000  }
0x48: {  	[sflag:s14] =	ssyncset.done $0x0  }
0x49: {  	[sflag:s14] =	ssyncadd.s32 $0xFFFFF000  }
0x4a: {  	_ =	swait.ge [sflag:s14], $0x1000  }
0x4b: {  	[sflag:s14] =	ssyncset.done $0x0  }
0x4c: {  	[sflag:s14] =	ssyncadd.s32 $0xFFFFF000  }
0x4d: {  	_ =	swait.ge [sflag:s14], $0x1000  }
0x4e: {  	[sflag:s14] =	ssyncset.done $0x0  }
0x4f: {  	[sflag:s14] =	ssyncadd.s32 $0xFFFFF000  }
0x50: {  	_ =	swait.ge [sflag:s14], $0x1000  }
0x51: {  	[sflag:s14] =	ssyncset.done $0x0  }
0x52: {  	[sflag:s14] =	ssyncadd.s32 $0xFFFFF000  }
0x53: {  	_ =	swait.ge [sflag:s14], $0x1000  }
0x54: {  	[sflag:s14] =	ssyncset.done $0x0  }
0x55: {  	[sflag:s14] =	ssyncadd.s32 $0xFFFFF000  }
0x56: {  	_ =	swait.ge [sflag:s14], $0x1000  }
0x57: {  	[sflag:s14] =	ssyncset.done $0x0  }
0x58: {  	[sflag:s14] =	ssyncadd.s32 $0xFFFFF000  }
0x59: {  	_ =	swait.ge [sflag:s14], $0x1000  }
0x5a: {  	[sflag:s14] =	ssyncset.done $0x0  }
0x5b: {  	[sflag:s14] =	ssyncadd.s32 $0xFFFFF000  }
0x5c: {  	_ =	swait.ge [sflag:s14], $0x1000  }
0x5d: {  	[sflag:s14] =	ssyncset.done $0x0  }
0x5e: {  	s13 =	rddreg [dreg:$0x6];
	[sflag:s14] =	ssyncadd.s32 $0xFFFFF000  }
0x5f: {  	[hbm4b:s13+s29] =	stream.linear.scatter [tilespmem:s10], [sflag:$0x2], $0xD000, $0x38;
	[tilespmem:$0x1D400] =	vst v63  }
0x60: {  	s13 =	simm.s32 $0x680  }
0x61: {  	[tilespmem:s18], [sflag:$0x1] =	stream.indirect.gather [hbm4b:s3+s9], $0x20, s13, s9, $0xb8;
	[tilespmem:$0x1D400] =	vst v63  }
0x62: {  	s13 =	simm.s32 $0x700  }
0x63: {  	[tilespmem:s0], [sflag:$0x1] =	stream.indirect.gather [hbm4b:s3+s9], $0x20, s13, s9, $0xb8;
	[tilespmem:$0x1D400] =	vst v63  }
0x64: {  	s0 =	simm.s32 $0x780  }
0x65: {  	[tilespmem:s28], [sflag:$0x1] =	stream.indirect.gather [hbm4b:s3+s9], $0x20, s0, s9, $0xb8;
	[tilespmem:$0x1D400] =	vst v63  }
0x66: {  	s0 =	simm.s32 $0x800  }
0x67: {  	[tilespmem:s20], [sflag:$0x1] =	stream.indirect.gather [hbm4b:s3+s9], $0x20, s0, s9, $0xb8;
	[tilespmem:$0x1D400] =	vst v63  }
0x68: {  	s0 =	simm.s32 $0x880  }
0x69: {  	[tilespmem:s4], [sflag:$0x1] =	stream.indirect.gather [hbm4b:s3+s9], $0x20, s0, s9, $0xb8;
	[tilespmem:$0x1D400] =	vst v63  }
0x6a: {  	s0 =	simm.s32 $0x900  }
0x6b: {  	[tilespmem:s5], [sflag:$0x1] =	stream.indirect.gather [hbm4b:s3+s9], $0x20, s0, s9, $0xb8;
	[tilespmem:$0x1D400] =	vst v63  }
0x6c: {  	s0 =	simm.s32 $0x980  }
0x6d: {  	[tilespmem:s6], [sflag:$0x1] =	stream.indirect.gather [hbm4b:s3+s9], $0x20, s0, s9, $0xb8;
	[tilespmem:$0x1D400] =	vst v63  }
0x6e: {  	s0 =	simm.s32 $0xA00  }
0x6f: {  	[tilespmem:s7], [sflag:$0x1] =	stream.indirect.gather [hbm4b:s3+s9], $0x20, s0, s9, $0xb8;
	[tilespmem:$0x1D400] =	vst v63  }
0x70: {  	s0 =	simm.s32 $0xA80  }
0x71: {  	[tilespmem:s2], [sflag:$0x1] =	stream.indirect.gather [hbm4b:s3+s9], $0x20, s0, s9, $0xb8;
	[tilespmem:$0x1D400] =	vst v63  }
0x72: {  	s0 =	simm.s32 $0xB00  }
0x73: {  	[tilespmem:s30], [sflag:$0x1] =	stream.indirect.gather [hbm4b:s3+s9], $0x20, s0, s9, $0xb8;
	[tilespmem:$0x1D400] =	vst v63  }
0x74: {  	s0 =	simm.s32 $0xB80  }
0x75: {  	[tilespmem:s31], [sflag:$0x1] =	stream.indirect.gather [hbm4b:s3+s9], $0x20, s0, s9, $0xb8;
	[tilespmem:$0x1D400] =	vst v63  }
0x76: {  	s13 =	simm.s32 $0xC00;
	s0 =	simm.s32 $0x1B400  }
0x77: {  	[tilespmem:s0], [sflag:$0x1] =	stream.indirect.gather [hbm4b:s3+s9], $0x20, s13, s9, $0xb8;
	[tilespmem:$0x1D400] =	vst v63  }
0x78: {  	s0 =	simm.s32 $0x1C400;
	s13 =	simm.s32 $0xC80  }
0x79: {  	[tilespmem:s0], [sflag:$0x1] =	stream.indirect.gather [hbm4b:s3+s9], $0x20, s13, s9, $0xb8;
	[tilespmem:$0x1D400] =	vst v63  }
0x7a: {  	_ =	swait.ge [sflag:s14], $0x1000  }
0x7b: {  	[sflag:s14] =	ssyncset.done $0x0  }
0x7c: {  	[sflag:s14] =	ssyncadd.s32 $0xFFFFF000  }
0x7d: {  	_ =	swait.ge [sflag:s14], $0x1000  }
0x7e: {  	[sflag:s14] =	ssyncset.done $0x0  }
0x7f: {  	[sflag:s14] =	ssyncadd.s32 $0xFFFFF000  }
0x80: {  	_ =	swait.ge [sflag:s14], $0x1000  }
0x81: {  	[sflag:s14] =	ssyncset.done $0x0  }
0x82: {  	[sflag:s14] =	ssyncadd.s32 $0xFFFFF000  }
0x83: {  	_ =	swait.ge [sflag:s14], $0x1000  }
0x84: {  	[sflag:s14] =	ssyncset.done $0x0  }
0x85: {  	[sflag:s14] =	ssyncadd.s32 $0xFFFFF000  }
0x86: {  	_ =	swait.ge [sflag:s14], $0x1000  }
0x87: {  	[sflag:s14] =	ssyncset.done $0x0  }
0x88: {  	[sflag:s14] =	ssyncadd.s32 $0xFFFFF000  }
0x89: {  	_ =	swait.ge [sflag:s14], $0x1000  }
0x8a: {  	[sflag:s14] =	ssyncset.done $0x0  }
0x8b: {  	[sflag:s14] =	ssyncadd.s32 $0xFFFFF000  }
0x8c: {  	_ =	swait.ge [sflag:s14], $0x1000  }
0x8d: {  	[sflag:s14] =	ssyncset.done $0x0  }
0x8e: {  	[sflag:s14] =	ssyncadd.s32 $0xFFFFF000  }
0x8f: {  	_ =	swait.ge [sflag:s14], $0x1000  }
0x90: {  	[sflag:s14] =	ssyncset.done $0x0  }
0x91: {  	[sflag:s14] =	ssyncadd.s32 $0xFFFFF000  }
0x92: {  	_ =	swait.ge [sflag:s14], $0x1000  }
0x93: {  	[sflag:s14] =	ssyncset.done $0x0  }
0x94: {  	[sflag:s14] =	ssyncadd.s32 $0xFFFFF000  }
0x95: {  	_ =	swait.ge [sflag:s14], $0x1000  }
0x96: {  	[sflag:s14] =	ssyncset.done $0x0  }
0x97: {  	[sflag:s14] =	ssyncadd.s32 $0xFFFFF000  }
0x98: {  	_ =	swait.ge [sflag:s14], $0x1000  }
0x99: {  	[sflag:s14] =	ssyncset.done $0x0  }
0x9a: {  	[sflag:s14] =	ssyncadd.s32 $0xFFFFF000  }
0x9b: {  	_ =	swait.ge [sflag:s14], $0x1000  }
0x9c: {  	[sflag:s14] =	ssyncset.done $0x0  }
0x9d: {  	[sflag:s14] =	ssyncadd.s32 $0xFFFFF000  }
0x9e: {  	_ =	swait.ge [sflag:s14], $0x1000  }
0x9f: {  	[sflag:s14] =	ssyncset.done $0x0  }
0xa0: {  	s13 =	rddreg [dreg:$0x7];
	[sflag:s14] =	ssyncadd.s32 $0xFFFFF000  }
0xa1: {  	[hbm4b:s13+s29] =	stream.linear.scatter [tilespmem:s18], [sflag:$0x3], $0xD000, $0x38;
	[tilespmem:$0x1D400] =	vst v63  }
0xa2: {  	_ =	swait.ge [sflag:s8], $0xD000  }
0xa3: {  	[sflag:s8] =	ssyncset.done $0x0  }
0xa4: {  	s13 =	simm.s32 $0xD00;
	[sflag:s8] =	ssyncadd.s32 $0xFFFF3000  }
0xa5: {  	[tilespmem:s10], [sflag:$0x1] =	stream.indirect.gather [hbm4b:s3+s9], $0x20, s13, s9, $0xb8;
	[tilespmem:$0x1D400] =	vst v63  }
0xa6: {  	s13 =	simm.s32 $0xD80  }
0xa7: {  	[tilespmem:s15], [sflag:$0x1] =	stream.indirect.gather [hbm4b:s3+s9], $0x20, s13, s9, $0xb8;
	[tilespmem:$0x1D400] =	vst v63  }
0xa8: {  	s15 =	simm.s32 $0xE00  }
0xa9: {  	[tilespmem:s17], [sflag:$0x1] =	stream.indirect.gather [hbm4b:s3+s9], $0x20, s15, s9, $0xb8;
	[tilespmem:$0x1D400] =	vst v63  }
0xaa: {  	s17 =	simm.s32 $0xE80  }
0xab: {  	[tilespmem:s19], [sflag:$0x1] =	stream.indirect.gather [hbm4b:s3+s9], $0x20, s17, s9, $0xb8;
	[tilespmem:$0x1D400] =	vst v63  }
0xac: {  	s19 =	simm.s32 $0xF00  }
0xad: {  	[tilespmem:s21], [sflag:$0x1] =	stream.indirect.gather [hbm4b:s3+s9], $0x20, s19, s9, $0xb8;
	[tilespmem:$0x1D400] =	vst v63  }
0xae: {  	s21 =	simm.s32 $0xF80  }
0xaf: {  	[tilespmem:s23], [sflag:$0x1] =	stream.indirect.gather [hbm4b:s3+s9], $0x20, s21, s9, $0xb8;
	[tilespmem:$0x1D400] =	vst v63  }
0xb0: {  	s23 =	simm.s32 $0x1000  }
0xb1: {  	[tilespmem:s1], [sflag:$0x1] =	stream.indirect.gather [hbm4b:s3+s9], $0x20, s23, s9, $0xb8;
	[tilespmem:$0x1D400] =	vst v63  }
0xb2: {  	s1 =	simm.s32 $0x1080  }
0xb3: {  	[tilespmem:s12], [sflag:$0x1] =	stream.indirect.gather [hbm4b:s3+s9], $0x20, s1, s9, $0xb8;
	[tilespmem:$0x1D400] =	vst v63  }
0xb4: {  	s15 =	simm.s32 $0x1100  }
0xb5: {  	[tilespmem:s22], [sflag:$0x1] =	stream.indirect.gather [hbm4b:s3+s9], $0x20, s15, s9, $0xb8;
	[tilespmem:$0x1D400] =	vst v63  }
0xb6: {  	s17 =	simm.s32 $0x1180  }
0xb7: {  	[tilespmem:s25], [sflag:$0x1] =	stream.indirect.gather [hbm4b:s3+s9], $0x20, s17, s9, $0xb8;
	[tilespmem:$0x1D400] =	vst v63  }
0xb8: {  	s19 =	simm.s32 $0x1200  }
0xb9: {  	[tilespmem:s26], [sflag:$0x1] =	stream.indirect.gather [hbm4b:s3+s9], $0x20, s19, s9, $0xb8;
	[tilespmem:$0x1D400] =	vst v63  }
0xba: {  	s21 =	simm.s32 $0x1280  }
0xbb: {  	[tilespmem:s16], [sflag:$0x1] =	stream.indirect.gather [hbm4b:s3+s9], $0x20, s21, s9, $0xb8;
	[tilespmem:$0x1D400] =	vst v63  }
0xbc: {  	s22 =	simm.s32 $0x1300  }
0xbd: {  	[tilespmem:s24], [sflag:$0x1] =	stream.indirect.gather [hbm4b:s3+s9], $0x20, s22, s9, $0xb8;
	[tilespmem:$0x1D400] =	vst v63  }
0xbe: {  	_ =	swait.ge [sflag:s14], $0x1000  }
0xbf: {  	[sflag:s14] =	ssyncset.done $0x0  }
0xc0: {  	[sflag:s14] =	ssyncadd.s32 $0xFFFFF000  }
0xc1: {  	_ =	swait.ge [sflag:s14], $0x1000  }
0xc2: {  	[sflag:s14] =	ssyncset.done $0x0  }
0xc3: {  	[sflag:s14] =	ssyncadd.s32 $0xFFFFF000  }
0xc4: {  	_ =	swait.ge [sflag:s14], $0x1000  }
0xc5: {  	[sflag:s14] =	ssyncset.done $0x0  }
0xc6: {  	[sflag:s14] =	ssyncadd.s32 $0xFFFFF000  }
0xc7: {  	_ =	swait.ge [sflag:s14], $0x1000  }
0xc8: {  	[sflag:s14] =	ssyncset.done $0x0  }
0xc9: {  	[sflag:s14] =	ssyncadd.s32 $0xFFFFF000  }
0xca: {  	_ =	swait.ge [sflag:s14], $0x1000  }
0xcb: {  	[sflag:s14] =	ssyncset.done $0x0  }
0xcc: {  	[sflag:s14] =	ssyncadd.s32 $0xFFFFF000  }
0xcd: {  	_ =	swait.ge [sflag:s14], $0x1000  }
0xce: {  	[sflag:s14] =	ssyncset.done $0x0  }
0xcf: {  	[sflag:s14] =	ssyncadd.s32 $0xFFFFF000  }
0xd0: {  	_ =	swait.ge [sflag:s14], $0x1000  }
0xd1: {  	[sflag:s14] =	ssyncset.done $0x0  }
0xd2: {  	[sflag:s14] =	ssyncadd.s32 $0xFFFFF000  }
0xd3: {  	_ =	swait.ge [sflag:s14], $0x1000  }
0xd4: {  	[sflag:s14] =	ssyncset.done $0x0  }
0xd5: {  	[sflag:s14] =	ssyncadd.s32 $0xFFFFF000  }
0xd6: {  	_ =	swait.ge [sflag:s14], $0x1000  }
0xd7: {  	[sflag:s14] =	ssyncset.done $0x0  }
0xd8: {  	[sflag:s14] =	ssyncadd.s32 $0xFFFFF000  }
0xd9: {  	_ =	swait.ge [sflag:s14], $0x1000  }
0xda: {  	[sflag:s14] =	ssyncset.done $0x0  }
0xdb: {  	[sflag:s14] =	ssyncadd.s32 $0xFFFFF000  }
0xdc: {  	_ =	swait.ge [sflag:s14], $0x1000  }
0xdd: {  	[sflag:s14] =	ssyncset.done $0x0  }
0xde: {  	[sflag:s14] =	ssyncadd.s32 $0xFFFFF000  }
0xdf: {  	_ =	swait.ge [sflag:s14], $0x1000  }
0xe0: {  	[sflag:s14] =	ssyncset.done $0x0  }
0xe1: {  	[sflag:s14] =	ssyncadd.s32 $0xFFFFF000  }
0xe2: {  	_ =	swait.ge [sflag:s14], $0x1000  }
0xe3: {  	s23 =	rddreg [dreg:$0x4];
	[sflag:s14] =	ssyncset.done $0x0  }
0xe4: {  	[sflag:s14] =	ssyncadd.s32 $0xFFFFF000;
	s13 =	sadd.s32 $0x0, s23  }
0xe5: {  	[hbm4b:s13+s29] =	stream.linear.scatter [tilespmem:s10], [sflag:$0x2], $0xD000, $0x38;
	[tilespmem:$0x1D400] =	vst v63  }
0xe6: {  	_ =	swait.ge [sflag:s11], $0xD000  }
0xe7: {  	[sflag:s11] =	ssyncset.done $0x0  }
0xe8: {  	s24 =	simm.s32 $0x1380;
	[sflag:s11] =	ssyncadd.s32 $0xFFFF3000  }
0xe9: {  	[tilespmem:s18], [sflag:$0x1] =	stream.indirect.gather [hbm4b:s3+s9], $0x20, s24, s9, $0xb8;
	[tilespmem:$0x1D400] =	vst v63  }
0xea: {  	s25 =	simm.s32 $0x1400;
	s26 =	simm.s32 $0x11400  }
0xeb: {  	[tilespmem:s26], [sflag:$0x1] =	stream.indirect.gather [hbm4b:s3+s9], $0x20, s25, s9, $0xb8;
	[tilespmem:$0x1D400] =	vst v63  }
0xec: {  	s12 =	simm.s32 $0x1480  }
0xed: {  	[tilespmem:s28], [sflag:$0x1] =	stream.indirect.gather [hbm4b:s3+s9], $0x20, s12, s9, $0xb8;
	[tilespmem:$0x1D400] =	vst v63  }
0xee: {  	s15 =	simm.s32 $0x1500  }
0xef: {  	[tilespmem:s20], [sflag:$0x1] =	stream.indirect.gather [hbm4b:s3+s9], $0x20, s15, s9, $0xb8;
	[tilespmem:$0x1D400] =	vst v63  }
0xf0: {  	s16 =	simm.s32 $0x1580  }
0xf1: {  	[tilespmem:s4], [sflag:$0x1] =	stream.indirect.gather [hbm4b:s3+s9], $0x20, s16, s9, $0xb8;
	[tilespmem:$0x1D400] =	vst v63  }
0xf2: {  	s17 =	simm.s32 $0x1600  }
0xf3: {  	[tilespmem:s5], [sflag:$0x1] =	stream.indirect.gather [hbm4b:s3+s9], $0x20, s17, s9, $0xb8;
	[tilespmem:$0x1D400] =	vst v63  }
0xf4: {  	s19 =	simm.s32 $0x1680  }
0xf5: {  	[tilespmem:s6], [sflag:$0x1] =	stream.indirect.gather [hbm4b:s3+s9], $0x20, s19, s9, $0xb8;
	[tilespmem:$0x1D400] =	vst v63  }
0xf6: {  	s20 =	simm.s32 $0x1700  }
0xf7: {  	[tilespmem:s7], [sflag:$0x1] =	stream.indirect.gather [hbm4b:s3+s9], $0x20, s20, s9, $0xb8;
	[tilespmem:$0x1D400] =	vst v63  }
0xf8: {  	s21 =	simm.s32 $0x1780  }
0xf9: {  	[tilespmem:s2], [sflag:$0x1] =	stream.indirect.gather [hbm4b:s3+s9], $0x20, s21, s9, $0xb8;
	[tilespmem:$0x1D400] =	vst v63  }
0xfa: {  	s22 =	simm.s32 $0x1800  }
0xfb: {  	[tilespmem:s30], [sflag:$0x1] =	stream.indirect.gather [hbm4b:s3+s9], $0x20, s22, s9, $0xb8;
	[tilespmem:$0x1D400] =	vst v63  }
0xfc: {  	s23 =	simm.s32 $0x1880  }
0xfd: {  	[tilespmem:s31], [sflag:$0x1] =	stream.indirect.gather [hbm4b:s3+s9], $0x20, s23, s9, $0xb8;
	[tilespmem:$0x1D400] =	vst v63  }
0xfe: {  	s24 =	simm.s32 $0x1900;
	s25 =	simm.s32 $0x1B400  }
0xff: {  	[tilespmem:s25], [sflag:$0x1] =	stream.indirect.gather [hbm4b:s3+s9], $0x20, s24, s9, $0xb8;
	[tilespmem:$0x1D400] =	vst v63  }
0x100: {  	s0 =	simm.s32 $0x1C400;
	s26 =	simm.s32 $0x1980  }
0x101: {  	[tilespmem:s0], [sflag:$0x1] =	stream.indirect.gather [hbm4b:s3+s9], $0x20, s26, s9, $0xb8;
	[tilespmem:$0x1D400] =	vst v63  }
0x102: {  	_ =	swait.ge [sflag:s14], $0x1000  }
0x103: {  	[sflag:s14] =	ssyncset.done $0x0  }
0x104: {  	[sflag:s14] =	ssyncadd.s32 $0xFFFFF000  }
0x105: {  	_ =	swait.ge [sflag:s14], $0x1000  }
0x106: {  	[sflag:s14] =	ssyncset.done $0x0  }
0x107: {  	[sflag:s14] =	ssyncadd.s32 $0xFFFFF000  }
0x108: {  	_ =	swait.ge [sflag:s14], $0x1000  }
0x109: {  	[sflag:s14] =	ssyncset.done $0x0  }
0x10a: {  	[sflag:s14] =	ssyncadd.s32 $0xFFFFF000  }
0x10b: {  	_ =	swait.ge [sflag:s14], $0x1000  }
0x10c: {  	[sflag:s14] =	ssyncset.done $0x0  }
0x10d: {  	[sflag:s14] =	ssyncadd.s32 $0xFFFFF000  }
0x10e: {  	_ =	swait.ge [sflag:s14], $0x1000  }
0x10f: {  	[sflag:s14] =	ssyncset.done $0x0  }
0x110: {  	[sflag:s14] =	ssyncadd.s32 $0xFFFFF000  }
0x111: {  	_ =	swait.ge [sflag:s14], $0x1000  }
0x112: {  	[sflag:s14] =	ssyncset.done $0x0  }
0x113: {  	[sflag:s14] =	ssyncadd.s32 $0xFFFFF000  }
0x114: {  	_ =	swait.ge [sflag:s14], $0x1000  }
0x115: {  	[sflag:s14] =	ssyncset.done $0x0  }
0x116: {  	[sflag:s14] =	ssyncadd.s32 $0xFFFFF000  }
0x117: {  	_ =	swait.ge [sflag:s14], $0x1000  }
0x118: {  	[sflag:s14] =	ssyncset.done $0x0  }
0x119: {  	[sflag:s14] =	ssyncadd.s32 $0xFFFFF000  }
0x11a: {  	_ =	swait.ge [sflag:s14], $0x1000  }
0x11b: {  	[sflag:s14] =	ssyncset.done $0x0  }
0x11c: {  	[sflag:s14] =	ssyncadd.s32 $0xFFFFF000  }
0x11d: {  	_ =	swait.ge [sflag:s14], $0x1000  }
0x11e: {  	s1 =	simm.s32 $0x9400;
	[sflag:s14] =	ssyncset.done $0x0  }
0x11f: {  	s29 =	simm.s32 $0x12400;
	s13 =	simm.s32 $0x3400;
	[sflag:s14] =	ssyncadd.s32 $0xFFFFF000  }
0x120: {  	s12 =	simm.s32 $0xA400;
	s4 =	simm.s32 $0x14400;
	_ =	swait.ge [sflag:s14], $0x1000  }
0x121: {  	s5 =	simm.s32 $0x15400;
	s6 =	simm.s32 $0x16400;
	[sflag:s14] =	ssyncset.done $0x0  }
0x122: {  	s20 =	simm.s32 $0x13400;
	s7 =	simm.s32 $0x17400;
	[sflag:s14] =	ssyncadd.s32 $0xFFFFF000  }
0x123: {  	s2 =	simm.s32 $0x18400;
	s21 =	simm.s32 $0x19400;
	_ =	swait.ge [sflag:s14], $0x1000  }
0x124: {  	s30 =	simm.s32 $0x8400;
	s22 =	simm.s32 $0xB400;
	[sflag:s14] =	ssyncset.done $0x0  }
0x125: {  	s23 =	simm.s32 $0x5400;
	s31 =	simm.s32 $0xD400;
	[sflag:s14] =	ssyncadd.s32 $0xFFFFF000  }
0x126: {  	s24 =	simm.s32 $0x1A400;
	s25 =	simm.s32 $0x6400;
	_ =	swait.ge [sflag:s14], $0x1000  }
0x127: {  	s0 =	simm.s32 $0x11400;
	s28 =	rddreg [dreg:$0x3];
	[sflag:s14] =	ssyncset.done $0x0  }
0x128: {  	s26 =	simm.s32 $0xC400;
	[sflag:s14] =	ssyncadd.s32 $0xFFFFF000;
	s15 =	sadd.s32 $0x0, s28  }
.LBB2_2:
0x129: {  	s16 =	simm.s32 $0x0  }
0x12a: {  	[hbm4b:s15+s16] =	stream.linear.scatter [tilespmem:s18], [sflag:$0x3], $0xD000, $0x38;
	[tilespmem:$0x1D400] =	vst v63  }
0x12b: {  	s15 =	smov.u32 s13;
	_ =	swait.ge [sflag:s8], $0xD000  }
0x12c: {  	s17 =	sshra.s32 s15, $0x2;
	[sflag:s8] =	ssyncset.done $0x0  }
0x12d: {  	s19 =	sadd.s32 $0xD00, s17;
	[sflag:s8] =	ssyncadd.s32 $0xFFFF3000  }
0x12e: {  	[tilespmem:s10], [sflag:$0x1] =	stream.indirect.gather [hbm4b:s3+s9], $0x20, s19, s9, $0xb8;
	[tilespmem:$0x1D400] =	vst v63  }
0x12f: {  	s28 =	simm.s32 $0x4400;
	s19 =	sadd.s32 $0xD80, s17  }
0x130: {  	[tilespmem:s28], [sflag:$0x1] =	stream.indirect.gather [hbm4b:s3+s9], $0x20, s19, s9, $0xb8;
	[tilespmem:$0x1D400] =	vst v63  }
0x131: {  	s19 =	sadd.s32 $0xE00, s17  }
0x132: {  	[tilespmem:s23], [sflag:$0x1] =	stream.indirect.gather [hbm4b:s3+s9], $0x20, s19, s9, $0xb8;
	[tilespmem:$0x1D400] =	vst v63  }
0x133: {  	s19 =	sadd.s32 $0xE80, s17  }
0x134: {  	[tilespmem:s25], [sflag:$0x1] =	stream.indirect.gather [hbm4b:s3+s9], $0x20, s19, s9, $0xb8;
	[tilespmem:$0x1D400] =	vst v63  }
0x135: {  	s28 =	simm.s32 $0x7400;
	s19 =	sadd.s32 $0xF00, s17  }
0x136: {  	[tilespmem:s28], [sflag:$0x1] =	stream.indirect.gather [hbm4b:s3+s9], $0x20, s19, s9, $0xb8;
	[tilespmem:$0x1D400] =	vst v63  }
0x137: {  	s19 =	sadd.s32 $0xF80, s17  }
0x138: {  	[tilespmem:s30], [sflag:$0x1] =	stream.indirect.gather [hbm4b:s3+s9], $0x20, s19, s9, $0xb8;
	[tilespmem:$0x1D400] =	vst v63  }
0x139: {  	s19 =	sadd.s32 $0x1000, s17  }
0x13a: {  	[tilespmem:s1], [sflag:$0x1] =	stream.indirect.gather [hbm4b:s3+s9], $0x20, s19, s9, $0xb8;
	[tilespmem:$0x1D400] =	vst v63  }
0x13b: {  	s19 =	sadd.s32 $0x1080, s17  }
0x13c: {  	[tilespmem:s12], [sflag:$0x1] =	stream.indirect.gather [hbm4b:s3+s9], $0x20, s19, s9, $0xb8;
	[tilespmem:$0x1D400] =	vst v63  }
0x13d: {  	s19 =	sadd.s32 $0x1100, s17  }
0x13e: {  	[tilespmem:s22], [sflag:$0x1] =	stream.indirect.gather [hbm4b:s3+s9], $0x20, s19, s9, $0xb8;
	[tilespmem:$0x1D400] =	vst v63  }
0x13f: {  	s19 =	sadd.s32 $0x1180, s17  }
0x140: {  	[tilespmem:s26], [sflag:$0x1] =	stream.indirect.gather [hbm4b:s3+s9], $0x20, s19, s9, $0xb8;
	[tilespmem:$0x1D400] =	vst v63  }
0x141: {  	s19 =	sadd.s32 $0x1200, s17  }
0x142: {  	[tilespmem:s31], [sflag:$0x1] =	stream.indirect.gather [hbm4b:s3+s9], $0x20, s19, s9, $0xb8;
	[tilespmem:$0x1D400] =	vst v63  }
0x143: {  	s28 =	simm.s32 $0xE400;
	s19 =	sadd.s32 $0x1280, s17  }
0x144: {  	[tilespmem:s28], [sflag:$0x1] =	stream.indirect.gather [hbm4b:s3+s9], $0x20, s19, s9, $0xb8;
	[tilespmem:$0x1D400] =	vst v63  }
0x145: {  	s19 =	sadd.s32 $0x1300, s17;
	s28 =	simm.s32 $0xF400  }
0x146: {  	[tilespmem:s28], [sflag:$0x1] =	stream.indirect.gather [hbm4b:s3+s9], $0x20, s19, s9, $0xb8;
	[tilespmem:$0x1D400] =	vst v63  }
0x147: {  	_ =	swait.ge [sflag:s14], $0x1000  }
0x148: {  	[sflag:s14] =	ssyncset.done $0x0  }
0x149: {  	[sflag:s14] =	ssyncadd.s32 $0xFFFFF000  }
0x14a: {  	_ =	swait.ge [sflag:s14], $0x1000  }
0x14b: {  	[sflag:s14] =	ssyncset.done $0x0  }
0x14c: {  	[sflag:s14] =	ssyncadd.s32 $0xFFFFF000  }
0x14d: {  	_ =	swait.ge [sflag:s14], $0x1000  }
0x14e: {  	[sflag:s14] =	ssyncset.done $0x0  }
0x14f: {  	[sflag:s14] =	ssyncadd.s32 $0xFFFFF000  }
0x150: {  	_ =	swait.ge [sflag:s14], $0x1000  }
0x151: {  	[sflag:s14] =	ssyncset.done $0x0  }
0x152: {  	[sflag:s14] =	ssyncadd.s32 $0xFFFFF000  }
0x153: {  	_ =	swait.ge [sflag:s14], $0x1000  }
0x154: {  	[sflag:s14] =	ssyncset.done $0x0  }
0x155: {  	[sflag:s14] =	ssyncadd.s32 $0xFFFFF000  }
0x156: {  	_ =	swait.ge [sflag:s14], $0x1000  }
0x157: {  	[sflag:s14] =	ssyncset.done $0x0  }
0x158: {  	[sflag:s14] =	ssyncadd.s32 $0xFFFFF000  }
0x159: {  	_ =	swait.ge [sflag:s14], $0x1000  }
0x15a: {  	[sflag:s14] =	ssyncset.done $0x0  }
0x15b: {  	[sflag:s14] =	ssyncadd.s32 $0xFFFFF000  }
0x15c: {  	_ =	swait.ge [sflag:s14], $0x1000  }
0x15d: {  	[sflag:s14] =	ssyncset.done $0x0  }
0x15e: {  	[sflag:s14] =	ssyncadd.s32 $0xFFFFF000  }
0x15f: {  	_ =	swait.ge [sflag:s14], $0x1000  }
0x160: {  	[sflag:s14] =	ssyncset.done $0x0  }
0x161: {  	[sflag:s14] =	ssyncadd.s32 $0xFFFFF000  }
0x162: {  	_ =	swait.ge [sflag:s14], $0x1000  }
0x163: {  	[sflag:s14] =	ssyncset.done $0x0  }
0x164: {  	[sflag:s14] =	ssyncadd.s32 $0xFFFFF000  }
0x165: {  	_ =	swait.ge [sflag:s14], $0x1000  }
0x166: {  	[sflag:s14] =	ssyncset.done $0x0  }
0x167: {  	[sflag:s14] =	ssyncadd.s32 $0xFFFFF000  }
0x168: {  	_ =	swait.ge [sflag:s14], $0x1000  }
0x169: {  	[sflag:s14] =	ssyncset.done $0x0  }
0x16a: {  	[sflag:s14] =	ssyncadd.s32 $0xFFFFF000  }
0x16b: {  	_ =	swait.ge [sflag:s14], $0x1000  }
0x16c: {  	s19 =	rddreg [dreg:$0x4];
	[sflag:s14] =	ssyncset.done $0x0  }
0x16d: {  	[sflag:s14] =	ssyncadd.s32 $0xFFFFF000;
	s19 =	sadd.s32 s15, s19  }
0x16e: {  	[hbm4b:s19+s16] =	stream.linear.scatter [tilespmem:s10], [sflag:$0x2], $0xD000, $0x38;
	[tilespmem:$0x1D400] =	vst v63  }
0x16f: {  	_ =	swait.ge [sflag:s11], $0xD000  }
0x170: {  	[sflag:s11] =	ssyncset.done $0x0  }
0x171: {  	s16 =	sadd.s32 $0x1380, s17;
	[sflag:s11] =	ssyncadd.s32 $0xFFFF3000  }
0x172: {  	[tilespmem:s18], [sflag:$0x1] =	stream.indirect.gather [hbm4b:s3+s9], $0x20, s16, s9, $0xb8;
	[tilespmem:$0x1D400] =	vst v63  }
0x173: {  	s16 =	sadd.s32 $0x1400, s17  }
0x174: {  	[tilespmem:s0], [sflag:$0x1] =	stream.indirect.gather [hbm4b:s3+s9], $0x20, s16, s9, $0xb8;
	[tilespmem:$0x1D400] =	vst v63  }
0x175: {  	s16 =	sadd.s32 $0x1480, s17  }
0x176: {  	[tilespmem:s29], [sflag:$0x1] =	stream.indirect.gather [hbm4b:s3+s9], $0x20, s16, s9, $0xb8;
	[tilespmem:$0x1D400] =	vst v63  }
0x177: {  	s16 =	sadd.s32 $0x1500, s17  }
0x178: {  	[tilespmem:s20], [sflag:$0x1] =	stream.indirect.gather [hbm4b:s3+s9], $0x20, s16, s9, $0xb8;
	[tilespmem:$0x1D400] =	vst v63  }
0x179: {  	s16 =	sadd.s32 $0x1580, s17  }
0x17a: {  	[tilespmem:s4], [sflag:$0x1] =	stream.indirect.gather [hbm4b:s3+s9], $0x20, s16, s9, $0xb8;
	[tilespmem:$0x1D400] =	vst v63  }
0x17b: {  	s16 =	sadd.s32 $0x1600, s17  }
0x17c: {  	[tilespmem:s5], [sflag:$0x1] =	stream.indirect.gather [hbm4b:s3+s9], $0x20, s16, s9, $0xb8;
	[tilespmem:$0x1D400] =	vst v63  }
0x17d: {  	s16 =	sadd.s32 $0x1680, s17  }
0x17e: {  	[tilespmem:s6], [sflag:$0x1] =	stream.indirect.gather [hbm4b:s3+s9], $0x20, s16, s9, $0xb8;
	[tilespmem:$0x1D400] =	vst v63  }
0x17f: {  	s16 =	sadd.s32 $0x1700, s17  }
0x180: {  	[tilespmem:s7], [sflag:$0x1] =	stream.indirect.gather [hbm4b:s3+s9], $0x20, s16, s9, $0xb8;
	[tilespmem:$0x1D400] =	vst v63  }
0x181: {  	s16 =	sadd.s32 $0x1780, s17  }
0x182: {  	[tilespmem:s2], [sflag:$0x1] =	stream.indirect.gather [hbm4b:s3+s9], $0x20, s16, s9, $0xb8;
	[tilespmem:$0x1D400] =	vst v63  }
0x183: {  	s16 =	sadd.s32 $0x1800, s17  }
0x184: {  	[tilespmem:s21], [sflag:$0x1] =	stream.indirect.gather [hbm4b:s3+s9], $0x20, s16, s9, $0xb8;
	[tilespmem:$0x1D400] =	vst v63  }
0x185: {  	s16 =	sadd.s32 $0x1880, s17  }
0x186: {  	[tilespmem:s24], [sflag:$0x1] =	stream.indirect.gather [hbm4b:s3+s9], $0x20, s16, s9, $0xb8;
	[tilespmem:$0x1D400] =	vst v63  }
0x187: {  	s19 =	sadd.s32 $0x1900, s17;
	s16 =	simm.s32 $0x1B400  }
0x188: {  	[tilespmem:s16], [sflag:$0x1] =	stream.indirect.gather [hbm4b:s3+s9], $0x20, s19, s9, $0xb8;
	[tilespmem:$0x1D400] =	vst v63  }
0x189: {  	s17 =	sadd.s32 $0x1980, s17;
	s19 =	simm.s32 $0x1C400  }
0x18a: {  	[tilespmem:s19], [sflag:$0x1] =	stream.indirect.gather [hbm4b:s3+s9], $0x20, s17, s9, $0xb8;
	[tilespmem:$0x1D400] =	vst v63  }
0x18b: {  	_ =	swait.ge [sflag:s14], $0x1000  }
0x18c: {  	[sflag:s14] =	ssyncset.done $0x0  }
0x18d: {  	[sflag:s14] =	ssyncadd.s32 $0xFFFFF000  }
0x18e: {  	_ =	swait.ge [sflag:s14], $0x1000  }
0x18f: {  	[sflag:s14] =	ssyncset.done $0x0  }
0x190: {  	[sflag:s14] =	ssyncadd.s32 $0xFFFFF000  }
0x191: {  	_ =	swait.ge [sflag:s14], $0x1000  }
0x192: {  	[sflag:s14] =	ssyncset.done $0x0  }
0x193: {  	[sflag:s14] =	ssyncadd.s32 $0xFFFFF000  }
0x194: {  	_ =	swait.ge [sflag:s14], $0x1000  }
0x195: {  	[sflag:s14] =	ssyncset.done $0x0  }
0x196: {  	[sflag:s14] =	ssyncadd.s32 $0xFFFFF000  }
0x197: {  	_ =	swait.ge [sflag:s14], $0x1000  }
0x198: {  	[sflag:s14] =	ssyncset.done $0x0  }
0x199: {  	[sflag:s14] =	ssyncadd.s32 $0xFFFFF000  }
0x19a: {  	_ =	swait.ge [sflag:s14], $0x1000  }
0x19b: {  	[sflag:s14] =	ssyncset.done $0x0  }
0x19c: {  	[sflag:s14] =	ssyncadd.s32 $0xFFFFF000  }
0x19d: {  	_ =	swait.ge [sflag:s14], $0x1000  }
0x19e: {  	[sflag:s14] =	ssyncset.done $0x0  }
0x19f: {  	[sflag:s14] =	ssyncadd.s32 $0xFFFFF000  }
0x1a0: {  	_ =	swait.ge [sflag:s14], $0x1000  }
0x1a1: {  	[sflag:s14] =	ssyncset.done $0x0  }
0x1a2: {  	[sflag:s14] =	ssyncadd.s32 $0xFFFFF000  }
0x1a3: {  	_ =	swait.ge [sflag:s14], $0x1000  }
0x1a4: {  	[sflag:s14] =	ssyncset.done $0x0  }
0x1a5: {  	[sflag:s14] =	ssyncadd.s32 $0xFFFFF000  }
0x1a6: {  	_ =	swait.ge [sflag:s14], $0x1000  }
0x1a7: {  	[sflag:s14] =	ssyncset.done $0x0  }
0x1a8: {  	[sflag:s14] =	ssyncadd.s32 $0xFFFFF000  }
0x1a9: {  	_ =	swait.ge [sflag:s14], $0x1000  }
0x1aa: {  	[sflag:s14] =	ssyncset.done $0x0  }
0x1ab: {  	[sflag:s14] =	ssyncadd.s32 $0xFFFFF000  }
0x1ac: {  	p0 =	sne.s32 s13, $0x6800;
	_ =	swait.ge [sflag:s14], $0x1000  }
.Ltmp0:
0x1ad: {  	[sflag:s14] =	ssyncset.done $0x0;
	(pc) =	sbr.rel @p0 .LBB2_2-.Ltmp0, $4  }
0x1ae: {  	[sflag:s14] =	ssyncadd.s32 $0xFFFFF000  }
0x1af: {  	_ =	swait.ge [sflag:s14], $0x1000  }
0x1b0: {  	s13 =	sadd.s32 $0x3400, s13;
	[sflag:s14] =	ssyncset.done $0x0;
	s19 =	rddreg [dreg:$0x3]  }
0x1b1: {  	s28 =	simm.s32 $0x0;
	[sflag:s14] =	ssyncadd.s32 $0xFFFFF000;
	s15 =	sadd.s32 s15, s19  }
0x1b2: {  	[hbm4b:s15+s28] =	stream.linear.scatter [tilespmem:s18], [sflag:$0x3], $0xD000, $0x38;
	[tilespmem:$0x1D400] =	vst v63  }
0x1b3: {  	_ =	swait.ge [sflag:s8], $0xD000  }
0x1b4: {  	s15 =	simm.s32 $0x4400;
	[sflag:s8] =	ssyncset.done $0x0  }
0x1b5: {  	s17 =	simm.s32 $0x5400;
	s19 =	simm.s32 $0x6400;
	[sflag:s8] =	ssyncadd.s32 $0xFFFF3000  }
0x1b6: {  	s21 =	simm.s32 $0x7400;
	s23 =	simm.s32 $0x8400;
	_ =	swait.ge [sflag:s11], $0xD000  }
0x1b7: {  	s1 =	simm.s32 $0x9400;
	s12 =	simm.s32 $0xA400;
	s29 =	rddreg [dreg:$0x9]  }
0x1b8: {  	s22 =	simm.s32 $0xB400;
	s13 =	rddreg [dreg:$0x8];
	s29 =	sadd.s32 $0x1, s29  }
0x1b9: {  	s25 =	simm.s32 $0xC400;
	s26 =	simm.s32 $0xD400;
	p0 =	sne.s32 s29, s13  }
.Ltmp1:
0x1ba: {  	s16 =	simm.s32 $0xE400;
	s24 =	simm.s32 $0xF400;
	(pc) =	sbr.rel @p0 .LBB2_1-.Ltmp1, $4  }
0x1bb: {  	s0 =	simm.s32 $0x11400;
	s28 =	simm.s32 $0x12400;
	s20 =	simm.s32 $0x13400  }
0x1bc: {  	s4 =	simm.s32 $0x14400;
	s5 =	simm.s32 $0x15400;
	s6 =	simm.s32 $0x16400  }
0x1bd: {  	s7 =	simm.s32 $0x17400;
	s2 =	simm.s32 $0x18400;
	[sflag:s11] =	ssyncset.done $0x0  }
0x1be: {  	s30 =	simm.s32 $0x19400;
	s31 =	simm.s32 $0x1A400;
	[sflag:s11] =	ssyncadd.s32 $0xFFFF3000  }
0x1bf: {  	_ =	sfence.sel $0x180000  }
0x1c0: {  	[bflag:$0x0] =	sbarrier.arrive $0xFFFF  }
0x1c1: {  	_ =	strace $0x90000047  }
0x1c2: {  	s0 =	stileid.u32;
	[bflag:$0x2] =	sbarrier.arrive $0xFFFF  }
0x1c3: {  	p0 =	sne.s32 s0, $0x0;
	s0 =	rddreg [dreg:$0x2]  }
0x1c4: {  	s0 =	sadd.s32 @!p0 $0x100000, s0  }
0x1c5: {  	[sflag:s0] =	ssyncadd.tile.s32 @!p0 $0x1;
	_ =	shalt  }
.Lfunc_end2:
_tile_overlayer_lowered:
.L_overlay_start_2:
0x1c6: {  	(tag) =	ssettag $0x2  }
0x1c7: {  	s0 =	rddreg [dreg:$0x0];
	s2 =	stileid.u32  }
0x1c8: {  	s1 =	rddreg [dreg:$0x1];
	p0 =	sne.s32 s2, $0x0  }
0x1c9: {  	s3 =	rddreg [dreg:$0x2];
	[bflag:$0x3] =	sbarrier.arrive $0xFFFF;
	s2 =	simm.s32 @!p0 $0x1C04  }
0x1ca: {  	[timem:s3], [sflag:s2] =	dma.local @!p0 [hbm:s0], s1  }
0x1cb: {  	s0 =	simm.s32 @!p0 $0x4  }
0x1cc: {  	_ =	swait.ge @!p0 [sflag:s0], s1  }
0x1cd: {  	s1 =	ssub.s32 @!p0 $0x0, s1;
	[sflag:s0] =	ssyncset.done @!p0 $0x0  }
0x1ce: {  	[sflag:s0] =	ssyncadd.s32 @!p0 s1  }
0x1cf: {  	[bflag:$0x3] =	sbarrier.arrive $0xFFFF  }
0x1d0: {  	_ =	shalt  }

// kernel: sparse-core-data-format-call.cloned.1.call-start
scs
called_computation_lowered:
.L_overlay_start_0:
0x0: {  	s2 =	sld [smem:$0x3FD9]  }
0x1: {  	s3 =	sld [smem:$0x3FFE];
	_ =	sdelay $0x1  }
0x2: {  	s1 =	srdreg.scid  }
0x3: {  	s0 =	sand.u32 $0x1, s1  }
0x4: {  	s18 =	sshll.u32 s0, $0xA;
	s2 =	sadd.s32 s3, s2  }
0x5: {  	s2 =	sadd.s32 s2, s18  }
0x6: {  	[smem:$0x3FC6] =	sst s2  }
0x7: {  	_ = 	snop  }
0x8: {  	s2 =	sld [smem:$0x3FD0];
	(tm) =	ssettm $0x1  }
0x9: {  	s19 =	sld [smem:$0x3FFB];
	_ =	sdelay $0x3  }
0xa: {  	_ =	strace s19  }
0xb: {  	s3 =	sld [smem:$0x3FFC];
	_ =	sdelay $0x3  }
0xc: {  	_ =	strace s3  }
0xd: {  	s3 =	sld [smem:$0x3FFD];
	_ =	sdelay $0x3  }
0xe: {  	_ =	strace s3  }
0xf: {  	_ =	strace $0x8FFFFFFF  }
0x10: {  	s20 =	sld [smem:$0x3FDB];
	_ =	sdelay $0x1  }
0x11: {  	s4 =	simm.s32 $_scs_section_size  }
0x12: {  	s5 =	simm.s32 $_size__tile_overlayer_lowered;
	s6 =	simm.s32 $_tile_overlayer_lowered  }
0x13: {  	s23 =	simm.s32 $0x1BFF;
	s22 =	sshll.u32 s6, $0x1;
	s3 =	sadd.s32 s4, s20  }
0x14: {  	s7 =	simm.s32 $0x0;
	s21 =	sshll.u32 s5, $0x1;
	s5 =	sadd.s32 s22, s3  }
0x15: {  	[timem:s7], [sflag:s23] =	dma.local [hbm:s5], s21  }
0x16: {  	_ =	swait.ge [sflag:s23], s21  }
0x17: {  	s4 =	ssub.s32 $0x0, s21;
	[sflag:s23] =	ssyncset.done $0x0  }
0x18: {  	[sflag:s23] =	ssyncadd.s32 s4;
	_ =	sdelay $0x1  }
0x19: {  	s24 =	simm.s32 $0x1B8B  }
0x1a: {  	_ =	swait.ge [sflag:s24], $0x1  }
0x1b: {  	[sflag:s24] =	ssyncset.done $0x0  }
0x1c: {  	s26 =	simm.s32 $0x1B8E;
	s25 =	sld [smem:$0x3FFE];
	[sflag:s24] =	ssyncadd.s32 $0xFFFFFFFF  }
0x1d: {  	s27 =	simm.s32 $execute0_lowered;
	[smem:$0x3FD2] =	sst s26  }
0x1e: {  	s5 =	sshll.u32 s27, $0x1;
	_ =	strace $0x80000049;
	[dreg:$0x1] =	wrdreg $0xFFFFFFFF  }
0x1f: {  	s28 =	simm.s32 $_size_execute0_lowered;
	s3 =	sadd.s32 s3, s5;
	[dreg:$0x0] =	wrdreg $0x0  }
0x20: {  	s5 =	sshll.u32 s28, $0x1;
	[dreg:$0x2] =	wrdreg s3  }
0x21: {  	[dreg:$0x3] =	wrdreg s5  }
0x22: {  	[dreg:$0x4] =	wrdreg $0xC0  }
0x23: {  	_ =	task [dreg:s7], $0x5FFFF  }
0x24: {  	[dreg:$0x1] =	wrdreg $0xFFFFFFFF  }
0x25: {  	[dreg:$0x0] =	wrdreg $0x60  }
0x26: {  	[dreg:$0x2] =	wrdreg s25  }
0x27: {  	[dreg:$0x3] =	wrdreg s2  }
0x28: {  	[dreg:$0x4] =	wrdreg $0x9  }
0x29: {  	_ =	task.clear_ibuf [dreg:s7], $0x5FFFF;
	_ =	strace $0x90000049  }
0x2a: {  	s29 =	simm.s32 $0x9;
	_ =	strace $0x8000004B  }
0x2b: {  	_ =	swait.ge [sflag:s29], $0x1  }
0x2c: {  	[sflag:s29] =	ssyncadd.s32 $0xFFFFFFFF  }
0x2d: {  	_ =	strace $0x9000004B  }
0x2e: {  	_ =	sfence  }
0x2f: {  	s30 =	sld [smem:$0x0];
	_ =	sdelay $0x2  }
0x30: {  	s31 =	sshll.u32 s1, $0xD;
	s1 =	sshrl.u32 s1, $0x2  }
0x31: {  	s3 =	sand.u32 $0x4000, s31;
	s1 =	sadd.s32 s1, s30  }
0x32: {  	s0 =	sor.u32 s3, s0;
	s1 =	sshll.u32 s1, $0x11  }
0x33: {  	s0 =	sor.u32 s1, s0  }
0x34: {  	s0 =	sadd.s32 $0x8F2B, s0  }
0x35: {  	[sflag:s0] =	ssyncadd.remote.s32 $0x1  }
0x36: {  	_ =	sfence.sel $0xFFFF  }
0x37: {  	[dreg:$0x0] =	wrdreg $0xFFFFFFFF;
	(pc) =	sbr.abs _section_cstart, $3  }
0x38: {  	[dreg:$0x1] =	wrdreg $0xFFFFFFFF  }
0x39: {  	_ =	task.clear_ibuf [dreg:s7], $0x2FFFF;
	_ =	strace $0x9FFFFFFF  }
0x3a: {  	(tm) =	ssettm $0x7FFFFFFF  }
0x3b: {  	_ =	shalt  }
tec
execute0_lowered:
.L_overlay_start_1:
0x0: {  	(tag) =	ssettag $0x1  }
0x1: {  	s0 =	srdreg.scid  }
0x2: {  	s1 =	sshll.u32 s0, $0x4  }
0x3: {  	s0 =	stileid.u32;
	s1 =	sand.u32 $0x10, s1  }
0x4: {  	s1 =	sor.u32 s0, s1  }
0x5: {  	s6 =	rddreg [dreg:$0x0];
	s4 =	simm.s32 $0x1;
	s2 =	sshll.u32 s1, $0x7  }
0x6: {  	s7 =	simm.s32 $0x2;
	s12 =	simm.s32 $0x0;
	s1 =	ssub.s32 $0x4000, s2  }
0x7: {  	s8 =	simm.s32 $0x20000;
	s13 =	simm.s32 $0x0;
	s3 =	sand.u32 $0xF80, s1  }
0x8: {  	s9 =	simm.s32 $0x0;
	s5 =	sshrl.u32 s1, $0xC;
	p0 =	sne.s32 s3, $0x0  }
.Ltmp0:
0x9: {  	s1 =	rddreg [dreg:$0x2];
	s4 =	simm.s32 @!p0 $0x0;
	(pc) =	sbr.rel .LBB1_1-.Ltmp0, $4  }
0xa: {  	s11 =	simm.s32 $0x0;
	s3 =	rddreg [dreg:$0x1];
	s5 =	sadd.s32 s4, s5  }
0xb: {  	_ =	strace $0x8000004A;
	s4 =	simm.s32 $0x1;
	s5 =	smul.u32 $0x1A, s5  }
0xc: {  	s6 =	sadd.s32 $0xA00, s6;
	s10 =	smov.u32 s2;
	[sflag:s4] =	ssyncpa.u1 $0x0  }
0xd: {  	p0 =	por $0x0, $0x0;
	[sflag:s7] =	ssyncpa.u1 $0x0;
	s7 =	sor.u32 $0x1, s5  }
.LBB1_4:
0xe: {  	s16 =	sshll.u32 s13, $0x3;
	s17 =	sand.u32 $0x78, s13  }
0xf: {  	s30 =	sand.u32 $0xF800, s13;
	s12 =	sshll.u32 s12, $0x10;
	s16 =	sand.u32 $0x3C00, s16  }
0x10: {  	s31 =	sand.u32 $0x7, s13;
	s16 =	sor.u32 s17, s16;
	s17 =	sadd.s32 s3, s30  }
0x11: {  	s13 =	sshll.u32 s31, $0x12;
	s16 =	sshrl.u32 s16, $0x3;
	s12 =	sadd.s32 s12, s17  }
0x12: {  	[tilespmem:s15+$0x0 ss:$0x81] =	vst.msk $0xffff, v0;
	s13 =	sor.u32 $0x400, s13;
	s12 =	sadd.s32 s16, s12  }
0x13: {  	[hbm4b:s12+s13] =	stream.strided.scatter [tilespmem:s14], [sflag:$0x2], $0x1000, s8, s13, $0x20;
	[tilespmem:$0x4040] =	vst v63  }
.LBB1_5:
0x14: {  	s14 =	sadd.s32 $0x1, s9  }
0x15: {  	s12 =	sadd.s32 $0x1000, s10;
	s16 =	smov.u32 s10;
	p2 =	sgt.s32 s14, $0x19  }
0x16: {  	s16 =	smov.u32 @p2 s12  }
0x17: {  	s14 =	simm.s32 @p2 $0x0;
	p2 =	sgt.s32 s16, $0x3FFF  }
0x18: {  	s16 =	smov.u32 @p2 s2;
	p2 =	sne.s32 s11, s7  }
.Ltmp1:
0x19: {  	p1 =	slt.u32 s11, $0x2;
	(pc) =	sbr.rel @!p2 .LBB1_6-.Ltmp1, $4  }
0x1a: {  	s15 =	simm.s32 @!p1 $0x2  }
0x1b: {  	s13 =	smov.u32 s10;
	p0 =	por !p0, !p0;
	_ =	swait.ge @!p1 [sflag:s15], $0x1000  }
0x1c: {  	s12 =	smov.u32 s9;
	[sflag:s15] =	ssyncset.done @!p1 $0x0;
	s9 =	smov.u32 s14  }
0x1d: {  	s11 =	sadd.s32 $0x1, s11;
	[sflag:s15] =	ssyncadd.s32 @!p1 $0xFFFFF000;
	s10 =	smov.u32 s16  }
.LBB1_1:
0x1e: {  	p1 =	sge.u32 s11, s5  }
0x1f: {  	s31 =	sadd.s32 $0xFFFFFFFF, s11;
	s14 =	sxor.u32 @!p1 $0xFFFFFFFF, s11  }
0x20: {  	s15 =	sshll.u32 @!p1 s10, $0x9;
	s16 =	sshll.u32 @!p1 s9, $0x4;
	s17 =	simm.s32 @!p1 $0x1000  }
0x21: {  	s14 =	sshll.u32 @!p1 s14, $0xC;
	s16 =	sand.u32 @!p1 $0x1F0, s16;
	s15 =	sadd.s32 @!p1 s6, s15  }
0x22: {  	s14 =	sand.u32 @!p1 $0x1000, s14;
	s15 =	sadd.s32 @!p1 s16, s15;
	s16 =	simm.s32 @!p1 $0x20  }
0x23: {  	[tilespmem:s14], [sflag:$0x1] =	stream.strided.gather @!p1 [hbm4b:s15+s16], $0x1000, s17, s16, $0x38;
	[tilespmem:$0x4040] =	vst v63  }
0x24: {  	p1 =	sge.u32 s31, s5  }
.Ltmp2:
0x25: {  	_ = 	snop;
	(pc) =	sbr.rel @p1 .LBB1_5-.Ltmp2, $1  }
0x26: {  	_ =	sdelay $0x3  }
0x27: {  	s14 =	simm.s32 $0x1  }
0x28: {  	_ =	swait.ge [sflag:s4], $0x1000;
	s14 =	simm.s32 @!p0 $0x0  }
0x29: {  	[sflag:s4] =	ssyncset.done $0x0;
	s15 =	sshll.u32 s14, $0xC  }
0x2a: {  	[sflag:s4] =	ssyncadd.s32 $0xFFFFF000;
	s18 =	sor.u32 $0x10, s15  }
0x2b: {  	s14 =	smul.u32 $0x4080, s14;
	v1 =	vld [tilespmem:s18+$0x0]  }
0x2c: {  	s30 =	sand.u32 $0x1, s11;
	v0 =	vld [tilespmem:s18+$0xFFFFFFF0]  }
0x2d: {  	s15 =	smul.u32 $0x4080, s30;
	s14 =	sshrl.u32 s14, $0x2  }
0x2e: {  	s16 =	sor.u32 $0x2000, s14  }
0x2f: {  	s31 =	sshrl.u32 s15, $0x2;
	s15 =	sadd.s32 $0x0, s16  }
0x30: {  	s17 =	simm.s32 $0x4;
	s18 =	sadd.s32 $0x20, s18;
	s14 =	sor.u32 $0x2000, s31;
	[tilespmem:s15+$0x810 ss:$0x81] =	vst.msk $0xffff, v1  }
.LBB1_3:
0x31: {  	v1 =	vld [tilespmem:s18+$0x0];
	p1 =	sne.s32 s17, $0x1FC;
	[tilespmem:s15+$0x0 ss:$0x81] =	vst.msk $0xffff, v0;
	s15 =	smov.u32 s17;
	s17 =	sadd.s32 $0x4, s17  }
.Ltmp3:
0x32: {  	v0 =	vld [tilespmem:s18+$0xFFFFFFF0];
	(pc) =	sbr.rel @p1 .LBB1_3-.Ltmp3, $4  }
0x33: {  	_ = 	snop  }
0x34: {  	s15 =	sshra.s32 s15, $0x2  }
0x35: {  	s15 =	sadd.s32 s15, s16  }
0x36: {  	s18 =	sadd.s32 $0x20, s18;
	[tilespmem:s15+$0x810 ss:$0x81] =	vst.msk $0xffff, v1  }
.Ltmp4:
0x37: {  	_ = 	snop;
	(pc) =	sbr.rel .LBB1_4-.Ltmp4, $1  }
0x38: {  	_ =	sdelay $0x3  }
.LBB1_6:
0x39: {  	_ =	sfence.sel $0x180000  }
0x3a: {  	s2 =	simm.s32 $0x1;
	[bflag:$0x0] =	sbarrier.arrive $0xFFFF  }
0x3b: {  	s31 =	simm.s32 $0x2;
	[sflag:s2] =	ssyncpa.u1 $0x1  }
0x3c: {  	[sflag:s31] =	ssyncpa.u1 $0x1  }
0x3d: {  	p0 =	sne.s32 s0, $0x0;
	_ =	strace $0x9000004A  }
0x3e: {  	s0 =	sadd.s32 @!p0 $0x100000, s1;
	[bflag:$0x2] =	sbarrier.arrive $0xFFFF  }
0x3f: {  	[sflag:s0] =	ssyncadd.tile.s32 @!p0 $0x1;
	_ =	shalt  }
.Lfunc_end1:
_tile_overlayer_lowered:
.L_overlay_start_2:
0x40: {  	(tag) =	ssettag $0x2  }
0x41: {  	s0 =	rddreg [dreg:$0x0];
	s2 =	stileid.u32  }
0x42: {  	s1 =	rddreg [dreg:$0x1];
	p0 =	sne.s32 s2, $0x0  }
0x43: {  	s3 =	rddreg [dreg:$0x2];
	[bflag:$0x3] =	sbarrier.arrive $0xFFFF;
	s2 =	simm.s32 @!p0 $0x1C01  }
0x44: {  	[timem:s3], [sflag:s2] =	dma.local @!p0 [hbm:s0], s1  }
0x45: {  	s0 =	simm.s32 @!p0 $0x1  }
0x46: {  	_ =	swait.ge @!p0 [sflag:s0], s1  }
0x47: {  	s1 =	ssub.s32 @!p0 $0x0, s1;
	[sflag:s0] =	ssyncset.done @!p0 $0x0  }
0x48: {  	[sflag:s0] =	ssyncadd.s32 @!p0 s1  }
0x49: {  	[bflag:$0x3] =	sbarrier.arrive $0xFFFF  }
0x4a: {  	_ =	shalt  }

</sc_bundles>
